<compile_context>
chip_gen: v7x
topology: tpu7x:2x2x1
jax: 0.10.2.dev20260603
libtpu: 0.0.44.dev20260713+nightly
codegen_flags: <defaults>
</compile_context>

<pallas_src>
import functools

import jax
import jax.numpy as jnp
from jax import lax
from jax.experimental import pallas as pl
from jax.experimental.pallas import tpu as pltpu
from jax.experimental.pallas import tpu_sc as plsc

_N = 10000
_E = 320000
_C = 4
_NFEAT = 128
_HID = 8
_F = _C * _HID
_NCLASS = 32
_ALPHA = 0.2

_NCORE = 2
_NSUB = 16
_NW = _NCORE * _NSUB
_EPW = _E // _NW
_CHUNK = 80
_NCHUNK = _EPW // _CHUNK
_DEPTH = 5
_NTRIP = _NCHUNK // _DEPTH
_NPAD = 10240
_RPT = _NPAD // _NSUB
_DEGW = 16
_HROWS = _NPAD // _NW



def _sc_pass_body(with_deg, *refs):
    if with_deg:
        (table, edge, z32, z16, ones_h,
         outp, degp,
         src_v, dst_ring, rows_v, ones_v, acc_sh, deg_sh, *sems) = refs
    else:
        (table, edge, z32,
         outp,
         src_v, dst_ring, rows_v, acc_sh, *sems) = refs
    gsem = sems[:_DEPTH]
    isem = sems[_DEPTH:2 * _DEPTH]
    dsem = sems[2 * _DEPTH:]

    c = lax.axis_index("c")
    s = lax.axis_index("s")
    wid = c * _NSUB + s
    e0 = wid * _EPW

    pltpu.sync_copy(edge.at[0, pl.ds(e0, _EPW)], src_v)

    r0 = s * _RPT
    pltpu.sync_copy(z32.at[pl.ds(r0, _RPT)], acc_sh.at[pl.ds(r0, _RPT)])
    if with_deg:
        pltpu.sync_copy(z16.at[pl.ds(r0, _RPT)], deg_sh.at[pl.ds(r0, _RPT)])
        pltpu.sync_copy(ones_h, ones_v)
    plsc.subcore_barrier()

    for b in range(_DEPTH):
        pltpu.async_copy(
            edge.at[1, pl.ds(e0 + b * _CHUNK, _CHUNK)], dst_ring.at[b],
            isem[b])
        pltpu.async_copy(
            table.at[src_v.at[pl.ds(b * _CHUNK, _CHUNK)]], rows_v.at[b],
            gsem[b])

    def trip(t, carry):
        base = t * _DEPTH
        for b in range(_DEPTH):
            i = base + b
            pltpu.make_async_copy(
                edge.at[1, pl.ds(e0 + i * _CHUNK, _CHUNK)], dst_ring.at[b],
                isem[b]).wait()
            if with_deg:
                pltpu.async_copy(
                    ones_v, deg_sh.at[dst_ring.at[b]], dsem[b], add=True)
            pltpu.make_async_copy(
                table.at[src_v.at[pl.ds(i * _CHUNK, _CHUNK)]], rows_v.at[b],
                gsem[b]).wait()
            pltpu.sync_copy(rows_v.at[b], acc_sh.at[dst_ring.at[b]], add=True)
            if with_deg:
                pltpu.make_async_copy(
                    ones_v, deg_sh.at[dst_ring.at[b]], dsem[b]).wait()

            @pl.when(t < _NTRIP - 1)
            def _():
                j = i + _DEPTH
                pltpu.async_copy(
                    edge.at[1, pl.ds(e0 + j * _CHUNK, _CHUNK)], dst_ring.at[b],
                    isem[b])
                pltpu.async_copy(
                    table.at[src_v.at[pl.ds(j * _CHUNK, _CHUNK)]],
                    rows_v.at[b], gsem[b])
        return carry

    lax.fori_loop(0, _NTRIP, trip, 0)
    plsc.subcore_barrier()

    pltpu.sync_copy(acc_sh.at[pl.ds(r0, _RPT)], outp.at[c, pl.ds(r0, _RPT)])
    if with_deg:
        pltpu.sync_copy(deg_sh.at[pl.ds(r0, _RPT)], degp.at[c, pl.ds(r0, _RPT)])


def _make_sc_pass(with_deg):
    mesh = plsc.VectorSubcoreMesh(core_axis_name="c", subcore_axis_name="s")
    out_type = [jax.ShapeDtypeStruct((_NCORE, _NPAD, _F), jnp.float32)]
    scratch = [
        pltpu.VMEM((_EPW,), jnp.int32),
        pltpu.VMEM((_DEPTH, _CHUNK), jnp.int32),
        pltpu.VMEM((_DEPTH, _CHUNK, _F), jnp.float32),
    ]
    if with_deg:
        out_type.append(jax.ShapeDtypeStruct((_NCORE, _NPAD, _DEGW), jnp.float32))
        scratch.append(pltpu.VMEM((_CHUNK, _DEGW), jnp.float32))
    scratch.append(pltpu.VMEM_SHARED((_NPAD, _F), jnp.float32))
    if with_deg:
        scratch.append(pltpu.VMEM_SHARED((_NPAD, _DEGW), jnp.float32))
    nsem = 3 * _DEPTH if with_deg else 2 * _DEPTH
    scratch.extend([pltpu.SemaphoreType.DMA] * nsem)

    return pl.kernel(
        functools.partial(_sc_pass_body, with_deg),
        mesh=mesh,
        out_type=out_type if with_deg else out_type[0],
        scratch_types=scratch,
        compiler_params=pltpu.CompilerParams(use_tc_tiling_on_sc=False),
    )


def _sc_h_body(p1, degp, zp, h_out, p0v, p1v, d0v, d1v, zv, hv):
    c = lax.axis_index("c")
    s = lax.axis_index("s")
    w = c * _NSUB + s
    r0 = w * _HROWS
    pltpu.sync_copy(p1.at[0, pl.ds(r0, _HROWS)], p0v)
    pltpu.sync_copy(p1.at[1, pl.ds(r0, _HROWS)], p1v)
    pltpu.sync_copy(degp.at[0, pl.ds(r0, _HROWS)], d0v)
    pltpu.sync_copy(degp.at[1, pl.ds(r0, _HROWS)], d1v)
    pltpu.sync_copy(zp.at[pl.ds(r0, _HROWS)], zv)

    def rows(g, carry):
        for u in range(4):
            r = 4 * g + u
            rdeg = 1.0 / jnp.maximum(d0v[r] + d1v[r], 1.0)
            for half in range(2):
                sl = pl.ds(16 * half, 16)
                t = (p0v[r, sl] + p1v[r, sl]) * rdeg + zv[r, sl]
                hv[r, sl] = jnp.where(t > 0.0, t, _ALPHA * (jnp.exp(t) - 1.0))
        return carry

    lax.fori_loop(0, _HROWS // 4, rows, 0)
    pltpu.sync_copy(hv, h_out.at[pl.ds(r0, _HROWS)])


def _make_sc_h():
    mesh = plsc.VectorSubcoreMesh(core_axis_name="c", subcore_axis_name="s")
    scratch = [
        pltpu.VMEM((_HROWS, _F), jnp.float32),
        pltpu.VMEM((_HROWS, _F), jnp.float32),
        pltpu.VMEM((_HROWS, _DEGW), jnp.float32),
        pltpu.VMEM((_HROWS, _DEGW), jnp.float32),
        pltpu.VMEM((_HROWS, _F), jnp.float32),
        pltpu.VMEM((_HROWS, _F), jnp.float32),
    ]
    return pl.kernel(
        _sc_h_body,
        mesh=mesh,
        out_type=jax.ShapeDtypeStruct((_NPAD, _F), jnp.float32),
        scratch_types=scratch,
        compiler_params=pltpu.CompilerParams(use_tc_tiling_on_sc=False),
    )



_ROWS = 2000


def _tc1_body(x_ref, wl_ref, wr_ref, b_ref, y_ref, z_ref):
    y = jnp.zeros((_ROWS, _F), jnp.float32)
    z = jnp.zeros((_ROWS, _F), jnp.float32)
    for k in range(_C):
        xk = x_ref[k]
        y = y + jnp.dot(xk, wl_ref[k], preferred_element_type=jnp.float32)
        z = z + jnp.dot(xk, wr_ref[k], preferred_element_type=jnp.float32)
    y_ref[...] = y
    z_ref[...] = z + b_ref[...]


def _tc2_body(p_ref, d_ref, z_ref, wl_ref, wr_ref, b2_ref, u_ref, v_ref):
    agg = p_ref[0] + p_ref[1]
    deg = d_ref[0, :, 0:1] + d_ref[1, :, 0:1]
    t = agg / jnp.maximum(deg, 1.0) + z_ref[...]
    h = jnp.where(t > 0, t, _ALPHA * (jnp.exp(t) - 1.0))
    u_ref[...] = jnp.dot(h, wl_ref[...], preferred_element_type=jnp.float32)
    v_ref[...] = (jnp.dot(h, wr_ref[...], preferred_element_type=jnp.float32)
                  + b2_ref[...])


def _tcv_body(h_ref, wr_ref, b2_ref, v_ref):
    v_ref[...] = (jnp.dot(h_ref[...], wr_ref[...],
                          preferred_element_type=jnp.float32) + b2_ref[...])


def _tc3_body(p_ref, d_ref, v_ref, wl_ref, o_ref):
    agg = p_ref[0] + p_ref[1]
    deg = d_ref[0, :, 0:1] + d_ref[1, :, 0:1]
    o_ref[...] = (jnp.dot(agg / jnp.maximum(deg, 1.0), wl_ref[...],
                          preferred_element_type=jnp.float32) + v_ref[...])


def _row_spec(shape, rows=_ROWS):
    if len(shape) == 3:
        return pl.BlockSpec((shape[0], rows, shape[2]), lambda i: (0, i, 0))
    return pl.BlockSpec((rows, shape[1]), lambda i: (i, 0))


def _full_spec(shape):
    return pl.BlockSpec(shape, lambda i: tuple(0 for _ in shape))


def _tc1(x_list, wl_bd, wr_bd, b1cat):
    grid = (_N // _ROWS,)
    return pl.pallas_call(
        _tc1_body,
        grid=grid,
        in_specs=[
            _row_spec((_C, _N, _NFEAT)),
            _full_spec((_C, _NFEAT, _F)),
            _full_spec((_C, _NFEAT, _F)),
            _full_spec((1, _F)),
        ],
        out_specs=[_row_spec((_N, _F)), _row_spec((_N, _F))],
        out_shape=[jax.ShapeDtypeStruct((_N, _F), jnp.float32)] * 2,
    )(x_list, wl_bd, wr_bd, b1cat)


def _tcv(h, W2r, b2row):
    return pl.pallas_call(
        _tcv_body,
        grid=(_N // _ROWS,),
        in_specs=[
            _row_spec((_NPAD, _F)),
            _full_spec((_F, _NCLASS)),
            _full_spec((1, _NCLASS)),
        ],
        out_specs=_row_spec((_N, _NCLASS)),
        out_shape=jax.ShapeDtypeStruct((_N, _NCLASS), jnp.float32),
    )(h, W2r, b2row)


def _tc3(p, degp, V, W2l):
    return pl.pallas_call(
        _tc3_body,
        grid=(_N // _ROWS,),
        in_specs=[
            _row_spec((_NCORE, _NPAD, _NCLASS)),
            _row_spec((_NCORE, _NPAD, _DEGW)),
            _row_spec((_N, _NCLASS)),
            _full_spec((_F, _NCLASS)),
        ],
        out_specs=_row_spec((_N, _NCLASS)),
        out_shape=jax.ShapeDtypeStruct((_N, _NCLASS), jnp.float32),
    )(p, degp, V, W2l)



def kernel(x_list, edge_index, W1l, W1r, b1, W2l, W2r, b2):
    eye = jnp.eye(_C, dtype=jnp.float32)
    wl_bd = jnp.einsum("kfh,kc->kfch", W1l, eye).reshape(_C, _NFEAT, _F)
    wr_bd = jnp.einsum("kfh,kc->kfch", W1r, eye).reshape(_C, _NFEAT, _F)
    b1cat = b1.reshape(1, _F)

    z32 = jnp.zeros((_NPAD, _F), jnp.float32)
    z16 = jnp.zeros((_NPAD, _DEGW), jnp.float32)
    ones16 = jnp.ones((_CHUNK, _DEGW), jnp.float32)

    Y, Z = _tc1(x_list, wl_bd, wr_bd, b1cat)
    Zp = jnp.pad(Z, ((0, _NPAD - _N), (0, 0)))
    aggY_p, deg_p = _make_sc_pass(True)(Y, edge_index, z32, z16, ones16)
    h = _make_sc_h()(aggY_p, deg_p, Zp)
    V = _tcv(h, W2r, b2.reshape(1, _NCLASS))
    aggH_p = _make_sc_pass(False)(h, edge_index, z32)
    return _tc3(aggH_p, deg_p, V, W2l)

# --- scband reference (transcript-rebuilt; emitter-appended) ---
"""Pipeline reference for scband-lasage-74998718923050 (READ-ONLY COPY).

The authoritative reference and input builder live on the scoring server;
editing this copy changes nothing except your own understanding.
"""

import jax, jax.numpy as jnp
import numpy as np

N = 10000
E = 320000
NFEAT = 128
HIDDEN = 8
CONCAT = 4
NCLASS = 32
ALPHA = 0.2


def _elu(x, alpha):
    return jnp.where(x > 0, x, alpha * (jnp.exp(x) - 1.0))


def _sage_conv(x, src, dst, Wl, Wr, b):
    # PyG SAGEConv with mean aggregation:
    # out = lin_l(mean_{j in N(i)} x_j) + lin_r(x_i) + bias
    msgs = x[src]
    agg = jax.ops.segment_sum(msgs, dst, num_segments=N)
    deg = jax.ops.segment_sum(jnp.ones((src.shape[0],), jnp.float32), dst, num_segments=N)
    agg = agg / jnp.clip(deg, 1.0, None)[:, None]
    return agg @ Wl + x @ Wr + b


def setup_inputs(seed: int = 0) -> dict:
    key = jax.random.key(seed)
    ks = jax.random.split(key, 9)
    x_list = jax.random.normal(ks[0], (CONCAT, N, NFEAT), dtype=jnp.float32)
    edge_index = jax.random.randint(ks[1], (2, E), 0, N, dtype=jnp.int32)
    s1 = 1.0 / np.sqrt(NFEAT)
    W1l = jax.random.normal(ks[2], (CONCAT, NFEAT, HIDDEN), dtype=jnp.float32) * s1
    W1r = jax.random.normal(ks[3], (CONCAT, NFEAT, HIDDEN), dtype=jnp.float32) * s1
    b1 = jnp.zeros((CONCAT, HIDDEN), dtype=jnp.float32)
    s2 = 1.0 / np.sqrt(HIDDEN * CONCAT)
    W2l = jax.random.normal(ks[4], (HIDDEN * CONCAT, NCLASS), dtype=jnp.float32) * s2
    W2r = jax.random.normal(ks[5], (HIDDEN * CONCAT, NCLASS), dtype=jnp.float32) * s2
    b2 = jnp.zeros((NCLASS,), dtype=jnp.float32)
    return {"x_list": x_list, "edge_index": edge_index, "W1l": W1l, "W1r": W1r,
            "b1": b1, "W2l": W2l, "W2r": W2r, "b2": b2}


def reference(x_list, edge_index, W1l, W1r, b1, W2l, W2r, b2):
    # eval mode: dropout is identity
    src = edge_index[0]
    dst = edge_index[1]
    hidden_list = []
    for k in range(CONCAT):
        h = _sage_conv(x_list[k], src, dst, W1l[k], W1r[k], b1[k])
        hidden_list.append(_elu(h, ALPHA))
    x = jnp.concatenate(hidden_list, axis=-1)
    out = _sage_conv(x, src, dst, W2l, W2r, b2)
    return out

if __name__ == "__main__":
    import jax
    _d = setup_inputs()
    print(jax.jit(kernel)(*tuple(_d.values())))

</pallas_src>

<mosaic_0001>
#map = affine_map<(d0, d1) -> (0, 0, 0)>
#map1 = affine_map<(d0, d1) -> (0, 0)>
module attributes {stable_mosaic.version = 14 : i64} {
  func.func @_sc_h_body(%arg0: i32, %arg1: i32, %arg2: memref<2x10240x32xf32, #tpu.memory_space<hbm>>, %arg3: memref<2x10240x16xf32, #tpu.memory_space<hbm>>, %arg4: memref<10240x32xf32, #tpu.memory_space<hbm>>, %arg5: memref<10240x32xf32, #tpu.memory_space<hbm>>, %arg6: memref<320x32xf32, #tpu.memory_space<vmem>>, %arg7: memref<320x32xf32, #tpu.memory_space<vmem>>, %arg8: memref<320x16xf32, #tpu.memory_space<vmem>>, %arg9: memref<320x16xf32, #tpu.memory_space<vmem>>, %arg10: memref<320x32xf32, #tpu.memory_space<vmem>>, %arg11: memref<320x32xf32, #tpu.memory_space<vmem>>) attributes {dimension_semantics = [#tpu.dimension_semantics<core_parallel>, #tpu.dimension_semantics<subcore_parallel>], iteration_bounds = array<i64: 2, 16>, scalar_prefetch = 0 : i64, scratch_operands = 6 : i64, tpu.core_type = #tpu.core_type<sc_vector_subcore>, window_params = [{transform_indices = #map}, {transform_indices = #map}, {transform_indices = #map1}, {transform_indices = #map1}]} {
    %mul3A = arith.constant 16 : i32
    %mul3A_0 = arith.muli %arg0, %mul3A : i32
    %add3A = arith.addi %mul3A_0, %arg1 : i32
    %mul3A_1 = arith.constant 320 : i32
    %mul3A_2 = arith.muli %add3A, %mul3A_1 : i32
    %run_scoped3A = arith.constant 0 : i32
    "tpu.region"() ({
      %run_scoped3A_11 = tpu.sem_alloc : memref<!tpu.dma_semaphore, #tpu.memory_space<semaphore_mem>>
      %dma_start3A = arith.constant 0 : i32
      %dma_start3A_12 = tpu.memref_slice %arg2[%run_scoped3A, %mul3A_2, %dma_start3A] : memref<2x10240x32xf32, #tpu.memory_space<hbm>> -> memref<1x320x32xf32, #tpu.memory_space<hbm>>
      %dma_start3A_13 = tpu.memref_squeeze %dma_start3A_12 : memref<1x320x32xf32, #tpu.memory_space<hbm>> -> memref<320x32xf32, #tpu.memory_space<hbm>>
      %dma_start3A_14 = arith.constant 0 : i32
      %dma_start3A_15 = tpu.memref_slice %arg2[%run_scoped3A, %mul3A_2, %dma_start3A_14] : memref<2x10240x32xf32, #tpu.memory_space<hbm>> -> memref<1x320x32xf32, #tpu.memory_space<hbm>>
      %dma_start3A_16 = tpu.memref_squeeze %dma_start3A_15 : memref<1x320x32xf32, #tpu.memory_space<hbm>> -> memref<320x32xf32, #tpu.memory_space<hbm>>
      tpu.enqueue_dma source(%dma_start3A_16 : memref<320x32xf32, #tpu.memory_space<hbm>>) target(%arg6 : memref<320x32xf32, #tpu.memory_space<vmem>>) target_semaphore(%run_scoped3A_11 : memref<!tpu.dma_semaphore, #tpu.memory_space<semaphore_mem>>)
      %dma_wait3A = arith.constant 0 : i32
      %dma_wait3A_17 = tpu.memref_slice %arg2[%run_scoped3A, %mul3A_2, %dma_wait3A] : memref<2x10240x32xf32, #tpu.memory_space<hbm>> -> memref<1x320x32xf32, #tpu.memory_space<hbm>>
      %dma_wait3A_18 = tpu.memref_squeeze %dma_wait3A_17 : memref<1x320x32xf32, #tpu.memory_space<hbm>> -> memref<320x32xf32, #tpu.memory_space<hbm>>
      %dma_wait3A_19 = arith.constant 0 : i32
      %dma_wait3A_20 = tpu.memref_slice %arg2[%run_scoped3A, %mul3A_2, %dma_wait3A_19] : memref<2x10240x32xf32, #tpu.memory_space<hbm>> -> memref<1x320x32xf32, #tpu.memory_space<hbm>>
      %dma_wait3A_21 = tpu.memref_squeeze %dma_wait3A_20 : memref<1x320x32xf32, #tpu.memory_space<hbm>> -> memref<320x32xf32, #tpu.memory_space<hbm>>
      tpu.wait_dma2 semaphore(%run_scoped3A_11 : memref<!tpu.dma_semaphore, #tpu.memory_space<semaphore_mem>>) src(%dma_wait3A_21 : memref<320x32xf32, #tpu.memory_space<hbm>>) dst(%arg6 : memref<320x32xf32, #tpu.memory_space<vmem>>)
      tpu.yield
    }) : () -> ()
    %run_scoped3A_3 = arith.constant 1 : i32
    "tpu.region"() ({
      %run_scoped3A_11 = tpu.sem_alloc : memref<!tpu.dma_semaphore, #tpu.memory_space<semaphore_mem>>
      %dma_start3A = arith.constant 0 : i32
      %dma_start3A_12 = tpu.memref_slice %arg2[%run_scoped3A_3, %mul3A_2, %dma_start3A] : memref<2x10240x32xf32, #tpu.memory_space<hbm>> -> memref<1x320x32xf32, #tpu.memory_space<hbm>>
      %dma_start3A_13 = tpu.memref_squeeze %dma_start3A_12 : memref<1x320x32xf32, #tpu.memory_space<hbm>> -> memref<320x32xf32, #tpu.memory_space<hbm>>
      %dma_start3A_14 = arith.constant 0 : i32
      %dma_start3A_15 = tpu.memref_slice %arg2[%run_scoped3A_3, %mul3A_2, %dma_start3A_14] : memref<2x10240x32xf32, #tpu.memory_space<hbm>> -> memref<1x320x32xf32, #tpu.memory_space<hbm>>
      %dma_start3A_16 = tpu.memref_squeeze %dma_start3A_15 : memref<1x320x32xf32, #tpu.memory_space<hbm>> -> memref<320x32xf32, #tpu.memory_space<hbm>>
      tpu.enqueue_dma source(%dma_start3A_16 : memref<320x32xf32, #tpu.memory_space<hbm>>) target(%arg7 : memref<320x32xf32, #tpu.memory_space<vmem>>) target_semaphore(%run_scoped3A_11 : memref<!tpu.dma_semaphore, #tpu.memory_space<semaphore_mem>>)
      %dma_wait3A = arith.constant 0 : i32
      %dma_wait3A_17 = tpu.memref_slice %arg2[%run_scoped3A_3, %mul3A_2, %dma_wait3A] : memref<2x10240x32xf32, #tpu.memory_space<hbm>> -> memref<1x320x32xf32, #tpu.memory_space<hbm>>
      %dma_wait3A_18 = tpu.memref_squeeze %dma_wait3A_17 : memref<1x320x32xf32, #tpu.memory_space<hbm>> -> memref<320x32xf32, #tpu.memory_space<hbm>>
      %dma_wait3A_19 = arith.constant 0 : i32
      %dma_wait3A_20 = tpu.memref_slice %arg2[%run_scoped3A_3, %mul3A_2, %dma_wait3A_19] : memref<2x10240x32xf32, #tpu.memory_space<hbm>> -> memref<1x320x32xf32, #tpu.memory_space<hbm>>
      %dma_wait3A_21 = tpu.memref_squeeze %dma_wait3A_20 : memref<1x320x32xf32, #tpu.memory_space<hbm>> -> memref<320x32xf32, #tpu.memory_space<hbm>>
      tpu.wait_dma2 semaphore(%run_scoped3A_11 : memref<!tpu.dma_semaphore, #tpu.memory_space<semaphore_mem>>) src(%dma_wait3A_21 : memref<320x32xf32, #tpu.memory_space<hbm>>) dst(%arg7 : memref<320x32xf32, #tpu.memory_space<vmem>>)
      tpu.yield
    }) : () -> ()
    %run_scoped3A_4 = arith.constant 0 : i32
    "tpu.region"() ({
      %run_scoped3A_11 = tpu.sem_alloc : memref<!tpu.dma_semaphore, #tpu.memory_space<semaphore_mem>>
      %dma_start3A = arith.constant 0 : i32
      %dma_start3A_12 = tpu.memref_slice %arg3[%run_scoped3A_4, %mul3A_2, %dma_start3A] : memref<2x10240x16xf32, #tpu.memory_space<hbm>> -> memref<1x320x16xf32, #tpu.memory_space<hbm>>
      %dma_start3A_13 = tpu.memref_squeeze %dma_start3A_12 : memref<1x320x16xf32, #tpu.memory_space<hbm>> -> memref<320x16xf32, #tpu.memory_space<hbm>>
      %dma_start3A_14 = arith.constant 0 : i32
      %dma_start3A_15 = tpu.memref_slice %arg3[%run_scoped3A_4, %mul3A_2, %dma_start3A_14] : memref<2x10240x16xf32, #tpu.memory_space<hbm>> -> memref<1x320x16xf32, #tpu.memory_space<hbm>>
      %dma_start3A_16 = tpu.memref_squeeze %dma_start3A_15 : memref<1x320x16xf32, #tpu.memory_space<hbm>> -> memref<320x16xf32, #tpu.memory_space<hbm>>
      tpu.enqueue_dma source(%dma_start3A_16 : memref<320x16xf32, #tpu.memory_space<hbm>>) target(%arg8 : memref<320x16xf32, #tpu.memory_space<vmem>>) target_semaphore(%run_scoped3A_11 : memref<!tpu.dma_semaphore, #tpu.memory_space<semaphore_mem>>)
      %dma_wait3A = arith.constant 0 : i32
      %dma_wait3A_17 = tpu.memref_slice %arg3[%run_scoped3A_4, %mul3A_2, %dma_wait3A] : memref<2x10240x16xf32, #tpu.memory_space<hbm>> -> memref<1x320x16xf32, #tpu.memory_space<hbm>>
      %dma_wait3A_18 = tpu.memref_squeeze %dma_wait3A_17 : memref<1x320x16xf32, #tpu.memory_space<hbm>> -> memref<320x16xf32, #tpu.memory_space<hbm>>
      %dma_wait3A_19 = arith.constant 0 : i32
      %dma_wait3A_20 = tpu.memref_slice %arg3[%run_scoped3A_4, %mul3A_2, %dma_wait3A_19] : memref<2x10240x16xf32, #tpu.memory_space<hbm>> -> memref<1x320x16xf32, #tpu.memory_space<hbm>>
      %dma_wait3A_21 = tpu.memref_squeeze %dma_wait3A_20 : memref<1x320x16xf32, #tpu.memory_space<hbm>> -> memref<320x16xf32, #tpu.memory_space<hbm>>
      tpu.wait_dma2 semaphore(%run_scoped3A_11 : memref<!tpu.dma_semaphore, #tpu.memory_space<semaphore_mem>>) src(%dma_wait3A_21 : memref<320x16xf32, #tpu.memory_space<hbm>>) dst(%arg8 : memref<320x16xf32, #tpu.memory_space<vmem>>)
      tpu.yield
    }) : () -> ()
    %run_scoped3A_5 = arith.constant 1 : i32
    "tpu.region"() ({
      %run_scoped3A_11 = tpu.sem_alloc : memref<!tpu.dma_semaphore, #tpu.memory_space<semaphore_mem>>
      %dma_start3A = arith.constant 0 : i32
      %dma_start3A_12 = tpu.memref_slice %arg3[%run_scoped3A_5, %mul3A_2, %dma_start3A] : memref<2x10240x16xf32, #tpu.memory_space<hbm>> -> memref<1x320x16xf32, #tpu.memory_space<hbm>>
      %dma_start3A_13 = tpu.memref_squeeze %dma_start3A_12 : memref<1x320x16xf32, #tpu.memory_space<hbm>> -> memref<320x16xf32, #tpu.memory_space<hbm>>
      %dma_start3A_14 = arith.constant 0 : i32
      %dma_start3A_15 = tpu.memref_slice %arg3[%run_scoped3A_5, %mul3A_2, %dma_start3A_14] : memref<2x10240x16xf32, #tpu.memory_space<hbm>> -> memref<1x320x16xf32, #tpu.memory_space<hbm>>
      %dma_start3A_16 = tpu.memref_squeeze %dma_start3A_15 : memref<1x320x16xf32, #tpu.memory_space<hbm>> -> memref<320x16xf32, #tpu.memory_space<hbm>>
      tpu.enqueue_dma source(%dma_start3A_16 : memref<320x16xf32, #tpu.memory_space<hbm>>) target(%arg9 : memref<320x16xf32, #tpu.memory_space<vmem>>) target_semaphore(%run_scoped3A_11 : memref<!tpu.dma_semaphore, #tpu.memory_space<semaphore_mem>>)
      %dma_wait3A = arith.constant 0 : i32
      %dma_wait3A_17 = tpu.memref_slice %arg3[%run_scoped3A_5, %mul3A_2, %dma_wait3A] : memref<2x10240x16xf32, #tpu.memory_space<hbm>> -> memref<1x320x16xf32, #tpu.memory_space<hbm>>
      %dma_wait3A_18 = tpu.memref_squeeze %dma_wait3A_17 : memref<1x320x16xf32, #tpu.memory_space<hbm>> -> memref<320x16xf32, #tpu.memory_space<hbm>>
      %dma_wait3A_19 = arith.constant 0 : i32
      %dma_wait3A_20 = tpu.memref_slice %arg3[%run_scoped3A_5, %mul3A_2, %dma_wait3A_19] : memref<2x10240x16xf32, #tpu.memory_space<hbm>> -> memref<1x320x16xf32, #tpu.memory_space<hbm>>
      %dma_wait3A_21 = tpu.memref_squeeze %dma_wait3A_20 : memref<1x320x16xf32, #tpu.memory_space<hbm>> -> memref<320x16xf32, #tpu.memory_space<hbm>>
      tpu.wait_dma2 semaphore(%run_scoped3A_11 : memref<!tpu.dma_semaphore, #tpu.memory_space<semaphore_mem>>) src(%dma_wait3A_21 : memref<320x16xf32, #tpu.memory_space<hbm>>) dst(%arg9 : memref<320x16xf32, #tpu.memory_space<vmem>>)
      tpu.yield
    }) : () -> ()
    "tpu.region"() ({
      %run_scoped3A_11 = tpu.sem_alloc : memref<!tpu.dma_semaphore, #tpu.memory_space<semaphore_mem>>
      %dma_start3A = arith.constant 0 : i32
      %dma_start3A_12 = tpu.memref_slice %arg4[%mul3A_2, %dma_start3A] : memref<10240x32xf32, #tpu.memory_space<hbm>> -> memref<320x32xf32, #tpu.memory_space<hbm>>
      %dma_start3A_13 = arith.constant 0 : i32
      %dma_start3A_14 = tpu.memref_slice %arg4[%mul3A_2, %dma_start3A_13] : memref<10240x32xf32, #tpu.memory_space<hbm>> -> memref<320x32xf32, #tpu.memory_space<hbm>>
      tpu.enqueue_dma source(%dma_start3A_14 : memref<320x32xf32, #tpu.memory_space<hbm>>) target(%arg10 : memref<320x32xf32, #tpu.memory_space<vmem>>) target_semaphore(%run_scoped3A_11 : memref<!tpu.dma_semaphore, #tpu.memory_space<semaphore_mem>>)
      %dma_wait3A = arith.constant 0 : i32
      %dma_wait3A_15 = tpu.memref_slice %arg4[%mul3A_2, %dma_wait3A] : memref<10240x32xf32, #tpu.memory_space<hbm>> -> memref<320x32xf32, #tpu.memory_space<hbm>>
      %dma_wait3A_16 = arith.constant 0 : i32
      %dma_wait3A_17 = tpu.memref_slice %arg4[%mul3A_2, %dma_wait3A_16] : memref<10240x32xf32, #tpu.memory_space<hbm>> -> memref<320x32xf32, #tpu.memory_space<hbm>>
      tpu.wait_dma2 semaphore(%run_scoped3A_11 : memref<!tpu.dma_semaphore, #tpu.memory_space<semaphore_mem>>) src(%dma_wait3A_17 : memref<320x32xf32, #tpu.memory_space<hbm>>) dst(%arg10 : memref<320x32xf32, #tpu.memory_space<vmem>>)
      tpu.yield
    }) : () -> ()
    %scan3A = arith.constant 0 : i32
    %scan3A_6 = arith.constant 0 : i32
    %scan3A_7 = arith.constant 80 : i32
    %scan3A_8 = arith.addi %scan3A_6, %scan3A_7 : i32
    %scan3A_9 = arith.constant 1 : i32
    scf.for %scan3A_11 = %scan3A_6 to %scan3A_8 step %scan3A_9  : i32 {
      %mul3A_12 = arith.constant 4 : i32
      %mul3A_13 = arith.muli %mul3A_12, %scan3A_11 : i32
      %add3A_14 = arith.constant 0 : i32
      %add3A_15 = arith.addi %mul3A_13, %add3A_14 : i32
      %get3A = arith.index_cast %add3A_15 : i32 to index
      %get3A_16 = arith.constant 0 : index
      %get3A_17 = tpu.vector_load %arg8[%get3A, %get3A_16] {strides = array<i32>} : memref<320x16xf32, #tpu.memory_space<vmem>>, vector<1x16xf32>,
      %get3A_18 = vector.shape_cast %get3A_17 : vector<1x16xf32> to vector<16xf32>
      %get3A_19 = arith.index_cast %add3A_15 : i32 to index
      %get3A_20 = arith.constant 0 : index
      %get3A_21 = tpu.vector_load %arg9[%get3A_19, %get3A_20] {strides = array<i32>} : memref<320x16xf32, #tpu.memory_space<vmem>>, vector<1x16xf32>,
      %get3A_22 = vector.shape_cast %get3A_21 : vector<1x16xf32> to vector<16xf32>
      %add3A_23 = arith.addf %get3A_18, %get3A_22 : vector<16xf32>
      %max3A = arith.constant 1.000000e+00 : f32
      %max3A_24 = vector.broadcast %max3A : f32 to vector<16xf32>
      %max3A_25 = arith.maximumf %add3A_23, %max3A_24 : vector<16xf32>
      %div3A = arith.constant 1.000000e+00 : f32
      %div3A_26 = vector.broadcast %div3A : f32 to vector<16xf32>
      %div3A_27 = arith.divf %div3A_26, %max3A_25 : vector<16xf32>
      %get3A_28 = arith.index_cast %add3A_15 : i32 to index
      %get3A_29 = arith.constant 0 : index
      %get3A_30 = tpu.vector_load %arg6[%get3A_28, %get3A_29] {strides = array<i32>} : memref<320x32xf32, #tpu.memory_space<vmem>>, vector<1x16xf32>,
      %get3A_31 = vector.shape_cast %get3A_30 : vector<1x16xf32> to vector<16xf32>
      %get3A_32 = arith.index_cast %add3A_15 : i32 to index
      %get3A_33 = arith.constant 0 : index
      %get3A_34 = tpu.vector_load %arg7[%get3A_32, %get3A_33] {strides = array<i32>} : memref<320x32xf32, #tpu.memory_space<vmem>>, vector<1x16xf32>,
      %get3A_35 = vector.shape_cast %get3A_34 : vector<1x16xf32> to vector<16xf32>
      %add3A_36 = arith.addf %get3A_31, %get3A_35 : vector<16xf32>
      %mul3A_37 = arith.mulf %add3A_36, %div3A_27 : vector<16xf32>
      %get3A_38 = arith.index_cast %add3A_15 : i32 to index
      %get3A_39 = arith.constant 0 : index
      %get3A_40 = tpu.vector_load %arg10[%get3A_38, %get3A_39] {strides = array<i32>} : memref<320x32xf32, #tpu.memory_space<vmem>>, vector<1x16xf32>,
      %get3A_41 = vector.shape_cast %get3A_40 : vector<1x16xf32> to vector<16xf32>
      %add3A_42 = arith.addf %mul3A_37, %get3A_41 : vector<16xf32>
      %gt3A = arith.constant 0.000000e+00 : f32
      %gt3A_43 = vector.broadcast %gt3A : f32 to vector<16xf32>
      %gt3A_44 = arith.cmpf ogt, %add3A_42, %gt3A_43 : vector<16xf32>
      %exp3A = math.exp %add3A_42 : vector<16xf32>
      %sub3A = arith.constant 1.000000e+00 : f32
      %sub3A_45 = vector.broadcast %sub3A : f32 to vector<16xf32>
      %sub3A_46 = arith.subf %exp3A, %sub3A_45 : vector<16xf32>
      %mul3A_47 = arith.constant 2.000000e-01 : f32
      %mul3A_48 = vector.broadcast %mul3A_47 : f32 to vector<16xf32>
      %mul3A_49 = arith.mulf %mul3A_48, %sub3A_46 : vector<16xf32>
      %select_n3A = arith.select %gt3A_44, %add3A_42, %mul3A_49 : vector<16xi1>, vector<16xf32>
      %swap3A = arith.index_cast %add3A_15 : i32 to index
      %swap3A_50 = arith.constant 0 : index
      %swap3A_51 = tpu.vector_load %arg11[%swap3A, %swap3A_50] {strides = array<i32>} : memref<320x32xf32, #tpu.memory_space<vmem>>, vector<1x16xf32>,
      %swap3A_52 = vector.shape_cast %swap3A_51 : vector<1x16xf32> to vector<16xf32>
      %swap3A_53 = vector.shape_cast %select_n3A : vector<16xf32> to vector<1x16xf32>
      tpu.vector_store %arg11[%swap3A, %swap3A_50], %swap3A_53 {strides = array<i32>} : memref<320x32xf32, #tpu.memory_space<vmem>>, vector<1x16xf32>,
      %get3A_54 = arith.index_cast %add3A_15 : i32 to index
      %get3A_55 = arith.constant 16 : index
      %get3A_56 = tpu.vector_load %arg6[%get3A_54, %get3A_55] {strides = array<i32>} : memref<320x32xf32, #tpu.memory_space<vmem>>, vector<1x16xf32>,
      %get3A_57 = vector.shape_cast %get3A_56 : vector<1x16xf32> to vector<16xf32>
      %get3A_58 = arith.index_cast %add3A_15 : i32 to index
      %get3A_59 = arith.constant 16 : index
      %get3A_60 = tpu.vector_load %arg7[%get3A_58, %get3A_59] {strides = array<i32>} : memref<320x32xf32, #tpu.memory_space<vmem>>, vector<1x16xf32>,
      %get3A_61 = vector.shape_cast %get3A_60 : vector<1x16xf32> to vector<16xf32>
      %add3A_62 = arith.addf %get3A_57, %get3A_61 : vector<16xf32>
      %mul3A_63 = arith.mulf %add3A_62, %div3A_27 : vector<16xf32>
      %get3A_64 = arith.index_cast %add3A_15 : i32 to index
      %get3A_65 = arith.constant 16 : index
      %get3A_66 = tpu.vector_load %arg10[%get3A_64, %get3A_65] {strides = array<i32>} : memref<320x32xf32, #tpu.memory_space<vmem>>, vector<1x16xf32>,
      %get3A_67 = vector.shape_cast %get3A_66 : vector<1x16xf32> to vector<16xf32>
      %add3A_68 = arith.addf %mul3A_63, %get3A_67 : vector<16xf32>
      %gt3A_69 = arith.constant 0.000000e+00 : f32
      %gt3A_70 = vector.broadcast %gt3A_69 : f32 to vector<16xf32>
      %gt3A_71 = arith.cmpf ogt, %add3A_68, %gt3A_70 : vector<16xf32>
      %exp3A_72 = math.exp %add3A_68 : vector<16xf32>
      %sub3A_73 = arith.constant 1.000000e+00 : f32
      %sub3A_74 = vector.broadcast %sub3A_73 : f32 to vector<16xf32>
      %sub3A_75 = arith.subf %exp3A_72, %sub3A_74 : vector<16xf32>
      %mul3A_76 = arith.constant 2.000000e-01 : f32
      %mul3A_77 = vector.broadcast %mul3A_76 : f32 to vector<16xf32>
      %mul3A_78 = arith.mulf %mul3A_77, %sub3A_75 : vector<16xf32>
      %select_n3A_79 = arith.select %gt3A_71, %add3A_68, %mul3A_78 : vector<16xi1>, vector<16xf32>
      %swap3A_80 = arith.index_cast %add3A_15 : i32 to index
      %swap3A_81 = arith.constant 16 : index
      %swap3A_82 = tpu.vector_load %arg11[%swap3A_80, %swap3A_81] {strides = array<i32>} : memref<320x32xf32, #tpu.memory_space<vmem>>, vector<1x16xf32>,
      %swap3A_83 = vector.shape_cast %swap3A_82 : vector<1x16xf32> to vector<16xf32>
      %swap3A_84 = vector.shape_cast %select_n3A_79 : vector<16xf32> to vector<1x16xf32>
      tpu.vector_store %arg11[%swap3A_80, %swap3A_81], %swap3A_84 {strides = array<i32>} : memref<320x32xf32, #tpu.memory_space<vmem>>, vector<1x16xf32>,
      %mul3A_85 = arith.constant 4 : i32
      %mul3A_86 = arith.muli %mul3A_85, %scan3A_11 : i32
      %add3A_87 = arith.constant 1 : i32
      %add3A_88 = arith.addi %mul3A_86, %add3A_87 : i32
      %get3A_89 = arith.index_cast %add3A_88 : i32 to index
      %get3A_90 = arith.constant 0 : index
      %get3A_91 = tpu.vector_load %arg8[%get3A_89, %get3A_90] {strides = array<i32>} : memref<320x16xf32, #tpu.memory_space<vmem>>, vector<1x16xf32>,
      %get3A_92 = vector.shape_cast %get3A_91 : vector<1x16xf32> to vector<16xf32>
      %get3A_93 = arith.index_cast %add3A_88 : i32 to index
      %get3A_94 = arith.constant 0 : index
      %get3A_95 = tpu.vector_load %arg9[%get3A_93, %get3A_94] {strides = array<i32>} : memref<320x16xf32, #tpu.memory_space<vmem>>, vector<1x16xf32>,
      %get3A_96 = vector.shape_cast %get3A_95 : vector<1x16xf32> to vector<16xf32>
      %add3A_97 = arith.addf %get3A_92, %get3A_96 : vector<16xf32>
      %max3A_98 = arith.constant 1.000000e+00 : f32
      %max3A_99 = vector.broadcast %max3A_98 : f32 to vector<16xf32>
      %max3A_100 = arith.maximumf %add3A_97, %max3A_99 : vector<16xf32>
      %div3A_101 = arith.constant 1.000000e+00 : f32
      %div3A_102 = vector.broadcast %div3A_101 : f32 to vector<16xf32>
      %div3A_103 = arith.divf %div3A_102, %max3A_100 : vector<16xf32>
      %get3A_104 = arith.index_cast %add3A_88 : i32 to index
      %get3A_105 = arith.constant 0 : index
      %get3A_106 = tpu.vector_load %arg6[%get3A_104, %get3A_105] {strides = array<i32>} : memref<320x32xf32, #tpu.memory_space<vmem>>, vector<1x16xf32>,
      %get3A_107 = vector.shape_cast %get3A_106 : vector<1x16xf32> to vector<16xf32>
      %get3A_108 = arith.index_cast %add3A_88 : i32 to index
      %get3A_109 = arith.constant 0 : index
      %get3A_110 = tpu.vector_load %arg7[%get3A_108, %get3A_109] {strides = array<i32>} : memref<320x32xf32, #tpu.memory_space<vmem>>, vector<1x16xf32>,
      %get3A_111 = vector.shape_cast %get3A_110 : vector<1x16xf32> to vector<16xf32>
      %add3A_112 = arith.addf %get3A_107, %get3A_111 : vector<16xf32>
      %mul3A_113 = arith.mulf %add3A_112, %div3A_103 : vector<16xf32>
      %get3A_114 = arith.index_cast %add3A_88 : i32 to index
      %get3A_115 = arith.constant 0 : index
      %get3A_116 = tpu.vector_load %arg10[%get3A_114, %get3A_115] {strides = array<i32>} : memref<320x32xf32, #tpu.memory_space<vmem>>, vector<1x16xf32>,
      %get3A_117 = vector.shape_cast %get3A_116 : vector<1x16xf32> to vector<16xf32>
      %add3A_118 = arith.addf %mul3A_113, %get3A_117 : vector<16xf32>
      %gt3A_119 = arith.constant 0.000000e+00 : f32
      %gt3A_120 = vector.broadcast %gt3A_119 : f32 to vector<16xf32>
      %gt3A_121 = arith.cmpf ogt, %add3A_118, %gt3A_120 : vector<16xf32>
      %exp3A_122 = math.exp %add3A_118 : vector<16xf32>
      %sub3A_123 = arith.constant 1.000000e+00 : f32
      %sub3A_124 = vector.broadcast %sub3A_123 : f32 to vector<16xf32>
      %sub3A_125 = arith.subf %exp3A_122, %sub3A_124 : vector<16xf32>
      %mul3A_126 = arith.constant 2.000000e-01 : f32
      %mul3A_127 = vector.broadcast %mul3A_126 : f32 to vector<16xf32>
      %mul3A_128 = arith.mulf %mul3A_127, %sub3A_125 : vector<16xf32>
      %select_n3A_129 = arith.select %gt3A_121, %add3A_118, %mul3A_128 : vector<16xi1>, vector<16xf32>
      %swap3A_130 = arith.index_cast %add3A_88 : i32 to index
      %swap3A_131 = arith.constant 0 : index
      %swap3A_132 = tpu.vector_load %arg11[%swap3A_130, %swap3A_131] {strides = array<i32>} : memref<320x32xf32, #tpu.memory_space<vmem>>, vector<1x16xf32>,
      %swap3A_133 = vector.shape_cast %swap3A_132 : vector<1x16xf32> to vector<16xf32>
      %swap3A_134 = vector.shape_cast %select_n3A_129 : vector<16xf32> to vector<1x16xf32>
      tpu.vector_store %arg11[%swap3A_130, %swap3A_131], %swap3A_134 {strides = array<i32>} : memref<320x32xf32, #tpu.memory_space<vmem>>, vector<1x16xf32>,
      %get3A_135 = arith.index_cast %add3A_88 : i32 to index
      %get3A_136 = arith.constant 16 : index
      %get3A_137 = tpu.vector_load %arg6[%get3A_135, %get3A_136] {strides = array<i32>} : memref<320x32xf32, #tpu.memory_space<vmem>>, vector<1x16xf32>,
      %get3A_138 = vector.shape_cast %get3A_137 : vector<1x16xf32> to vector<16xf32>
      %get3A_139 = arith.index_cast %add3A_88 : i32 to index
      %get3A_140 = arith.constant 16 : index
      %get3A_141 = tpu.vector_load %arg7[%get3A_139, %get3A_140] {strides = array<i32>} : memref<320x32xf32, #tpu.memory_space<vmem>>, vector<1x16xf32>,
      %get3A_142 = vector.shape_cast %get3A_141 : vector<1x16xf32> to vector<16xf32>
      %add3A_143 = arith.addf %get3A_138, %get3A_142 : vector<16xf32>
      %mul3A_144 = arith.mulf %add3A_143, %div3A_103 : vector<16xf32>
      %get3A_145 = arith.index_cast %add3A_88 : i32 to index
      %get3A_146 = arith.constant 16 : index
      %get3A_147 = tpu.vector_load %arg10[%get3A_145, %get3A_146] {strides = array<i32>} : memref<320x32xf32, #tpu.memory_space<vmem>>, vector<1x16xf32>,
      %get3A_148 = vector.shape_cast %get3A_147 : vector<1x16xf32> to vector<16xf32>
      %add3A_149 = arith.addf %mul3A_144, %get3A_148 : vector<16xf32>
      %gt3A_150 = arith.constant 0.000000e+00 : f32
      %gt3A_151 = vector.broadcast %gt3A_150 : f32 to vector<16xf32>
      %gt3A_152 = arith.cmpf ogt, %add3A_149, %gt3A_151 : vector<16xf32>
      %exp3A_153 = math.exp %add3A_149 : vector<16xf32>
      %sub3A_154 = arith.constant 1.000000e+00 : f32
      %sub3A_155 = vector.broadcast %sub3A_154 : f32 to vector<16xf32>
      %sub3A_156 = arith.subf %exp3A_153, %sub3A_155 : vector<16xf32>
      %mul3A_157 = arith.constant 2.000000e-01 : f32
      %mul3A_158 = vector.broadcast %mul3A_157 : f32 to vector<16xf32>
      %mul3A_159 = arith.mulf %mul3A_158, %sub3A_156 : vector<16xf32>
      %select_n3A_160 = arith.select %gt3A_152, %add3A_149, %mul3A_159 : vector<16xi1>, vector<16xf32>
      %swap3A_161 = arith.index_cast %add3A_88 : i32 to index
      %swap3A_162 = arith.constant 16 : index
      %swap3A_163 = tpu.vector_load %arg11[%swap3A_161, %swap3A_162] {strides = array<i32>} : memref<320x32xf32, #tpu.memory_space<vmem>>, vector<1x16xf32>,
      %swap3A_164 = vector.shape_cast %swap3A_163 : vector<1x16xf32> to vector<16xf32>
      %swap3A_165 = vector.shape_cast %select_n3A_160 : vector<16xf32> to vector<1x16xf32>
      tpu.vector_store %arg11[%swap3A_161, %swap3A_162], %swap3A_165 {strides = array<i32>} : memref<320x32xf32, #tpu.memory_space<vmem>>, vector<1x16xf32>,
      %mul3A_166 = arith.constant 4 : i32
      %mul3A_167 = arith.muli %mul3A_166, %scan3A_11 : i32
      %add3A_168 = arith.constant 2 : i32
      %add3A_169 = arith.addi %mul3A_167, %add3A_168 : i32
      %get3A_170 = arith.index_cast %add3A_169 : i32 to index
      %get3A_171 = arith.constant 0 : index
      %get3A_172 = tpu.vector_load %arg8[%get3A_170, %get3A_171] {strides = array<i32>} : memref<320x16xf32, #tpu.memory_space<vmem>>, vector<1x16xf32>,
      %get3A_173 = vector.shape_cast %get3A_172 : vector<1x16xf32> to vector<16xf32>
      %get3A_174 = arith.index_cast %add3A_169 : i32 to index
      %get3A_175 = arith.constant 0 : index
      %get3A_176 = tpu.vector_load %arg9[%get3A_174, %get3A_175] {strides = array<i32>} : memref<320x16xf32, #tpu.memory_space<vmem>>, vector<1x16xf32>,
      %get3A_177 = vector.shape_cast %get3A_176 : vector<1x16xf32> to vector<16xf32>
      %add3A_178 = arith.addf %get3A_173, %get3A_177 : vector<16xf32>
      %max3A_179 = arith.constant 1.000000e+00 : f32
      %max3A_180 = vector.broadcast %max3A_179 : f32 to vector<16xf32>
      %max3A_181 = arith.maximumf %add3A_178, %max3A_180 : vector<16xf32>
      %div3A_182 = arith.constant 1.000000e+00 : f32
      %div3A_183 = vector.broadcast %div3A_182 : f32 to vector<16xf32>
      %div3A_184 = arith.divf %div3A_183, %max3A_181 : vector<16xf32>
      %get3A_185 = arith.index_cast %add3A_169 : i32 to index
      %get3A_186 = arith.constant 0 : index
      %get3A_187 = tpu.vector_load %arg6[%get3A_185, %get3A_186] {strides = array<i32>} : memref<320x32xf32, #tpu.memory_space<vmem>>, vector<1x16xf32>,
      %get3A_188 = vector.shape_cast %get3A_187 : vector<1x16xf32> to vector<16xf32>
      %get3A_189 = arith.index_cast %add3A_169 : i32 to index
      %get3A_190 = arith.constant 0 : index
      %get3A_191 = tpu.vector_load %arg7[%get3A_189, %get3A_190] {strides = array<i32>} : memref<320x32xf32, #tpu.memory_space<vmem>>, vector<1x16xf32>,
      %get3A_192 = vector.shape_cast %get3A_191 : vector<1x16xf32> to vector<16xf32>
      %add3A_193 = arith.addf %get3A_188, %get3A_192 : vector<16xf32>
      %mul3A_194 = arith.mulf %add3A_193, %div3A_184 : vector<16xf32>
      %get3A_195 = arith.index_cast %add3A_169 : i32 to index
      %get3A_196 = arith.constant 0 : index
      %get3A_197 = tpu.vector_load %arg10[%get3A_195, %get3A_196] {strides = array<i32>} : memref<320x32xf32, #tpu.memory_space<vmem>>, vector<1x16xf32>,
      %get3A_198 = vector.shape_cast %get3A_197 : vector<1x16xf32> to vector<16xf32>
      %add3A_199 = arith.addf %mul3A_194, %get3A_198 : vector<16xf32>
      %gt3A_200 = arith.constant 0.000000e+00 : f32
      %gt3A_201 = vector.broadcast %gt3A_200 : f32 to vector<16xf32>
      %gt3A_202 = arith.cmpf ogt, %add3A_199, %gt3A_201 : vector<16xf32>
      %exp3A_203 = math.exp %add3A_199 : vector<16xf32>
      %sub3A_204 = arith.constant 1.000000e+00 : f32
      %sub3A_205 = vector.broadcast %sub3A_204 : f32 to vector<16xf32>
      %sub3A_206 = arith.subf %exp3A_203, %sub3A_205 : vector<16xf32>
      %mul3A_207 = arith.constant 2.000000e-01 : f32
      %mul3A_208 = vector.broadcast %mul3A_207 : f32 to vector<16xf32>
      %mul3A_209 = arith.mulf %mul3A_208, %sub3A_206 : vector<16xf32>
      %select_n3A_210 = arith.select %gt3A_202, %add3A_199, %mul3A_209 : vector<16xi1>, vector<16xf32>
      %swap3A_211 = arith.index_cast %add3A_169 : i32 to index
      %swap3A_212 = arith.constant 0 : index
      %swap3A_213 = tpu.vector_load %arg11[%swap3A_211, %swap3A_212] {strides = array<i32>} : memref<320x32xf32, #tpu.memory_space<vmem>>, vector<1x16xf32>,
      %swap3A_214 = vector.shape_cast %swap3A_213 : vector<1x16xf32> to vector<16xf32>
      %swap3A_215 = vector.shape_cast %select_n3A_210 : vector<16xf32> to vector<1x16xf32>
      tpu.vector_store %arg11[%swap3A_211, %swap3A_212], %swap3A_215 {strides = array<i32>} : memref<320x32xf32, #tpu.memory_space<vmem>>, vector<1x16xf32>,
      %get3A_216 = arith.index_cast %add3A_169 : i32 to index
      %get3A_217 = arith.constant 16 : index
      %get3A_218 = tpu.vector_load %arg6[%get3A_216, %get3A_217] {strides = array<i32>} : memref<320x32xf32, #tpu.memory_space<vmem>>, vector<1x16xf32>,
      %get3A_219 = vector.shape_cast %get3A_218 : vector<1x16xf32> to vector<16xf32>
      %get3A_220 = arith.index_cast %add3A_169 : i32 to index
      %get3A_221 = arith.constant 16 : index
      %get3A_222 = tpu.vector_load %arg7[%get3A_220, %get3A_221] {strides = array<i32>} : memref<320x32xf32, #tpu.memory_space<vmem>>, vector<1x16xf32>,
      %get3A_223 = vector.shape_cast %get3A_222 : vector<1x16xf32> to vector<16xf32>
      %add3A_224 = arith.addf %get3A_219, %get3A_223 : vector<16xf32>
      %mul3A_225 = arith.mulf %add3A_224, %div3A_184 : vector<16xf32>
      %get3A_226 = arith.index_cast %add3A_169 : i32 to index
      %get3A_227 = arith.constant 16 : index
      %get3A_228 = tpu.vector_load %arg10[%get3A_226, %get3A_227] {strides = array<i32>} : memref<320x32xf32, #tpu.memory_space<vmem>>, vector<1x16xf32>,
      %get3A_229 = vector.shape_cast %get3A_228 : vector<1x16xf32> to vector<16xf32>
      %add3A_230 = arith.addf %mul3A_225, %get3A_229 : vector<16xf32>
      %gt3A_231 = arith.constant 0.000000e+00 : f32
      %gt3A_232 = vector.broadcast %gt3A_231 : f32 to vector<16xf32>
      %gt3A_233 = arith.cmpf ogt, %add3A_230, %gt3A_232 : vector<16xf32>
      %exp3A_234 = math.exp %add3A_230 : vector<16xf32>
      %sub3A_235 = arith.constant 1.000000e+00 : f32
      %sub3A_236 = vector.broadcast %sub3A_235 : f32 to vector<16xf32>
      %sub3A_237 = arith.subf %exp3A_234, %sub3A_236 : vector<16xf32>
      %mul3A_238 = arith.constant 2.000000e-01 : f32
      %mul3A_239 = vector.broadcast %mul3A_238 : f32 to vector<16xf32>
      %mul3A_240 = arith.mulf %mul3A_239, %sub3A_237 : vector<16xf32>
      %select_n3A_241 = arith.select %gt3A_233, %add3A_230, %mul3A_240 : vector<16xi1>, vector<16xf32>
      %swap3A_242 = arith.index_cast %add3A_169 : i32 to index
      %swap3A_243 = arith.constant 16 : index
      %swap3A_244 = tpu.vector_load %arg11[%swap3A_242, %swap3A_243] {strides = array<i32>} : memref<320x32xf32, #tpu.memory_space<vmem>>, vector<1x16xf32>,
      %swap3A_245 = vector.shape_cast %swap3A_244 : vector<1x16xf32> to vector<16xf32>
      %swap3A_246 = vector.shape_cast %select_n3A_241 : vector<16xf32> to vector<1x16xf32>
      tpu.vector_store %arg11[%swap3A_242, %swap3A_243], %swap3A_246 {strides = array<i32>} : memref<320x32xf32, #tpu.memory_space<vmem>>, vector<1x16xf32>,
      %mul3A_247 = arith.constant 4 : i32
      %mul3A_248 = arith.muli %mul3A_247, %scan3A_11 : i32
      %add3A_249 = arith.constant 3 : i32
      %add3A_250 = arith.addi %mul3A_248, %add3A_249 : i32
      %get3A_251 = arith.index_cast %add3A_250 : i32 to index
      %get3A_252 = arith.constant 0 : index
      %get3A_253 = tpu.vector_load %arg8[%get3A_251, %get3A_252] {strides = array<i32>} : memref<320x16xf32, #tpu.memory_space<vmem>>, vector<1x16xf32>,
      %get3A_254 = vector.shape_cast %get3A_253 : vector<1x16xf32> to vector<16xf32>
      %get3A_255 = arith.index_cast %add3A_250 : i32 to index
      %get3A_256 = arith.constant 0 : index
      %get3A_257 = tpu.vector_load %arg9[%get3A_255, %get3A_256] {strides = array<i32>} : memref<320x16xf32, #tpu.memory_space<vmem>>, vector<1x16xf32>,
      %get3A_258 = vector.shape_cast %get3A_257 : vector<1x16xf32> to vector<16xf32>
      %add3A_259 = arith.addf %get3A_254, %get3A_258 : vector<16xf32>
      %max3A_260 = arith.constant 1.000000e+00 : f32
      %max3A_261 = vector.broadcast %max3A_260 : f32 to vector<16xf32>
      %max3A_262 = arith.maximumf %add3A_259, %max3A_261 : vector<16xf32>
      %div3A_263 = arith.constant 1.000000e+00 : f32
      %div3A_264 = vector.broadcast %div3A_263 : f32 to vector<16xf32>
      %div3A_265 = arith.divf %div3A_264, %max3A_262 : vector<16xf32>
      %get3A_266 = arith.index_cast %add3A_250 : i32 to index
      %get3A_267 = arith.constant 0 : index
      %get3A_268 = tpu.vector_load %arg6[%get3A_266, %get3A_267] {strides = array<i32>} : memref<320x32xf32, #tpu.memory_space<vmem>>, vector<1x16xf32>,
      %get3A_269 = vector.shape_cast %get3A_268 : vector<1x16xf32> to vector<16xf32>
      %get3A_270 = arith.index_cast %add3A_250 : i32 to index
      %get3A_271 = arith.constant 0 : index
      %get3A_272 = tpu.vector_load %arg7[%get3A_270, %get3A_271] {strides = array<i32>} : memref<320x32xf32, #tpu.memory_space<vmem>>, vector<1x16xf32>,
      %get3A_273 = vector.shape_cast %get3A_272 : vector<1x16xf32> to vector<16xf32>
      %add3A_274 = arith.addf %get3A_269, %get3A_273 : vector<16xf32>
      %mul3A_275 = arith.mulf %add3A_274, %div3A_265 : vector<16xf32>
      %get3A_276 = arith.index_cast %add3A_250 : i32 to index
      %get3A_277 = arith.constant 0 : index
      %get3A_278 = tpu.vector_load %arg10[%get3A_276, %get3A_277] {strides = array<i32>} : memref<320x32xf32, #tpu.memory_space<vmem>>, vector<1x16xf32>,
      %get3A_279 = vector.shape_cast %get3A_278 : vector<1x16xf32> to vector<16xf32>
      %add3A_280 = arith.addf %mul3A_275, %get3A_279 : vector<16xf32>
      %gt3A_281 = arith.constant 0.000000e+00 : f32
      %gt3A_282 = vector.broadcast %gt3A_281 : f32 to vector<16xf32>
      %gt3A_283 = arith.cmpf ogt, %add3A_280, %gt3A_282 : vector<16xf32>
      %exp3A_284 = math.exp %add3A_280 : vector<16xf32>
      %sub3A_285 = arith.constant 1.000000e+00 : f32
      %sub3A_286 = vector.broadcast %sub3A_285 : f32 to vector<16xf32>
      %sub3A_287 = arith.subf %exp3A_284, %sub3A_286 : vector<16xf32>
      %mul3A_288 = arith.constant 2.000000e-01 : f32
      %mul3A_289 = vector.broadcast %mul3A_288 : f32 to vector<16xf32>
      %mul3A_290 = arith.mulf %mul3A_289, %sub3A_287 : vector<16xf32>
      %select_n3A_291 = arith.select %gt3A_283, %add3A_280, %mul3A_290 : vector<16xi1>, vector<16xf32>
      %swap3A_292 = arith.index_cast %add3A_250 : i32 to index
      %swap3A_293 = arith.constant 0 : index
      %swap3A_294 = tpu.vector_load %arg11[%swap3A_292, %swap3A_293] {strides = array<i32>} : memref<320x32xf32, #tpu.memory_space<vmem>>, vector<1x16xf32>,
      %swap3A_295 = vector.shape_cast %swap3A_294 : vector<1x16xf32> to vector<16xf32>
      %swap3A_296 = vector.shape_cast %select_n3A_291 : vector<16xf32> to vector<1x16xf32>
      tpu.vector_store %arg11[%swap3A_292, %swap3A_293], %swap3A_296 {strides = array<i32>} : memref<320x32xf32, #tpu.memory_space<vmem>>, vector<1x16xf32>,
      %get3A_297 = arith.index_cast %add3A_250 : i32 to index
      %get3A_298 = arith.constant 16 : index
      %get3A_299 = tpu.vector_load %arg6[%get3A_297, %get3A_298] {strides = array<i32>} : memref<320x32xf32, #tpu.memory_space<vmem>>, vector<1x16xf32>,
      %get3A_300 = vector.shape_cast %get3A_299 : vector<1x16xf32> to vector<16xf32>
      %get3A_301 = arith.index_cast %add3A_250 : i32 to index
      %get3A_302 = arith.constant 16 : index
      %get3A_303 = tpu.vector_load %arg7[%get3A_301, %get3A_302] {strides = array<i32>} : memref<320x32xf32, #tpu.memory_space<vmem>>, vector<1x16xf32>,
      %get3A_304 = vector.shape_cast %get3A_303 : vector<1x16xf32> to vector<16xf32>
      %add3A_305 = arith.addf %get3A_300, %get3A_304 : vector<16xf32>
      %mul3A_306 = arith.mulf %add3A_305, %div3A_265 : vector<16xf32>
      %get3A_307 = arith.index_cast %add3A_250 : i32 to index
      %get3A_308 = arith.constant 16 : index
      %get3A_309 = tpu.vector_load %arg10[%get3A_307, %get3A_308] {strides = array<i32>} : memref<320x32xf32, #tpu.memory_space<vmem>>, vector<1x16xf32>,
      %get3A_310 = vector.shape_cast %get3A_309 : vector<1x16xf32> to vector<16xf32>
      %add3A_311 = arith.addf %mul3A_306, %get3A_310 : vector<16xf32>
      %gt3A_312 = arith.constant 0.000000e+00 : f32
      %gt3A_313 = vector.broadcast %gt3A_312 : f32 to vector<16xf32>
      %gt3A_314 = arith.cmpf ogt, %add3A_311, %gt3A_313 : vector<16xf32>
      %exp3A_315 = math.exp %add3A_311 : vector<16xf32>
      %sub3A_316 = arith.constant 1.000000e+00 : f32
      %sub3A_317 = vector.broadcast %sub3A_316 : f32 to vector<16xf32>
      %sub3A_318 = arith.subf %exp3A_315, %sub3A_317 : vector<16xf32>
      %mul3A_319 = arith.constant 2.000000e-01 : f32
      %mul3A_320 = vector.broadcast %mul3A_319 : f32 to vector<16xf32>
      %mul3A_321 = arith.mulf %mul3A_320, %sub3A_318 : vector<16xf32>
      %select_n3A_322 = arith.select %gt3A_314, %add3A_311, %mul3A_321 : vector<16xi1>, vector<16xf32>
      %swap3A_323 = arith.index_cast %add3A_250 : i32 to index
      %swap3A_324 = arith.constant 16 : index
      %swap3A_325 = tpu.vector_load %arg11[%swap3A_323, %swap3A_324] {strides = array<i32>} : memref<320x32xf32, #tpu.memory_space<vmem>>, vector<1x16xf32>,
      %swap3A_326 = vector.shape_cast %swap3A_325 : vector<1x16xf32> to vector<16xf32>
      %swap3A_327 = vector.shape_cast %select_n3A_322 : vector<16xf32> to vector<1x16xf32>
      tpu.vector_store %arg11[%swap3A_323, %swap3A_324], %swap3A_327 {strides = array<i32>} : memref<320x32xf32, #tpu.memory_space<vmem>>, vector<1x16xf32>,
    }
    %scan3A_10 = arith.constant 80 : i32
    "tpu.region"() ({
      %run_scoped3A_11 = tpu.sem_alloc : memref<!tpu.dma_semaphore, #tpu.memory_space<semaphore_mem>>
      %dma_start3A = arith.constant 0 : i32
      %dma_start3A_12 = tpu.memref_slice %arg5[%mul3A_2, %dma_start3A] : memref<10240x32xf32, #tpu.memory_space<hbm>> -> memref<320x32xf32, #tpu.memory_space<hbm>>
      %dma_start3A_13 = arith.constant 0 : i32
      %dma_start3A_14 = tpu.memref_slice %arg5[%mul3A_2, %dma_start3A_13] : memref<10240x32xf32, #tpu.memory_space<hbm>> -> memref<320x32xf32, #tpu.memory_space<hbm>>
      tpu.enqueue_dma source(%arg11 : memref<320x32xf32, #tpu.memory_space<vmem>>) target(%dma_start3A_14 : memref<320x32xf32, #tpu.memory_space<hbm>>) target_semaphore(%run_scoped3A_11 : memref<!tpu.dma_semaphore, #tpu.memory_space<semaphore_mem>>)
      %dma_wait3A = arith.constant 0 : i32
      %dma_wait3A_15 = tpu.memref_slice %arg5[%mul3A_2, %dma_wait3A] : memref<10240x32xf32, #tpu.memory_space<hbm>> -> memref<320x32xf32, #tpu.memory_space<hbm>>
      %dma_wait3A_16 = arith.constant 0 : i32
      %dma_wait3A_17 = tpu.memref_slice %arg5[%mul3A_2, %dma_wait3A_16] : memref<10240x32xf32, #tpu.memory_space<hbm>> -> memref<320x32xf32, #tpu.memory_space<hbm>>
      tpu.wait_dma2 semaphore(%run_scoped3A_11 : memref<!tpu.dma_semaphore, #tpu.memory_space<semaphore_mem>>) src(%arg11 : memref<320x32xf32, #tpu.memory_space<vmem>>) dst(%dma_wait3A_17 : memref<320x32xf32, #tpu.memory_space<hbm>>)
      tpu.yield
    }) : () -> ()
    return
  }
}

#map = affine_map<(d0, d1) -> (0, 0)>
#map1 = affine_map<(d0, d1) -> (0, 0, 0)>
module attributes {stable_mosaic.version = 14 : i64} {
  func.func @_sc_pass_body(%arg0: i32, %arg1: i32, %arg2: memref<10240x32xf32, #tpu.memory_space<hbm>>, %arg3: memref<2x320000xi32, #tpu.memory_space<hbm>>, %arg4: memref<10240x32xf32, #tpu.memory_space<hbm>>, %arg5: memref<2x10240x32xf32, #tpu.memory_space<hbm>>, %arg6: memref<10000xi32, #tpu.memory_space<vmem>>, %arg7: memref<5x80xi32, #tpu.memory_space<vmem>>, %arg8: memref<5x80x32xf32, #tpu.memory_space<vmem>>, %arg9: memref<10240x32xf32, #tpu.memory_space<vmem_shared>>, %arg10: memref<!tpu.dma_semaphore, #tpu.memory_space<semaphore_mem>>, %arg11: memref<!tpu.dma_semaphore, #tpu.memory_space<semaphore_mem>>, %arg12: memref<!tpu.dma_semaphore, #tpu.memory_space<semaphore_mem>>, %arg13: memref<!tpu.dma_semaphore, #tpu.memory_space<semaphore_mem>>, %arg14: memref<!tpu.dma_semaphore, #tpu.memory_space<semaphore_mem>>, %arg15: memref<!tpu.dma_semaphore, #tpu.memory_space<semaphore_mem>>, %arg16: memref<!tpu.dma_semaphore, #tpu.memory_space<semaphore_mem>>, %arg17: memref<!tpu.dma_semaphore, #tpu.memory_space<semaphore_mem>>, %arg18: memref<!tpu.dma_semaphore, #tpu.memory_space<semaphore_mem>>, %arg19: memref<!tpu.dma_semaphore, #tpu.memory_space<semaphore_mem>>) attributes {dimension_semantics = [#tpu.dimension_semantics<core_parallel>, #tpu.dimension_semantics<subcore_parallel>], iteration_bounds = array<i64: 2, 16>, scalar_prefetch = 0 : i64, scratch_operands = 14 : i64, tpu.core_type = #tpu.core_type<sc_vector_subcore>, window_params = [{transform_indices = #map}, {transform_indices = #map}, {transform_indices = #map}, {transform_indices = #map1}]} {
    %mul3A = arith.constant 16 : i32
    %mul3A_0 = arith.muli %arg0, %mul3A : i32
    %add3A = arith.addi %mul3A_0, %arg1 : i32
    %mul3A_1 = arith.constant 10000 : i32
    %mul3A_2 = arith.muli %add3A, %mul3A_1 : i32
    %run_scoped3A = arith.constant 0 : i32
    "tpu.region"() ({
      %run_scoped3A_130 = tpu.sem_alloc : memref<!tpu.dma_semaphore, #tpu.memory_space<semaphore_mem>>
      %dma_start3A_131 = tpu.memref_slice %arg3[%run_scoped3A, %mul3A_2] : memref<2x320000xi32, #tpu.memory_space<hbm>> -> memref<1x10000xi32, #tpu.memory_space<hbm>>
      %dma_start3A_132 = tpu.memref_squeeze %dma_start3A_131 : memref<1x10000xi32, #tpu.memory_space<hbm>> -> memref<10000xi32, #tpu.memory_space<hbm>>
      %dma_start3A_133 = tpu.memref_slice %arg3[%run_scoped3A, %mul3A_2] : memref<2x320000xi32, #tpu.memory_space<hbm>> -> memref<1x10000xi32, #tpu.memory_space<hbm>>
      %dma_start3A_134 = tpu.memref_squeeze %dma_start3A_133 : memref<1x10000xi32, #tpu.memory_space<hbm>> -> memref<10000xi32, #tpu.memory_space<hbm>>
      tpu.enqueue_dma source(%dma_start3A_134 : memref<10000xi32, #tpu.memory_space<hbm>>) target(%arg6 : memref<10000xi32, #tpu.memory_space<vmem>>) target_semaphore(%run_scoped3A_130 : memref<!tpu.dma_semaphore, #tpu.memory_space<semaphore_mem>>)
      %dma_wait3A = tpu.memref_slice %arg3[%run_scoped3A, %mul3A_2] : memref<2x320000xi32, #tpu.memory_space<hbm>> -> memref<1x10000xi32, #tpu.memory_space<hbm>>
      %dma_wait3A_135 = tpu.memref_squeeze %dma_wait3A : memref<1x10000xi32, #tpu.memory_space<hbm>> -> memref<10000xi32, #tpu.memory_space<hbm>>
      %dma_wait3A_136 = tpu.memref_slice %arg3[%run_scoped3A, %mul3A_2] : memref<2x320000xi32, #tpu.memory_space<hbm>> -> memref<1x10000xi32, #tpu.memory_space<hbm>>
      %dma_wait3A_137 = tpu.memref_squeeze %dma_wait3A_136 : memref<1x10000xi32, #tpu.memory_space<hbm>> -> memref<10000xi32, #tpu.memory_space<hbm>>
      tpu.wait_dma2 semaphore(%run_scoped3A_130 : memref<!tpu.dma_semaphore, #tpu.memory_space<semaphore_mem>>) src(%dma_wait3A_137 : memref<10000xi32, #tpu.memory_space<hbm>>) dst(%arg6 : memref<10000xi32, #tpu.memory_space<vmem>>)
      tpu.yield
    }) : () -> ()
    %mul3A_3 = arith.constant 640 : i32
    %mul3A_4 = arith.muli %arg1, %mul3A_3 : i32
    "tpu.region"() ({
      %run_scoped3A_130 = tpu.sem_alloc : memref<!tpu.dma_semaphore, #tpu.memory_space<semaphore_mem>>
      %dma_start3A_131 = arith.constant 0 : i32
      %dma_start3A_132 = tpu.memref_slice %arg9[%mul3A_4, %dma_start3A_131] : memref<10240x32xf32, #tpu.memory_space<vmem_shared>> -> memref<640x32xf32, #tpu.memory_space<vmem_shared>>
      %dma_start3A_133 = arith.constant 0 : i32
      %dma_start3A_134 = tpu.memref_slice %arg4[%mul3A_4, %dma_start3A_133] : memref<10240x32xf32, #tpu.memory_space<hbm>> -> memref<640x32xf32, #tpu.memory_space<hbm>>
      tpu.enqueue_dma source(%dma_start3A_134 : memref<640x32xf32, #tpu.memory_space<hbm>>) target(%dma_start3A_132 : memref<640x32xf32, #tpu.memory_space<vmem_shared>>) target_semaphore(%run_scoped3A_130 : memref<!tpu.dma_semaphore, #tpu.memory_space<semaphore_mem>>)
      %dma_wait3A = arith.constant 0 : i32
      %dma_wait3A_135 = tpu.memref_slice %arg9[%mul3A_4, %dma_wait3A] : memref<10240x32xf32, #tpu.memory_space<vmem_shared>> -> memref<640x32xf32, #tpu.memory_space<vmem_shared>>
      %dma_wait3A_136 = arith.constant 0 : i32
      %dma_wait3A_137 = tpu.memref_slice %arg4[%mul3A_4, %dma_wait3A_136] : memref<10240x32xf32, #tpu.memory_space<hbm>> -> memref<640x32xf32, #tpu.memory_space<hbm>>
      tpu.wait_dma2 semaphore(%run_scoped3A_130 : memref<!tpu.dma_semaphore, #tpu.memory_space<semaphore_mem>>) src(%dma_wait3A_137 : memref<640x32xf32, #tpu.memory_space<hbm>>) dst(%dma_wait3A_135 : memref<640x32xf32, #tpu.memory_space<vmem_shared>>)
      tpu.yield
    }) : () -> ()
    %barrier3A = arith.constant 0 : index
    tpu.barrier barrier_id(%barrier3A)
    %add3A_5 = arith.constant 0 : i32
    %add3A_6 = arith.addi %mul3A_2, %add3A_5 : i32
    %dma_start3A = arith.constant 1 : i32
    %dma_start3A_7 = arith.constant 0 : i32
    %dma_start3A_8 = arith.constant 0 : i32
    %dma_start3A_9 = tpu.memref_slice %arg7[%dma_start3A_7, %dma_start3A_8] : memref<5x80xi32, #tpu.memory_space<vmem>> -> memref<1x80xi32, #tpu.memory_space<vmem>>
    %dma_start3A_10 = tpu.memref_squeeze %dma_start3A_9 : memref<1x80xi32, #tpu.memory_space<vmem>> -> memref<80xi32, #tpu.memory_space<vmem>>
    %dma_start3A_11 = tpu.memref_slice %arg3[%dma_start3A, %add3A_6] : memref<2x320000xi32, #tpu.memory_space<hbm>> -> memref<1x80xi32, #tpu.memory_space<hbm>>
    %dma_start3A_12 = tpu.memref_squeeze %dma_start3A_11 : memref<1x80xi32, #tpu.memory_space<hbm>> -> memref<80xi32, #tpu.memory_space<hbm>>
    %dma_start3A_13 = arith.constant 0 : i32
    %dma_start3A_14 = tpu.memref_slice %arg7[%dma_start3A_7, %dma_start3A_13] : memref<5x80xi32, #tpu.memory_space<vmem>> -> memref<1x80xi32, #tpu.memory_space<vmem>>
    %dma_start3A_15 = tpu.memref_squeeze %dma_start3A_14 : memref<1x80xi32, #tpu.memory_space<vmem>> -> memref<80xi32, #tpu.memory_space<vmem>>
    %dma_start3A_16 = tpu.memref_slice %arg3[%dma_start3A, %add3A_6] : memref<2x320000xi32, #tpu.memory_space<hbm>> -> memref<1x80xi32, #tpu.memory_space<hbm>>
    %dma_start3A_17 = tpu.memref_squeeze %dma_start3A_16 : memref<1x80xi32, #tpu.memory_space<hbm>> -> memref<80xi32, #tpu.memory_space<hbm>>
    tpu.enqueue_dma source(%dma_start3A_17 : memref<80xi32, #tpu.memory_space<hbm>>) target(%dma_start3A_15 : memref<80xi32, #tpu.memory_space<vmem>>) target_semaphore(%arg15 : memref<!tpu.dma_semaphore, #tpu.memory_space<semaphore_mem>>)
    %dma_start3A_18 = arith.constant 0 : i32
    %dma_start3A_19 = arith.constant 0 : i32
    %dma_start3A_20 = arith.constant 0 : i32
    %dma_start3A_21 = tpu.memref_slice %arg8[%dma_start3A_18, %dma_start3A_19, %dma_start3A_20] : memref<5x80x32xf32, #tpu.memory_space<vmem>> -> memref<1x80x32xf32, #tpu.memory_space<vmem>>
    %dma_start3A_22 = tpu.memref_squeeze %dma_start3A_21 : memref<1x80x32xf32, #tpu.memory_space<vmem>> -> memref<80x32xf32, #tpu.memory_space<vmem>>
    %dma_start3A_23 = arith.constant 0 : i32
    %dma_start3A_24 = tpu.memref_slice %arg6[%dma_start3A_23] : memref<10000xi32, #tpu.memory_space<vmem>> -> memref<80xi32, #tpu.memory_space<vmem>>
    %dma_start3A_25 = arith.constant 0 : i32
    %dma_start3A_26 = arith.constant 0 : i32
    %dma_start3A_27 = tpu.memref_slice %arg2[%dma_start3A_25, %dma_start3A_26] : memref<10240x32xf32, #tpu.memory_space<hbm>> -> memref<10240x32xf32, #tpu.memory_space<hbm>>
    tpu.enqueue_indirect_dma source(%dma_start3A_27 : memref<10240x32xf32, #tpu.memory_space<hbm>>) target(%dma_start3A_22 : memref<80x32xf32, #tpu.memory_space<vmem>>) offsets(%dma_start3A_24 : memref<80xi32, #tpu.memory_space<vmem>>) semaphore(%arg10 : memref<!tpu.dma_semaphore, #tpu.memory_space<semaphore_mem>>)
    %add3A_28 = arith.constant 80 : i32
    %add3A_29 = arith.addi %mul3A_2, %add3A_28 : i32
    %dma_start3A_30 = arith.constant 1 : i32
    %dma_start3A_31 = arith.constant 1 : i32
    %dma_start3A_32 = arith.constant 0 : i32
    %dma_start3A_33 = tpu.memref_slice %arg7[%dma_start3A_31, %dma_start3A_32] : memref<5x80xi32, #tpu.memory_space<vmem>> -> memref<1x80xi32, #tpu.memory_space<vmem>>
    %dma_start3A_34 = tpu.memref_squeeze %dma_start3A_33 : memref<1x80xi32, #tpu.memory_space<vmem>> -> memref<80xi32, #tpu.memory_space<vmem>>
    %dma_start3A_35 = tpu.memref_slice %arg3[%dma_start3A_30, %add3A_29] : memref<2x320000xi32, #tpu.memory_space<hbm>> -> memref<1x80xi32, #tpu.memory_space<hbm>>
    %dma_start3A_36 = tpu.memref_squeeze %dma_start3A_35 : memref<1x80xi32, #tpu.memory_space<hbm>> -> memref<80xi32, #tpu.memory_space<hbm>>
    %dma_start3A_37 = arith.constant 0 : i32
    %dma_start3A_38 = tpu.memref_slice %arg7[%dma_start3A_31, %dma_start3A_37] : memref<5x80xi32, #tpu.memory_space<vmem>> -> memref<1x80xi32, #tpu.memory_space<vmem>>
    %dma_start3A_39 = tpu.memref_squeeze %dma_start3A_38 : memref<1x80xi32, #tpu.memory_space<vmem>> -> memref<80xi32, #tpu.memory_space<vmem>>
    %dma_start3A_40 = tpu.memref_slice %arg3[%dma_start3A_30, %add3A_29] : memref<2x320000xi32, #tpu.memory_space<hbm>> -> memref<1x80xi32, #tpu.memory_space<hbm>>
    %dma_start3A_41 = tpu.memref_squeeze %dma_start3A_40 : memref<1x80xi32, #tpu.memory_space<hbm>> -> memref<80xi32, #tpu.memory_space<hbm>>
    tpu.enqueue_dma source(%dma_start3A_41 : memref<80xi32, #tpu.memory_space<hbm>>) target(%dma_start3A_39 : memref<80xi32, #tpu.memory_space<vmem>>) target_semaphore(%arg16 : memref<!tpu.dma_semaphore, #tpu.memory_space<semaphore_mem>>)
    %dma_start3A_42 = arith.constant 1 : i32
    %dma_start3A_43 = arith.constant 0 : i32
    %dma_start3A_44 = arith.constant 0 : i32
    %dma_start3A_45 = tpu.memref_slice %arg8[%dma_start3A_42, %dma_start3A_43, %dma_start3A_44] : memref<5x80x32xf32, #tpu.memory_space<vmem>> -> memref<1x80x32xf32, #tpu.memory_space<vmem>>
    %dma_start3A_46 = tpu.memref_squeeze %dma_start3A_45 : memref<1x80x32xf32, #tpu.memory_space<vmem>> -> memref<80x32xf32, #tpu.memory_space<vmem>>
    %dma_start3A_47 = arith.constant 80 : i32
    %dma_start3A_48 = tpu.memref_slice %arg6[%dma_start3A_47] : memref<10000xi32, #tpu.memory_space<vmem>> -> memref<80xi32, #tpu.memory_space<vmem>>
    %dma_start3A_49 = arith.constant 0 : i32
    %dma_start3A_50 = arith.constant 0 : i32
    %dma_start3A_51 = tpu.memref_slice %arg2[%dma_start3A_49, %dma_start3A_50] : memref<10240x32xf32, #tpu.memory_space<hbm>> -> memref<10240x32xf32, #tpu.memory_space<hbm>>
    tpu.enqueue_indirect_dma source(%dma_start3A_51 : memref<10240x32xf32, #tpu.memory_space<hbm>>) target(%dma_start3A_46 : memref<80x32xf32, #tpu.memory_space<vmem>>) offsets(%dma_start3A_48 : memref<80xi32, #tpu.memory_space<vmem>>) semaphore(%arg11 : memref<!tpu.dma_semaphore, #tpu.memory_space<semaphore_mem>>)
    %add3A_52 = arith.constant 160 : i32
    %add3A_53 = arith.addi %mul3A_2, %add3A_52 : i32
    %dma_start3A_54 = arith.constant 1 : i32
    %dma_start3A_55 = arith.constant 2 : i32
    %dma_start3A_56 = arith.constant 0 : i32
    %dma_start3A_57 = tpu.memref_slice %arg7[%dma_start3A_55, %dma_start3A_56] : memref<5x80xi32, #tpu.memory_space<vmem>> -> memref<1x80xi32, #tpu.memory_space<vmem>>
    %dma_start3A_58 = tpu.memref_squeeze %dma_start3A_57 : memref<1x80xi32, #tpu.memory_space<vmem>> -> memref<80xi32, #tpu.memory_space<vmem>>
    %dma_start3A_59 = tpu.memref_slice %arg3[%dma_start3A_54, %add3A_53] : memref<2x320000xi32, #tpu.memory_space<hbm>> -> memref<1x80xi32, #tpu.memory_space<hbm>>
    %dma_start3A_60 = tpu.memref_squeeze %dma_start3A_59 : memref<1x80xi32, #tpu.memory_space<hbm>> -> memref<80xi32, #tpu.memory_space<hbm>>
    %dma_start3A_61 = arith.constant 0 : i32
    %dma_start3A_62 = tpu.memref_slice %arg7[%dma_start3A_55, %dma_start3A_61] : memref<5x80xi32, #tpu.memory_space<vmem>> -> memref<1x80xi32, #tpu.memory_space<vmem>>
    %dma_start3A_63 = tpu.memref_squeeze %dma_start3A_62 : memref<1x80xi32, #tpu.memory_space<vmem>> -> memref<80xi32, #tpu.memory_space<vmem>>
    %dma_start3A_64 = tpu.memref_slice %arg3[%dma_start3A_54, %add3A_53] : memref<2x320000xi32, #tpu.memory_space<hbm>> -> memref<1x80xi32, #tpu.memory_space<hbm>>
    %dma_start3A_65 = tpu.memref_squeeze %dma_start3A_64 : memref<1x80xi32, #tpu.memory_space<hbm>> -> memref<80xi32, #tpu.memory_space<hbm>>
    tpu.enqueue_dma source(%dma_start3A_65 : memref<80xi32, #tpu.memory_space<hbm>>) target(%dma_start3A_63 : memref<80xi32, #tpu.memory_space<vmem>>) target_semaphore(%arg17 : memref<!tpu.dma_semaphore, #tpu.memory_space<semaphore_mem>>)
    %dma_start3A_66 = arith.constant 2 : i32
    %dma_start3A_67 = arith.constant 0 : i32
    %dma_start3A_68 = arith.constant 0 : i32
    %dma_start3A_69 = tpu.memref_slice %arg8[%dma_start3A_66, %dma_start3A_67, %dma_start3A_68] : memref<5x80x32xf32, #tpu.memory_space<vmem>> -> memref<1x80x32xf32, #tpu.memory_space<vmem>>
    %dma_start3A_70 = tpu.memref_squeeze %dma_start3A_69 : memref<1x80x32xf32, #tpu.memory_space<vmem>> -> memref<80x32xf32, #tpu.memory_space<vmem>>
    %dma_start3A_71 = arith.constant 160 : i32
    %dma_start3A_72 = tpu.memref_slice %arg6[%dma_start3A_71] : memref<10000xi32, #tpu.memory_space<vmem>> -> memref<80xi32, #tpu.memory_space<vmem>>
    %dma_start3A_73 = arith.constant 0 : i32
    %dma_start3A_74 = arith.constant 0 : i32
    %dma_start3A_75 = tpu.memref_slice %arg2[%dma_start3A_73, %dma_start3A_74] : memref<10240x32xf32, #tpu.memory_space<hbm>> -> memref<10240x32xf32, #tpu.memory_space<hbm>>
    tpu.enqueue_indirect_dma source(%dma_start3A_75 : memref<10240x32xf32, #tpu.memory_space<hbm>>) target(%dma_start3A_70 : memref<80x32xf32, #tpu.memory_space<vmem>>) offsets(%dma_start3A_72 : memref<80xi32, #tpu.memory_space<vmem>>) semaphore(%arg12 : memref<!tpu.dma_semaphore, #tpu.memory_space<semaphore_mem>>)
    %add3A_76 = arith.constant 240 : i32
    %add3A_77 = arith.addi %mul3A_2, %add3A_76 : i32
    %dma_start3A_78 = arith.constant 1 : i32
    %dma_start3A_79 = arith.constant 3 : i32
    %dma_start3A_80 = arith.constant 0 : i32
    %dma_start3A_81 = tpu.memref_slice %arg7[%dma_start3A_79, %dma_start3A_80] : memref<5x80xi32, #tpu.memory_space<vmem>> -> memref<1x80xi32, #tpu.memory_space<vmem>>
    %dma_start3A_82 = tpu.memref_squeeze %dma_start3A_81 : memref<1x80xi32, #tpu.memory_space<vmem>> -> memref<80xi32, #tpu.memory_space<vmem>>
    %dma_start3A_83 = tpu.memref_slice %arg3[%dma_start3A_78, %add3A_77] : memref<2x320000xi32, #tpu.memory_space<hbm>> -> memref<1x80xi32, #tpu.memory_space<hbm>>
    %dma_start3A_84 = tpu.memref_squeeze %dma_start3A_83 : memref<1x80xi32, #tpu.memory_space<hbm>> -> memref<80xi32, #tpu.memory_space<hbm>>
    %dma_start3A_85 = arith.constant 0 : i32
    %dma_start3A_86 = tpu.memref_slice %arg7[%dma_start3A_79, %dma_start3A_85] : memref<5x80xi32, #tpu.memory_space<vmem>> -> memref<1x80xi32, #tpu.memory_space<vmem>>
    %dma_start3A_87 = tpu.memref_squeeze %dma_start3A_86 : memref<1x80xi32, #tpu.memory_space<vmem>> -> memref<80xi32, #tpu.memory_space<vmem>>
    %dma_start3A_88 = tpu.memref_slice %arg3[%dma_start3A_78, %add3A_77] : memref<2x320000xi32, #tpu.memory_space<hbm>> -> memref<1x80xi32, #tpu.memory_space<hbm>>
    %dma_start3A_89 = tpu.memref_squeeze %dma_start3A_88 : memref<1x80xi32, #tpu.memory_space<hbm>> -> memref<80xi32, #tpu.memory_space<hbm>>
    tpu.enqueue_dma source(%dma_start3A_89 : memref<80xi32, #tpu.memory_space<hbm>>) target(%dma_start3A_87 : memref<80xi32, #tpu.memory_space<vmem>>) target_semaphore(%arg18 : memref<!tpu.dma_semaphore, #tpu.memory_space<semaphore_mem>>)
    %dma_start3A_90 = arith.constant 3 : i32
    %dma_start3A_91 = arith.constant 0 : i32
    %dma_start3A_92 = arith.constant 0 : i32
    %dma_start3A_93 = tpu.memref_slice %arg8[%dma_start3A_90, %dma_start3A_91, %dma_start3A_92] : memref<5x80x32xf32, #tpu.memory_space<vmem>> -> memref<1x80x32xf32, #tpu.memory_space<vmem>>
    %dma_start3A_94 = tpu.memref_squeeze %dma_start3A_93 : memref<1x80x32xf32, #tpu.memory_space<vmem>> -> memref<80x32xf32, #tpu.memory_space<vmem>>
    %dma_start3A_95 = arith.constant 240 : i32
    %dma_start3A_96 = tpu.memref_slice %arg6[%dma_start3A_95] : memref<10000xi32, #tpu.memory_space<vmem>> -> memref<80xi32, #tpu.memory_space<vmem>>
    %dma_start3A_97 = arith.constant 0 : i32
    %dma_start3A_98 = arith.constant 0 : i32
    %dma_start3A_99 = tpu.memref_slice %arg2[%dma_start3A_97, %dma_start3A_98] : memref<10240x32xf32, #tpu.memory_space<hbm>> -> memref<10240x32xf32, #tpu.memory_space<hbm>>
    tpu.enqueue_indirect_dma source(%dma_start3A_99 : memref<10240x32xf32, #tpu.memory_space<hbm>>) target(%dma_start3A_94 : memref<80x32xf32, #tpu.memory_space<vmem>>) offsets(%dma_start3A_96 : memref<80xi32, #tpu.memory_space<vmem>>) semaphore(%arg13 : memref<!tpu.dma_semaphore, #tpu.memory_space<semaphore_mem>>)
    %add3A_100 = arith.constant 320 : i32
    %add3A_101 = arith.addi %mul3A_2, %add3A_100 : i32
    %dma_start3A_102 = arith.constant 1 : i32
    %dma_start3A_103 = arith.constant 4 : i32
    %dma_start3A_104 = arith.constant 0 : i32
    %dma_start3A_105 = tpu.memref_slice %arg7[%dma_start3A_103, %dma_start3A_104] : memref<5x80xi32, #tpu.memory_space<vmem>> -> memref<1x80xi32, #tpu.memory_space<vmem>>
    %dma_start3A_106 = tpu.memref_squeeze %dma_start3A_105 : memref<1x80xi32, #tpu.memory_space<vmem>> -> memref<80xi32, #tpu.memory_space<vmem>>
    %dma_start3A_107 = tpu.memref_slice %arg3[%dma_start3A_102, %add3A_101] : memref<2x320000xi32, #tpu.memory_space<hbm>> -> memref<1x80xi32, #tpu.memory_space<hbm>>
    %dma_start3A_108 = tpu.memref_squeeze %dma_start3A_107 : memref<1x80xi32, #tpu.memory_space<hbm>> -> memref<80xi32, #tpu.memory_space<hbm>>
    %dma_start3A_109 = arith.constant 0 : i32
    %dma_start3A_110 = tpu.memref_slice %arg7[%dma_start3A_103, %dma_start3A_109] : memref<5x80xi32, #tpu.memory_space<vmem>> -> memref<1x80xi32, #tpu.memory_space<vmem>>
    %dma_start3A_111 = tpu.memref_squeeze %dma_start3A_110 : memref<1x80xi32, #tpu.memory_space<vmem>> -> memref<80xi32, #tpu.memory_space<vmem>>
    %dma_start3A_112 = tpu.memref_slice %arg3[%dma_start3A_102, %add3A_101] : memref<2x320000xi32, #tpu.memory_space<hbm>> -> memref<1x80xi32, #tpu.memory_space<hbm>>
    %dma_start3A_113 = tpu.memref_squeeze %dma_start3A_112 : memref<1x80xi32, #tpu.memory_space<hbm>> -> memref<80xi32, #tpu.memory_space<hbm>>
    tpu.enqueue_dma source(%dma_start3A_113 : memref<80xi32, #tpu.memory_space<hbm>>) target(%dma_start3A_111 : memref<80xi32, #tpu.memory_space<vmem>>) target_semaphore(%arg19 : memref<!tpu.dma_semaphore, #tpu.memory_space<semaphore_mem>>)
    %dma_start3A_114 = arith.constant 4 : i32
    %dma_start3A_115 = arith.constant 0 : i32
    %dma_start3A_116 = arith.constant 0 : i32
    %dma_start3A_117 = tpu.memref_slice %arg8[%dma_start3A_114, %dma_start3A_115, %dma_start3A_116] : memref<5x80x32xf32, #tpu.memory_space<vmem>> -> memref<1x80x32xf32, #tpu.memory_space<vmem>>
    %dma_start3A_118 = tpu.memref_squeeze %dma_start3A_117 : memref<1x80x32xf32, #tpu.memory_space<vmem>> -> memref<80x32xf32, #tpu.memory_space<vmem>>
    %dma_start3A_119 = arith.constant 320 : i32
    %dma_start3A_120 = tpu.memref_slice %arg6[%dma_start3A_119] : memref<10000xi32, #tpu.memory_space<vmem>> -> memref<80xi32, #tpu.memory_space<vmem>>
    %dma_start3A_121 = arith.constant 0 : i32
    %dma_start3A_122 = arith.constant 0 : i32
    %dma_start3A_123 = tpu.memref_slice %arg2[%dma_start3A_121, %dma_start3A_122] : memref<10240x32xf32, #tpu.memory_space<hbm>> -> memref<10240x32xf32, #tpu.memory_space<hbm>>
    tpu.enqueue_indirect_dma source(%dma_start3A_123 : memref<10240x32xf32, #tpu.memory_space<hbm>>) target(%dma_start3A_118 : memref<80x32xf32, #tpu.memory_space<vmem>>) offsets(%dma_start3A_120 : memref<80xi32, #tpu.memory_space<vmem>>) semaphore(%arg14 : memref<!tpu.dma_semaphore, #tpu.memory_space<semaphore_mem>>)
    %scan3A = arith.constant 0 : i32
    %scan3A_124 = arith.constant 0 : i32
    %scan3A_125 = arith.constant 25 : i32
    %scan3A_126 = arith.addi %scan3A_124, %scan3A_125 : i32
    %scan3A_127 = arith.constant 1 : i32
    scf.for %scan3A_130 = %scan3A_124 to %scan3A_126 step %scan3A_127  : i32 {
      %mul3A_131 = arith.constant 5 : i32
      %mul3A_132 = arith.muli %scan3A_130, %mul3A_131 : i32
      %add3A_133 = arith.constant 0 : i32
      %add3A_134 = arith.addi %mul3A_132, %add3A_133 : i32
      %mul3A_135 = arith.constant 80 : i32
      %mul3A_136 = arith.muli %add3A_134, %mul3A_135 : i32
      %add3A_137 = arith.addi %mul3A_2, %mul3A_136 : i32
      %dma_wait3A = arith.constant 1 : i32
      %dma_wait3A_138 = arith.constant 0 : i32
      %dma_wait3A_139 = arith.constant 0 : i32
      %dma_wait3A_140 = tpu.memref_slice %arg7[%dma_wait3A_138, %dma_wait3A_139] : memref<5x80xi32, #tpu.memory_space<vmem>> -> memref<1x80xi32, #tpu.memory_space<vmem>>
      %dma_wait3A_141 = tpu.memref_squeeze %dma_wait3A_140 : memref<1x80xi32, #tpu.memory_space<vmem>> -> memref<80xi32, #tpu.memory_space<vmem>>
      %dma_wait3A_142 = tpu.memref_slice %arg3[%dma_wait3A, %add3A_137] : memref<2x320000xi32, #tpu.memory_space<hbm>> -> memref<1x80xi32, #tpu.memory_space<hbm>>
      %dma_wait3A_143 = tpu.memref_squeeze %dma_wait3A_142 : memref<1x80xi32, #tpu.memory_space<hbm>> -> memref<80xi32, #tpu.memory_space<hbm>>
      %dma_wait3A_144 = arith.constant 0 : i32
      %dma_wait3A_145 = tpu.memref_slice %arg7[%dma_wait3A_138, %dma_wait3A_144] : memref<5x80xi32, #tpu.memory_space<vmem>> -> memref<1x80xi32, #tpu.memory_space<vmem>>
      %dma_wait3A_146 = tpu.memref_squeeze %dma_wait3A_145 : memref<1x80xi32, #tpu.memory_space<vmem>> -> memref<80xi32, #tpu.memory_space<vmem>>
      %dma_wait3A_147 = tpu.memref_slice %arg3[%dma_wait3A, %add3A_137] : memref<2x320000xi32, #tpu.memory_space<hbm>> -> memref<1x80xi32, #tpu.memory_space<hbm>>
      %dma_wait3A_148 = tpu.memref_squeeze %dma_wait3A_147 : memref<1x80xi32, #tpu.memory_space<hbm>> -> memref<80xi32, #tpu.memory_space<hbm>>
      tpu.wait_dma2 semaphore(%arg15 : memref<!tpu.dma_semaphore, #tpu.memory_space<semaphore_mem>>) src(%dma_wait3A_148 : memref<80xi32, #tpu.memory_space<hbm>>) dst(%dma_wait3A_146 : memref<80xi32, #tpu.memory_space<vmem>>)
      %mul3A_149 = arith.constant 80 : i32
      %mul3A_150 = arith.muli %add3A_134, %mul3A_149 : i32
      %dma_wait3A_151 = arith.constant 0 : i32
      %dma_wait3A_152 = arith.constant 0 : i32
      %dma_wait3A_153 = arith.constant 0 : i32
      %dma_wait3A_154 = tpu.memref_slice %arg8[%dma_wait3A_151, %dma_wait3A_152, %dma_wait3A_153] : memref<5x80x32xf32, #tpu.memory_space<vmem>> -> memref<1x80x32xf32, #tpu.memory_space<vmem>>
      %dma_wait3A_155 = tpu.memref_squeeze %dma_wait3A_154 : memref<1x80x32xf32, #tpu.memory_space<vmem>> -> memref<80x32xf32, #tpu.memory_space<vmem>>
      %dma_wait3A_156 = tpu.memref_slice %arg6[%mul3A_150] : memref<10000xi32, #tpu.memory_space<vmem>> -> memref<80xi32, #tpu.memory_space<vmem>>
      %dma_wait3A_157 = arith.constant 0 : i32
      %dma_wait3A_158 = arith.constant 0 : i32
      %dma_wait3A_159 = tpu.memref_slice %arg2[%dma_wait3A_157, %dma_wait3A_158] : memref<10240x32xf32, #tpu.memory_space<hbm>> -> memref<10240x32xf32, #tpu.memory_space<hbm>>
      tpu.wait_indirect_dma semaphore(%arg10 : memref<!tpu.dma_semaphore, #tpu.memory_space<semaphore_mem>>) src(%dma_wait3A_159 : memref<10240x32xf32, #tpu.memory_space<hbm>>) dst(%dma_wait3A_155 : memref<80x32xf32, #tpu.memory_space<vmem>>)
      %run_scoped3A_160 = arith.constant 0 : i32
      %run_scoped3A_161 = arith.constant 0 : i32
      "tpu.region"() ({
        %run_scoped3A_304 = tpu.sem_alloc : memref<!tpu.dma_semaphore, #tpu.memory_space<semaphore_mem>>
        %dma_start3A_305 = arith.constant 0 : i32
        %dma_start3A_306 = arith.constant 0 : i32
        %dma_start3A_307 = tpu.memref_slice %arg8[%run_scoped3A_160, %dma_start3A_305, %dma_start3A_306] : memref<5x80x32xf32, #tpu.memory_space<vmem>> -> memref<1x80x32xf32, #tpu.memory_space<vmem>>
        %dma_start3A_308 = tpu.memref_squeeze %dma_start3A_307 : memref<1x80x32xf32, #tpu.memory_space<vmem>> -> memref<80x32xf32, #tpu.memory_space<vmem>>
        %dma_start3A_309 = arith.constant 0 : i32
        %dma_start3A_310 = tpu.memref_slice %arg7[%run_scoped3A_161, %dma_start3A_309] : memref<5x80xi32, #tpu.memory_space<vmem>> -> memref<1x80xi32, #tpu.memory_space<vmem>>
        %dma_start3A_311 = tpu.memref_squeeze %dma_start3A_310 : memref<1x80xi32, #tpu.memory_space<vmem>> -> memref<80xi32, #tpu.memory_space<vmem>>
        %dma_start3A_312 = arith.constant 0 : i32
        %dma_start3A_313 = arith.constant 0 : i32
        %dma_start3A_314 = tpu.memref_slice %arg9[%dma_start3A_312, %dma_start3A_313] : memref<10240x32xf32, #tpu.memory_space<vmem_shared>> -> memref<10240x32xf32, #tpu.memory_space<vmem_shared>>
        tpu.enqueue_indirect_dma source(%dma_start3A_308 : memref<80x32xf32, #tpu.memory_space<vmem>>) target(%dma_start3A_314 : memref<10240x32xf32, #tpu.memory_space<vmem_shared>>) offsets(%dma_start3A_311 : memref<80xi32, #tpu.memory_space<vmem>>) semaphore(%run_scoped3A_304 : memref<!tpu.dma_semaphore, #tpu.memory_space<semaphore_mem>>) {add = true}
        %dma_wait3A_315 = arith.constant 0 : i32
        %dma_wait3A_316 = arith.constant 0 : i32
        %dma_wait3A_317 = tpu.memref_slice %arg8[%run_scoped3A_160, %dma_wait3A_315, %dma_wait3A_316] : memref<5x80x32xf32, #tpu.memory_space<vmem>> -> memref<1x80x32xf32, #tpu.memory_space<vmem>>
        %dma_wait3A_318 = tpu.memref_squeeze %dma_wait3A_317 : memref<1x80x32xf32, #tpu.memory_space<vmem>> -> memref<80x32xf32, #tpu.memory_space<vmem>>
        %dma_wait3A_319 = arith.constant 0 : i32
        %dma_wait3A_320 = tpu.memref_slice %arg7[%run_scoped3A_161, %dma_wait3A_319] : memref<5x80xi32, #tpu.memory_space<vmem>> -> memref<1x80xi32, #tpu.memory_space<vmem>>
        %dma_wait3A_321 = tpu.memref_squeeze %dma_wait3A_320 : memref<1x80xi32, #tpu.memory_space<vmem>> -> memref<80xi32, #tpu.memory_space<vmem>>
        %dma_wait3A_322 = arith.constant 0 : i32
        %dma_wait3A_323 = arith.constant 0 : i32
        %dma_wait3A_324 = tpu.memref_slice %arg9[%dma_wait3A_322, %dma_wait3A_323] : memref<10240x32xf32, #tpu.memory_space<vmem_shared>> -> memref<10240x32xf32, #tpu.memory_space<vmem_shared>>
        tpu.wait_indirect_dma semaphore(%run_scoped3A_304 : memref<!tpu.dma_semaphore, #tpu.memory_space<semaphore_mem>>) src(%dma_wait3A_318 : memref<80x32xf32, #tpu.memory_space<vmem>>) dst(%dma_wait3A_324 : memref<10240x32xf32, #tpu.memory_space<vmem_shared>>)
        tpu.yield
      }) : () -> ()
      %lt3A = arith.constant 24 : i32
      %lt3A_162 = arith.cmpi slt, %scan3A_130, %lt3A : i32
      %convert_element_type3A = arith.extui %lt3A_162 : i1 to i32
      %cond3A = arith.constant 0 : i32
      %cond3A_163 = arith.cmpi ne, %convert_element_type3A, %cond3A : i32
      scf.if %cond3A_163 {
        %add3A_304 = arith.constant 5 : i32
        %add3A_305 = arith.addi %add3A_134, %add3A_304 : i32
        %mul3A_306 = arith.constant 80 : i32
        %mul3A_307 = arith.muli %add3A_305, %mul3A_306 : i32
        %add3A_308 = arith.addi %mul3A_2, %mul3A_307 : i32
        %dma_start3A_309 = arith.constant 1 : i32
        %dma_start3A_310 = arith.constant 0 : i32
        %dma_start3A_311 = arith.constant 0 : i32
        %dma_start3A_312 = tpu.memref_slice %arg7[%dma_start3A_310, %dma_start3A_311] : memref<5x80xi32, #tpu.memory_space<vmem>> -> memref<1x80xi32, #tpu.memory_space<vmem>>
        %dma_start3A_313 = tpu.memref_squeeze %dma_start3A_312 : memref<1x80xi32, #tpu.memory_space<vmem>> -> memref<80xi32, #tpu.memory_space<vmem>>
        %dma_start3A_314 = tpu.memref_slice %arg3[%dma_start3A_309, %add3A_308] : memref<2x320000xi32, #tpu.memory_space<hbm>> -> memref<1x80xi32, #tpu.memory_space<hbm>>
        %dma_start3A_315 = tpu.memref_squeeze %dma_start3A_314 : memref<1x80xi32, #tpu.memory_space<hbm>> -> memref<80xi32, #tpu.memory_space<hbm>>
        %dma_start3A_316 = arith.constant 0 : i32
        %dma_start3A_317 = tpu.memref_slice %arg7[%dma_start3A_310, %dma_start3A_316] : memref<5x80xi32, #tpu.memory_space<vmem>> -> memref<1x80xi32, #tpu.memory_space<vmem>>
        %dma_start3A_318 = tpu.memref_squeeze %dma_start3A_317 : memref<1x80xi32, #tpu.memory_space<vmem>> -> memref<80xi32, #tpu.memory_space<vmem>>
        %dma_start3A_319 = tpu.memref_slice %arg3[%dma_start3A_309, %add3A_308] : memref<2x320000xi32, #tpu.memory_space<hbm>> -> memref<1x80xi32, #tpu.memory_space<hbm>>
        %dma_start3A_320 = tpu.memref_squeeze %dma_start3A_319 : memref<1x80xi32, #tpu.memory_space<hbm>> -> memref<80xi32, #tpu.memory_space<hbm>>
        tpu.enqueue_dma source(%dma_start3A_320 : memref<80xi32, #tpu.memory_space<hbm>>) target(%dma_start3A_318 : memref<80xi32, #tpu.memory_space<vmem>>) target_semaphore(%arg15 : memref<!tpu.dma_semaphore, #tpu.memory_space<semaphore_mem>>)
        %mul3A_321 = arith.constant 80 : i32
        %mul3A_322 = arith.muli %add3A_305, %mul3A_321 : i32
        %dma_start3A_323 = arith.constant 0 : i32
        %dma_start3A_324 = arith.constant 0 : i32
        %dma_start3A_325 = arith.constant 0 : i32
        %dma_start3A_326 = tpu.memref_slice %arg8[%dma_start3A_323, %dma_start3A_324, %dma_start3A_325] : memref<5x80x32xf32, #tpu.memory_space<vmem>> -> memref<1x80x32xf32, #tpu.memory_space<vmem>>
        %dma_start3A_327 = tpu.memref_squeeze %dma_start3A_326 : memref<1x80x32xf32, #tpu.memory_space<vmem>> -> memref<80x32xf32, #tpu.memory_space<vmem>>
        %dma_start3A_328 = tpu.memref_slice %arg6[%mul3A_322] : memref<10000xi32, #tpu.memory_space<vmem>> -> memref<80xi32, #tpu.memory_space<vmem>>
        %dma_start3A_329 = arith.constant 0 : i32
        %dma_start3A_330 = arith.constant 0 : i32
        %dma_start3A_331 = tpu.memref_slice %arg2[%dma_start3A_329, %dma_start3A_330] : memref<10240x32xf32, #tpu.memory_space<hbm>> -> memref<10240x32xf32, #tpu.memory_space<hbm>>
        tpu.enqueue_indirect_dma source(%dma_start3A_331 : memref<10240x32xf32, #tpu.memory_space<hbm>>) target(%dma_start3A_327 : memref<80x32xf32, #tpu.memory_space<vmem>>) offsets(%dma_start3A_328 : memref<80xi32, #tpu.memory_space<vmem>>) semaphore(%arg10 : memref<!tpu.dma_semaphore, #tpu.memory_space<semaphore_mem>>)
      } else {
      }
      %add3A_164 = arith.constant 1 : i32
      %add3A_165 = arith.addi %mul3A_132, %add3A_164 : i32
      %mul3A_166 = arith.constant 80 : i32
      %mul3A_167 = arith.muli %add3A_165, %mul3A_166 : i32
      %add3A_168 = arith.addi %mul3A_2, %mul3A_167 : i32
      %dma_wait3A_169 = arith.constant 1 : i32
      %dma_wait3A_170 = arith.constant 1 : i32
      %dma_wait3A_171 = arith.constant 0 : i32
      %dma_wait3A_172 = tpu.memref_slice %arg7[%dma_wait3A_170, %dma_wait3A_171] : memref<5x80xi32, #tpu.memory_space<vmem>> -> memref<1x80xi32, #tpu.memory_space<vmem>>
      %dma_wait3A_173 = tpu.memref_squeeze %dma_wait3A_172 : memref<1x80xi32, #tpu.memory_space<vmem>> -> memref<80xi32, #tpu.memory_space<vmem>>
      %dma_wait3A_174 = tpu.memref_slice %arg3[%dma_wait3A_169, %add3A_168] : memref<2x320000xi32, #tpu.memory_space<hbm>> -> memref<1x80xi32, #tpu.memory_space<hbm>>
      %dma_wait3A_175 = tpu.memref_squeeze %dma_wait3A_174 : memref<1x80xi32, #tpu.memory_space<hbm>> -> memref<80xi32, #tpu.memory_space<hbm>>
      %dma_wait3A_176 = arith.constant 0 : i32
      %dma_wait3A_177 = tpu.memref_slice %arg7[%dma_wait3A_170, %dma_wait3A_176] : memref<5x80xi32, #tpu.memory_space<vmem>> -> memref<1x80xi32, #tpu.memory_space<vmem>>
      %dma_wait3A_178 = tpu.memref_squeeze %dma_wait3A_177 : memref<1x80xi32, #tpu.memory_space<vmem>> -> memref<80xi32, #tpu.memory_space<vmem>>
      %dma_wait3A_179 = tpu.memref_slice %arg3[%dma_wait3A_169, %add3A_168] : memref<2x320000xi32, #tpu.memory_space<hbm>> -> memref<1x80xi32, #tpu.memory_space<hbm>>
      %dma_wait3A_180 = tpu.memref_squeeze %dma_wait3A_179 : memref<1x80xi32, #tpu.memory_space<hbm>> -> memref<80xi32, #tpu.memory_space<hbm>>
      tpu.wait_dma2 semaphore(%arg16 : memref<!tpu.dma_semaphore, #tpu.memory_space<semaphore_mem>>) src(%dma_wait3A_180 : memref<80xi32, #tpu.memory_space<hbm>>) dst(%dma_wait3A_178 : memref<80xi32, #tpu.memory_space<vmem>>)
      %mul3A_181 = arith.constant 80 : i32
      %mul3A_182 = arith.muli %add3A_165, %mul3A_181 : i32
      %dma_wait3A_183 = arith.constant 1 : i32
      %dma_wait3A_184 = arith.constant 0 : i32
      %dma_wait3A_185 = arith.constant 0 : i32
      %dma_wait3A_186 = tpu.memref_slice %arg8[%dma_wait3A_183, %dma_wait3A_184, %dma_wait3A_185] : memref<5x80x32xf32, #tpu.memory_space<vmem>> -> memref<1x80x32xf32, #tpu.memory_space<vmem>>
      %dma_wait3A_187 = tpu.memref_squeeze %dma_wait3A_186 : memref<1x80x32xf32, #tpu.memory_space<vmem>> -> memref<80x32xf32, #tpu.memory_space<vmem>>
      %dma_wait3A_188 = tpu.memref_slice %arg6[%mul3A_182] : memref<10000xi32, #tpu.memory_space<vmem>> -> memref<80xi32, #tpu.memory_space<vmem>>
      %dma_wait3A_189 = arith.constant 0 : i32
      %dma_wait3A_190 = arith.constant 0 : i32
      %dma_wait3A_191 = tpu.memref_slice %arg2[%dma_wait3A_189, %dma_wait3A_190] : memref<10240x32xf32, #tpu.memory_space<hbm>> -> memref<10240x32xf32, #tpu.memory_space<hbm>>
      tpu.wait_indirect_dma semaphore(%arg11 : memref<!tpu.dma_semaphore, #tpu.memory_space<semaphore_mem>>) src(%dma_wait3A_191 : memref<10240x32xf32, #tpu.memory_space<hbm>>) dst(%dma_wait3A_187 : memref<80x32xf32, #tpu.memory_space<vmem>>)
      %run_scoped3A_192 = arith.constant 1 : i32
      %run_scoped3A_193 = arith.constant 1 : i32
      "tpu.region"() ({
        %run_scoped3A_304 = tpu.sem_alloc : memref<!tpu.dma_semaphore, #tpu.memory_space<semaphore_mem>>
        %dma_start3A_305 = arith.constant 0 : i32
        %dma_start3A_306 = arith.constant 0 : i32
        %dma_start3A_307 = tpu.memref_slice %arg8[%run_scoped3A_192, %dma_start3A_305, %dma_start3A_306] : memref<5x80x32xf32, #tpu.memory_space<vmem>> -> memref<1x80x32xf32, #tpu.memory_space<vmem>>
        %dma_start3A_308 = tpu.memref_squeeze %dma_start3A_307 : memref<1x80x32xf32, #tpu.memory_space<vmem>> -> memref<80x32xf32, #tpu.memory_space<vmem>>
        %dma_start3A_309 = arith.constant 0 : i32
        %dma_start3A_310 = tpu.memref_slice %arg7[%run_scoped3A_193, %dma_start3A_309] : memref<5x80xi32, #tpu.memory_space<vmem>> -> memref<1x80xi32, #tpu.memory_space<vmem>>
        %dma_start3A_311 = tpu.memref_squeeze %dma_start3A_310 : memref<1x80xi32, #tpu.memory_space<vmem>> -> memref<80xi32, #tpu.memory_space<vmem>>
        %dma_start3A_312 = arith.constant 0 : i32
        %dma_start3A_313 = arith.constant 0 : i32
        %dma_start3A_314 = tpu.memref_slice %arg9[%dma_start3A_312, %dma_start3A_313] : memref<10240x32xf32, #tpu.memory_space<vmem_shared>> -> memref<10240x32xf32, #tpu.memory_space<vmem_shared>>
        tpu.enqueue_indirect_dma source(%dma_start3A_308 : memref<80x32xf32, #tpu.memory_space<vmem>>) target(%dma_start3A_314 : memref<10240x32xf32, #tpu.memory_space<vmem_shared>>) offsets(%dma_start3A_311 : memref<80xi32, #tpu.memory_space<vmem>>) semaphore(%run_scoped3A_304 : memref<!tpu.dma_semaphore, #tpu.memory_space<semaphore_mem>>) {add = true}
        %dma_wait3A_315 = arith.constant 0 : i32
        %dma_wait3A_316 = arith.constant 0 : i32
        %dma_wait3A_317 = tpu.memref_slice %arg8[%run_scoped3A_192, %dma_wait3A_315, %dma_wait3A_316] : memref<5x80x32xf32, #tpu.memory_space<vmem>> -> memref<1x80x32xf32, #tpu.memory_space<vmem>>
        %dma_wait3A_318 = tpu.memref_squeeze %dma_wait3A_317 : memref<1x80x32xf32, #tpu.memory_space<vmem>> -> memref<80x32xf32, #tpu.memory_space<vmem>>
        %dma_wait3A_319 = arith.constant 0 : i32
        %dma_wait3A_320 = tpu.memref_slice %arg7[%run_scoped3A_193, %dma_wait3A_319] : memref<5x80xi32, #tpu.memory_space<vmem>> -> memref<1x80xi32, #tpu.memory_space<vmem>>
        %dma_wait3A_321 = tpu.memref_squeeze %dma_wait3A_320 : memref<1x80xi32, #tpu.memory_space<vmem>> -> memref<80xi32, #tpu.memory_space<vmem>>
        %dma_wait3A_322 = arith.constant 0 : i32
        %dma_wait3A_323 = arith.constant 0 : i32
        %dma_wait3A_324 = tpu.memref_slice %arg9[%dma_wait3A_322, %dma_wait3A_323] : memref<10240x32xf32, #tpu.memory_space<vmem_shared>> -> memref<10240x32xf32, #tpu.memory_space<vmem_shared>>
        tpu.wait_indirect_dma semaphore(%run_scoped3A_304 : memref<!tpu.dma_semaphore, #tpu.memory_space<semaphore_mem>>) src(%dma_wait3A_318 : memref<80x32xf32, #tpu.memory_space<vmem>>) dst(%dma_wait3A_324 : memref<10240x32xf32, #tpu.memory_space<vmem_shared>>)
        tpu.yield
      }) : () -> ()
      %lt3A_194 = arith.constant 24 : i32
      %lt3A_195 = arith.cmpi slt, %scan3A_130, %lt3A_194 : i32
      %convert_element_type3A_196 = arith.extui %lt3A_195 : i1 to i32
      %cond3A_197 = arith.constant 0 : i32
      %cond3A_198 = arith.cmpi ne, %convert_element_type3A_196, %cond3A_197 : i32
      scf.if %cond3A_198 {
        %add3A_304 = arith.constant 5 : i32
        %add3A_305 = arith.addi %add3A_165, %add3A_304 : i32
        %mul3A_306 = arith.constant 80 : i32
        %mul3A_307 = arith.muli %add3A_305, %mul3A_306 : i32
        %add3A_308 = arith.addi %mul3A_2, %mul3A_307 : i32
        %dma_start3A_309 = arith.constant 1 : i32
        %dma_start3A_310 = arith.constant 1 : i32
        %dma_start3A_311 = arith.constant 0 : i32
        %dma_start3A_312 = tpu.memref_slice %arg7[%dma_start3A_310, %dma_start3A_311] : memref<5x80xi32, #tpu.memory_space<vmem>> -> memref<1x80xi32, #tpu.memory_space<vmem>>
        %dma_start3A_313 = tpu.memref_squeeze %dma_start3A_312 : memref<1x80xi32, #tpu.memory_space<vmem>> -> memref<80xi32, #tpu.memory_space<vmem>>
        %dma_start3A_314 = tpu.memref_slice %arg3[%dma_start3A_309, %add3A_308] : memref<2x320000xi32, #tpu.memory_space<hbm>> -> memref<1x80xi32, #tpu.memory_space<hbm>>
        %dma_start3A_315 = tpu.memref_squeeze %dma_start3A_314 : memref<1x80xi32, #tpu.memory_space<hbm>> -> memref<80xi32, #tpu.memory_space<hbm>>
        %dma_start3A_316 = arith.constant 0 : i32
        %dma_start3A_317 = tpu.memref_slice %arg7[%dma_start3A_310, %dma_start3A_316] : memref<5x80xi32, #tpu.memory_space<vmem>> -> memref<1x80xi32, #tpu.memory_space<vmem>>
        %dma_start3A_318 = tpu.memref_squeeze %dma_start3A_317 : memref<1x80xi32, #tpu.memory_space<vmem>> -> memref<80xi32, #tpu.memory_space<vmem>>
        %dma_start3A_319 = tpu.memref_slice %arg3[%dma_start3A_309, %add3A_308] : memref<2x320000xi32, #tpu.memory_space<hbm>> -> memref<1x80xi32, #tpu.memory_space<hbm>>
        %dma_start3A_320 = tpu.memref_squeeze %dma_start3A_319 : memref<1x80xi32, #tpu.memory_space<hbm>> -> memref<80xi32, #tpu.memory_space<hbm>>
        tpu.enqueue_dma source(%dma_start3A_320 : memref<80xi32, #tpu.memory_space<hbm>>) target(%dma_start3A_318 : memref<80xi32, #tpu.memory_space<vmem>>) target_semaphore(%arg16 : memref<!tpu.dma_semaphore, #tpu.memory_space<semaphore_mem>>)
        %mul3A_321 = arith.constant 80 : i32
        %mul3A_322 = arith.muli %add3A_305, %mul3A_321 : i32
        %dma_start3A_323 = arith.constant 1 : i32
        %dma_start3A_324 = arith.constant 0 : i32
        %dma_start3A_325 = arith.constant 0 : i32
        %dma_start3A_326 = tpu.memref_slice %arg8[%dma_start3A_323, %dma_start3A_324, %dma_start3A_325] : memref<5x80x32xf32, #tpu.memory_space<vmem>> -> memref<1x80x32xf32, #tpu.memory_space<vmem>>
        %dma_start3A_327 = tpu.memref_squeeze %dma_start3A_326 : memref<1x80x32xf32, #tpu.memory_space<vmem>> -> memref<80x32xf32, #tpu.memory_space<vmem>>
        %dma_start3A_328 = tpu.memref_slice %arg6[%mul3A_322] : memref<10000xi32, #tpu.memory_space<vmem>> -> memref<80xi32, #tpu.memory_space<vmem>>
        %dma_start3A_329 = arith.constant 0 : i32
        %dma_start3A_330 = arith.constant 0 : i32
        %dma_start3A_331 = tpu.memref_slice %arg2[%dma_start3A_329, %dma_start3A_330] : memref<10240x32xf32, #tpu.memory_space<hbm>> -> memref<10240x32xf32, #tpu.memory_space<hbm>>
        tpu.enqueue_indirect_dma source(%dma_start3A_331 : memref<10240x32xf32, #tpu.memory_space<hbm>>) target(%dma_start3A_327 : memref<80x32xf32, #tpu.memory_space<vmem>>) offsets(%dma_start3A_328 : memref<80xi32, #tpu.memory_space<vmem>>) semaphore(%arg11 : memref<!tpu.dma_semaphore, #tpu.memory_space<semaphore_mem>>)
      } else {
      }
      %add3A_199 = arith.constant 2 : i32
      %add3A_200 = arith.addi %mul3A_132, %add3A_199 : i32
      %mul3A_201 = arith.constant 80 : i32
      %mul3A_202 = arith.muli %add3A_200, %mul3A_201 : i32
      %add3A_203 = arith.addi %mul3A_2, %mul3A_202 : i32
      %dma_wait3A_204 = arith.constant 1 : i32
      %dma_wait3A_205 = arith.constant 2 : i32
      %dma_wait3A_206 = arith.constant 0 : i32
      %dma_wait3A_207 = tpu.memref_slice %arg7[%dma_wait3A_205, %dma_wait3A_206] : memref<5x80xi32, #tpu.memory_space<vmem>> -> memref<1x80xi32, #tpu.memory_space<vmem>>
      %dma_wait3A_208 = tpu.memref_squeeze %dma_wait3A_207 : memref<1x80xi32, #tpu.memory_space<vmem>> -> memref<80xi32, #tpu.memory_space<vmem>>
      %dma_wait3A_209 = tpu.memref_slice %arg3[%dma_wait3A_204, %add3A_203] : memref<2x320000xi32, #tpu.memory_space<hbm>> -> memref<1x80xi32, #tpu.memory_space<hbm>>
      %dma_wait3A_210 = tpu.memref_squeeze %dma_wait3A_209 : memref<1x80xi32, #tpu.memory_space<hbm>> -> memref<80xi32, #tpu.memory_space<hbm>>
      %dma_wait3A_211 = arith.constant 0 : i32
      %dma_wait3A_212 = tpu.memref_slice %arg7[%dma_wait3A_205, %dma_wait3A_211] : memref<5x80xi32, #tpu.memory_space<vmem>> -> memref<1x80xi32, #tpu.memory_space<vmem>>
      %dma_wait3A_213 = tpu.memref_squeeze %dma_wait3A_212 : memref<1x80xi32, #tpu.memory_space<vmem>> -> memref<80xi32, #tpu.memory_space<vmem>>
      %dma_wait3A_214 = tpu.memref_slice %arg3[%dma_wait3A_204, %add3A_203] : memref<2x320000xi32, #tpu.memory_space<hbm>> -> memref<1x80xi32, #tpu.memory_space<hbm>>
      %dma_wait3A_215 = tpu.memref_squeeze %dma_wait3A_214 : memref<1x80xi32, #tpu.memory_space<hbm>> -> memref<80xi32, #tpu.memory_space<hbm>>
      tpu.wait_dma2 semaphore(%arg17 : memref<!tpu.dma_semaphore, #tpu.memory_space<semaphore_mem>>) src(%dma_wait3A_215 : memref<80xi32, #tpu.memory_space<hbm>>) dst(%dma_wait3A_213 : memref<80xi32, #tpu.memory_space<vmem>>)
      %mul3A_216 = arith.constant 80 : i32
      %mul3A_217 = arith.muli %add3A_200, %mul3A_216 : i32
      %dma_wait3A_218 = arith.constant 2 : i32
      %dma_wait3A_219 = arith.constant 0 : i32
      %dma_wait3A_220 = arith.constant 0 : i32
      %dma_wait3A_221 = tpu.memref_slice %arg8[%dma_wait3A_218, %dma_wait3A_219, %dma_wait3A_220] : memref<5x80x32xf32, #tpu.memory_space<vmem>> -> memref<1x80x32xf32, #tpu.memory_space<vmem>>
      %dma_wait3A_222 = tpu.memref_squeeze %dma_wait3A_221 : memref<1x80x32xf32, #tpu.memory_space<vmem>> -> memref<80x32xf32, #tpu.memory_space<vmem>>
      %dma_wait3A_223 = tpu.memref_slice %arg6[%mul3A_217] : memref<10000xi32, #tpu.memory_space<vmem>> -> memref<80xi32, #tpu.memory_space<vmem>>
      %dma_wait3A_224 = arith.constant 0 : i32
      %dma_wait3A_225 = arith.constant 0 : i32
      %dma_wait3A_226 = tpu.memref_slice %arg2[%dma_wait3A_224, %dma_wait3A_225] : memref<10240x32xf32, #tpu.memory_space<hbm>> -> memref<10240x32xf32, #tpu.memory_space<hbm>>
      tpu.wait_indirect_dma semaphore(%arg12 : memref<!tpu.dma_semaphore, #tpu.memory_space<semaphore_mem>>) src(%dma_wait3A_226 : memref<10240x32xf32, #tpu.memory_space<hbm>>) dst(%dma_wait3A_222 : memref<80x32xf32, #tpu.memory_space<vmem>>)
      %run_scoped3A_227 = arith.constant 2 : i32
      %run_scoped3A_228 = arith.constant 2 : i32
      "tpu.region"() ({
        %run_scoped3A_304 = tpu.sem_alloc : memref<!tpu.dma_semaphore, #tpu.memory_space<semaphore_mem>>
        %dma_start3A_305 = arith.constant 0 : i32
        %dma_start3A_306 = arith.constant 0 : i32
        %dma_start3A_307 = tpu.memref_slice %arg8[%run_scoped3A_227, %dma_start3A_305, %dma_start3A_306] : memref<5x80x32xf32, #tpu.memory_space<vmem>> -> memref<1x80x32xf32, #tpu.memory_space<vmem>>
        %dma_start3A_308 = tpu.memref_squeeze %dma_start3A_307 : memref<1x80x32xf32, #tpu.memory_space<vmem>> -> memref<80x32xf32, #tpu.memory_space<vmem>>
        %dma_start3A_309 = arith.constant 0 : i32
        %dma_start3A_310 = tpu.memref_slice %arg7[%run_scoped3A_228, %dma_start3A_309] : memref<5x80xi32, #tpu.memory_space<vmem>> -> memref<1x80xi32, #tpu.memory_space<vmem>>
        %dma_start3A_311 = tpu.memref_squeeze %dma_start3A_310 : memref<1x80xi32, #tpu.memory_space<vmem>> -> memref<80xi32, #tpu.memory_space<vmem>>
        %dma_start3A_312 = arith.constant 0 : i32
        %dma_start3A_313 = arith.constant 0 : i32
        %dma_start3A_314 = tpu.memref_slice %arg9[%dma_start3A_312, %dma_start3A_313] : memref<10240x32xf32, #tpu.memory_space<vmem_shared>> -> memref<10240x32xf32, #tpu.memory_space<vmem_shared>>
        tpu.enqueue_indirect_dma source(%dma_start3A_308 : memref<80x32xf32, #tpu.memory_space<vmem>>) target(%dma_start3A_314 : memref<10240x32xf32, #tpu.memory_space<vmem_shared>>) offsets(%dma_start3A_311 : memref<80xi32, #tpu.memory_space<vmem>>) semaphore(%run_scoped3A_304 : memref<!tpu.dma_semaphore, #tpu.memory_space<semaphore_mem>>) {add = true}
        %dma_wait3A_315 = arith.constant 0 : i32
        %dma_wait3A_316 = arith.constant 0 : i32
        %dma_wait3A_317 = tpu.memref_slice %arg8[%run_scoped3A_227, %dma_wait3A_315, %dma_wait3A_316] : memref<5x80x32xf32, #tpu.memory_space<vmem>> -> memref<1x80x32xf32, #tpu.memory_space<vmem>>
        %dma_wait3A_318 = tpu.memref_squeeze %dma_wait3A_317 : memref<1x80x32xf32, #tpu.memory_space<vmem>> -> memref<80x32xf32, #tpu.memory_space<vmem>>
        %dma_wait3A_319 = arith.constant 0 : i32
        %dma_wait3A_320 = tpu.memref_slice %arg7[%run_scoped3A_228, %dma_wait3A_319] : memref<5x80xi32, #tpu.memory_space<vmem>> -> memref<1x80xi32, #tpu.memory_space<vmem>>
        %dma_wait3A_321 = tpu.memref_squeeze %dma_wait3A_320 : memref<1x80xi32, #tpu.memory_space<vmem>> -> memref<80xi32, #tpu.memory_space<vmem>>
        %dma_wait3A_322 = arith.constant 0 : i32
        %dma_wait3A_323 = arith.constant 0 : i32
        %dma_wait3A_324 = tpu.memref_slice %arg9[%dma_wait3A_322, %dma_wait3A_323] : memref<10240x32xf32, #tpu.memory_space<vmem_shared>> -> memref<10240x32xf32, #tpu.memory_space<vmem_shared>>
        tpu.wait_indirect_dma semaphore(%run_scoped3A_304 : memref<!tpu.dma_semaphore, #tpu.memory_space<semaphore_mem>>) src(%dma_wait3A_318 : memref<80x32xf32, #tpu.memory_space<vmem>>) dst(%dma_wait3A_324 : memref<10240x32xf32, #tpu.memory_space<vmem_shared>>)
        tpu.yield
      }) : () -> ()
      %lt3A_229 = arith.constant 24 : i32
      %lt3A_230 = arith.cmpi slt, %scan3A_130, %lt3A_229 : i32
      %convert_element_type3A_231 = arith.extui %lt3A_230 : i1 to i32
      %cond3A_232 = arith.constant 0 : i32
      %cond3A_233 = arith.cmpi ne, %convert_element_type3A_231, %cond3A_232 : i32
      scf.if %cond3A_233 {
        %add3A_304 = arith.constant 5 : i32
        %add3A_305 = arith.addi %add3A_200, %add3A_304 : i32
        %mul3A_306 = arith.constant 80 : i32
        %mul3A_307 = arith.muli %add3A_305, %mul3A_306 : i32
        %add3A_308 = arith.addi %mul3A_2, %mul3A_307 : i32
        %dma_start3A_309 = arith.constant 1 : i32
        %dma_start3A_310 = arith.constant 2 : i32
        %dma_start3A_311 = arith.constant 0 : i32
        %dma_start3A_312 = tpu.memref_slice %arg7[%dma_start3A_310, %dma_start3A_311] : memref<5x80xi32, #tpu.memory_space<vmem>> -> memref<1x80xi32, #tpu.memory_space<vmem>>
        %dma_start3A_313 = tpu.memref_squeeze %dma_start3A_312 : memref<1x80xi32, #tpu.memory_space<vmem>> -> memref<80xi32, #tpu.memory_space<vmem>>
        %dma_start3A_314 = tpu.memref_slice %arg3[%dma_start3A_309, %add3A_308] : memref<2x320000xi32, #tpu.memory_space<hbm>> -> memref<1x80xi32, #tpu.memory_space<hbm>>
        %dma_start3A_315 = tpu.memref_squeeze %dma_start3A_314 : memref<1x80xi32, #tpu.memory_space<hbm>> -> memref<80xi32, #tpu.memory_space<hbm>>
        %dma_start3A_316 = arith.constant 0 : i32
        %dma_start3A_317 = tpu.memref_slice %arg7[%dma_start3A_310, %dma_start3A_316] : memref<5x80xi32, #tpu.memory_space<vmem>> -> memref<1x80xi32, #tpu.memory_space<vmem>>
        %dma_start3A_318 = tpu.memref_squeeze %dma_start3A_317 : memref<1x80xi32, #tpu.memory_space<vmem>> -> memref<80xi32, #tpu.memory_space<vmem>>
        %dma_start3A_319 = tpu.memref_slice %arg3[%dma_start3A_309, %add3A_308] : memref<2x320000xi32, #tpu.memory_space<hbm>> -> memref<1x80xi32, #tpu.memory_space<hbm>>
        %dma_start3A_320 = tpu.memref_squeeze %dma_start3A_319 : memref<1x80xi32, #tpu.memory_space<hbm>> -> memref<80xi32, #tpu.memory_space<hbm>>
        tpu.enqueue_dma source(%dma_start3A_320 : memref<80xi32, #tpu.memory_space<hbm>>) target(%dma_start3A_318 : memref<80xi32, #tpu.memory_space<vmem>>) target_semaphore(%arg17 : memref<!tpu.dma_semaphore, #tpu.memory_space<semaphore_mem>>)
        %mul3A_321 = arith.constant 80 : i32
        %mul3A_322 = arith.muli %add3A_305, %mul3A_321 : i32
        %dma_start3A_323 = arith.constant 2 : i32
        %dma_start3A_324 = arith.constant 0 : i32
        %dma_start3A_325 = arith.constant 0 : i32
        %dma_start3A_326 = tpu.memref_slice %arg8[%dma_start3A_323, %dma_start3A_324, %dma_start3A_325] : memref<5x80x32xf32, #tpu.memory_space<vmem>> -> memref<1x80x32xf32, #tpu.memory_space<vmem>>
        %dma_start3A_327 = tpu.memref_squeeze %dma_start3A_326 : memref<1x80x32xf32, #tpu.memory_space<vmem>> -> memref<80x32xf32, #tpu.memory_space<vmem>>
        %dma_start3A_328 = tpu.memref_slice %arg6[%mul3A_322] : memref<10000xi32, #tpu.memory_space<vmem>> -> memref<80xi32, #tpu.memory_space<vmem>>
        %dma_start3A_329 = arith.constant 0 : i32
        %dma_start3A_330 = arith.constant 0 : i32
        %dma_start3A_331 = tpu.memref_slice %arg2[%dma_start3A_329, %dma_start3A_330] : memref<10240x32xf32, #tpu.memory_space<hbm>> -> memref<10240x32xf32, #tpu.memory_space<hbm>>
        tpu.enqueue_indirect_dma source(%dma_start3A_331 : memref<10240x32xf32, #tpu.memory_space<hbm>>) target(%dma_start3A_327 : memref<80x32xf32, #tpu.memory_space<vmem>>) offsets(%dma_start3A_328 : memref<80xi32, #tpu.memory_space<vmem>>) semaphore(%arg12 : memref<!tpu.dma_semaphore, #tpu.memory_space<semaphore_mem>>)
      } else {
      }
      %add3A_234 = arith.constant 3 : i32
      %add3A_235 = arith.addi %mul3A_132, %add3A_234 : i32
      %mul3A_236 = arith.constant 80 : i32
      %mul3A_237 = arith.muli %add3A_235, %mul3A_236 : i32
      %add3A_238 = arith.addi %mul3A_2, %mul3A_237 : i32
      %dma_wait3A_239 = arith.constant 1 : i32
      %dma_wait3A_240 = arith.constant 3 : i32
      %dma_wait3A_241 = arith.constant 0 : i32
      %dma_wait3A_242 = tpu.memref_slice %arg7[%dma_wait3A_240, %dma_wait3A_241] : memref<5x80xi32, #tpu.memory_space<vmem>> -> memref<1x80xi32, #tpu.memory_space<vmem>>
      %dma_wait3A_243 = tpu.memref_squeeze %dma_wait3A_242 : memref<1x80xi32, #tpu.memory_space<vmem>> -> memref<80xi32, #tpu.memory_space<vmem>>
      %dma_wait3A_244 = tpu.memref_slice %arg3[%dma_wait3A_239, %add3A_238] : memref<2x320000xi32, #tpu.memory_space<hbm>> -> memref<1x80xi32, #tpu.memory_space<hbm>>
      %dma_wait3A_245 = tpu.memref_squeeze %dma_wait3A_244 : memref<1x80xi32, #tpu.memory_space<hbm>> -> memref<80xi32, #tpu.memory_space<hbm>>
      %dma_wait3A_246 = arith.constant 0 : i32
      %dma_wait3A_247 = tpu.memref_slice %arg7[%dma_wait3A_240, %dma_wait3A_246] : memref<5x80xi32, #tpu.memory_space<vmem>> -> memref<1x80xi32, #tpu.memory_space<vmem>>
      %dma_wait3A_248 = tpu.memref_squeeze %dma_wait3A_247 : memref<1x80xi32, #tpu.memory_space<vmem>> -> memref<80xi32, #tpu.memory_space<vmem>>
      %dma_wait3A_249 = tpu.memref_slice %arg3[%dma_wait3A_239, %add3A_238] : memref<2x320000xi32, #tpu.memory_space<hbm>> -> memref<1x80xi32, #tpu.memory_space<hbm>>
      %dma_wait3A_250 = tpu.memref_squeeze %dma_wait3A_249 : memref<1x80xi32, #tpu.memory_space<hbm>> -> memref<80xi32, #tpu.memory_space<hbm>>
      tpu.wait_dma2 semaphore(%arg18 : memref<!tpu.dma_semaphore, #tpu.memory_space<semaphore_mem>>) src(%dma_wait3A_250 : memref<80xi32, #tpu.memory_space<hbm>>) dst(%dma_wait3A_248 : memref<80xi32, #tpu.memory_space<vmem>>)
      %mul3A_251 = arith.constant 80 : i32
      %mul3A_252 = arith.muli %add3A_235, %mul3A_251 : i32
      %dma_wait3A_253 = arith.constant 3 : i32
      %dma_wait3A_254 = arith.constant 0 : i32
      %dma_wait3A_255 = arith.constant 0 : i32
      %dma_wait3A_256 = tpu.memref_slice %arg8[%dma_wait3A_253, %dma_wait3A_254, %dma_wait3A_255] : memref<5x80x32xf32, #tpu.memory_space<vmem>> -> memref<1x80x32xf32, #tpu.memory_space<vmem>>
      %dma_wait3A_257 = tpu.memref_squeeze %dma_wait3A_256 : memref<1x80x32xf32, #tpu.memory_space<vmem>> -> memref<80x32xf32, #tpu.memory_space<vmem>>
      %dma_wait3A_258 = tpu.memref_slice %arg6[%mul3A_252] : memref<10000xi32, #tpu.memory_space<vmem>> -> memref<80xi32, #tpu.memory_space<vmem>>
      %dma_wait3A_259 = arith.constant 0 : i32
      %dma_wait3A_260 = arith.constant 0 : i32
      %dma_wait3A_261 = tpu.memref_slice %arg2[%dma_wait3A_259, %dma_wait3A_260] : memref<10240x32xf32, #tpu.memory_space<hbm>> -> memref<10240x32xf32, #tpu.memory_space<hbm>>
      tpu.wait_indirect_dma semaphore(%arg13 : memref<!tpu.dma_semaphore, #tpu.memory_space<semaphore_mem>>) src(%dma_wait3A_261 : memref<10240x32xf32, #tpu.memory_space<hbm>>) dst(%dma_wait3A_257 : memref<80x32xf32, #tpu.memory_space<vmem>>)
      %run_scoped3A_262 = arith.constant 3 : i32
      %run_scoped3A_263 = arith.constant 3 : i32
      "tpu.region"() ({
        %run_scoped3A_304 = tpu.sem_alloc : memref<!tpu.dma_semaphore, #tpu.memory_space<semaphore_mem>>
        %dma_start3A_305 = arith.constant 0 : i32
        %dma_start3A_306 = arith.constant 0 : i32
        %dma_start3A_307 = tpu.memref_slice %arg8[%run_scoped3A_262, %dma_start3A_305, %dma_start3A_306] : memref<5x80x32xf32, #tpu.memory_space<vmem>> -> memref<1x80x32xf32, #tpu.memory_space<vmem>>
        %dma_start3A_308 = tpu.memref_squeeze %dma_start3A_307 : memref<1x80x32xf32, #tpu.memory_space<vmem>> -> memref<80x32xf32, #tpu.memory_space<vmem>>
        %dma_start3A_309 = arith.constant 0 : i32
        %dma_start3A_310 = tpu.memref_slice %arg7[%run_scoped3A_263, %dma_start3A_309] : memref<5x80xi32, #tpu.memory_space<vmem>> -> memref<1x80xi32, #tpu.memory_space<vmem>>
        %dma_start3A_311 = tpu.memref_squeeze %dma_start3A_310 : memref<1x80xi32, #tpu.memory_space<vmem>> -> memref<80xi32, #tpu.memory_space<vmem>>
        %dma_start3A_312 = arith.constant 0 : i32
        %dma_start3A_313 = arith.constant 0 : i32
        %dma_start3A_314 = tpu.memref_slice %arg9[%dma_start3A_312, %dma_start3A_313] : memref<10240x32xf32, #tpu.memory_space<vmem_shared>> -> memref<10240x32xf32, #tpu.memory_space<vmem_shared>>
        tpu.enqueue_indirect_dma source(%dma_start3A_308 : memref<80x32xf32, #tpu.memory_space<vmem>>) target(%dma_start3A_314 : memref<10240x32xf32, #tpu.memory_space<vmem_shared>>) offsets(%dma_start3A_311 : memref<80xi32, #tpu.memory_space<vmem>>) semaphore(%run_scoped3A_304 : memref<!tpu.dma_semaphore, #tpu.memory_space<semaphore_mem>>) {add = true}
        %dma_wait3A_315 = arith.constant 0 : i32
        %dma_wait3A_316 = arith.constant 0 : i32
        %dma_wait3A_317 = tpu.memref_slice %arg8[%run_scoped3A_262, %dma_wait3A_315, %dma_wait3A_316] : memref<5x80x32xf32, #tpu.memory_space<vmem>> -> memref<1x80x32xf32, #tpu.memory_space<vmem>>
        %dma_wait3A_318 = tpu.memref_squeeze %dma_wait3A_317 : memref<1x80x32xf32, #tpu.memory_space<vmem>> -> memref<80x32xf32, #tpu.memory_space<vmem>>
        %dma_wait3A_319 = arith.constant 0 : i32
        %dma_wait3A_320 = tpu.memref_slice %arg7[%run_scoped3A_263, %dma_wait3A_319] : memref<5x80xi32, #tpu.memory_space<vmem>> -> memref<1x80xi32, #tpu.memory_space<vmem>>
        %dma_wait3A_321 = tpu.memref_squeeze %dma_wait3A_320 : memref<1x80xi32, #tpu.memory_space<vmem>> -> memref<80xi32, #tpu.memory_space<vmem>>
        %dma_wait3A_322 = arith.constant 0 : i32
        %dma_wait3A_323 = arith.constant 0 : i32
        %dma_wait3A_324 = tpu.memref_slice %arg9[%dma_wait3A_322, %dma_wait3A_323] : memref<10240x32xf32, #tpu.memory_space<vmem_shared>> -> memref<10240x32xf32, #tpu.memory_space<vmem_shared>>
        tpu.wait_indirect_dma semaphore(%run_scoped3A_304 : memref<!tpu.dma_semaphore, #tpu.memory_space<semaphore_mem>>) src(%dma_wait3A_318 : memref<80x32xf32, #tpu.memory_space<vmem>>) dst(%dma_wait3A_324 : memref<10240x32xf32, #tpu.memory_space<vmem_shared>>)
        tpu.yield
      }) : () -> ()
      %lt3A_264 = arith.constant 24 : i32
      %lt3A_265 = arith.cmpi slt, %scan3A_130, %lt3A_264 : i32
      %convert_element_type3A_266 = arith.extui %lt3A_265 : i1 to i32
      %cond3A_267 = arith.constant 0 : i32
      %cond3A_268 = arith.cmpi ne, %convert_element_type3A_266, %cond3A_267 : i32
      scf.if %cond3A_268 {
        %add3A_304 = arith.constant 5 : i32
        %add3A_305 = arith.addi %add3A_235, %add3A_304 : i32
        %mul3A_306 = arith.constant 80 : i32
        %mul3A_307 = arith.muli %add3A_305, %mul3A_306 : i32
        %add3A_308 = arith.addi %mul3A_2, %mul3A_307 : i32
        %dma_start3A_309 = arith.constant 1 : i32
        %dma_start3A_310 = arith.constant 3 : i32
        %dma_start3A_311 = arith.constant 0 : i32
        %dma_start3A_312 = tpu.memref_slice %arg7[%dma_start3A_310, %dma_start3A_311] : memref<5x80xi32, #tpu.memory_space<vmem>> -> memref<1x80xi32, #tpu.memory_space<vmem>>
        %dma_start3A_313 = tpu.memref_squeeze %dma_start3A_312 : memref<1x80xi32, #tpu.memory_space<vmem>> -> memref<80xi32, #tpu.memory_space<vmem>>
        %dma_start3A_314 = tpu.memref_slice %arg3[%dma_start3A_309, %add3A_308] : memref<2x320000xi32, #tpu.memory_space<hbm>> -> memref<1x80xi32, #tpu.memory_space<hbm>>
        %dma_start3A_315 = tpu.memref_squeeze %dma_start3A_314 : memref<1x80xi32, #tpu.memory_space<hbm>> -> memref<80xi32, #tpu.memory_space<hbm>>
        %dma_start3A_316 = arith.constant 0 : i32
        %dma_start3A_317 = tpu.memref_slice %arg7[%dma_start3A_310, %dma_start3A_316] : memref<5x80xi32, #tpu.memory_space<vmem>> -> memref<1x80xi32, #tpu.memory_space<vmem>>
        %dma_start3A_318 = tpu.memref_squeeze %dma_start3A_317 : memref<1x80xi32, #tpu.memory_space<vmem>> -> memref<80xi32, #tpu.memory_space<vmem>>
        %dma_start3A_319 = tpu.memref_slice %arg3[%dma_start3A_309, %add3A_308] : memref<2x320000xi32, #tpu.memory_space<hbm>> -> memref<1x80xi32, #tpu.memory_space<hbm>>
        %dma_start3A_320 = tpu.memref_squeeze %dma_start3A_319 : memref<1x80xi32, #tpu.memory_space<hbm>> -> memref<80xi32, #tpu.memory_space<hbm>>
        tpu.enqueue_dma source(%dma_start3A_320 : memref<80xi32, #tpu.memory_space<hbm>>) target(%dma_start3A_318 : memref<80xi32, #tpu.memory_space<vmem>>) target_semaphore(%arg18 : memref<!tpu.dma_semaphore, #tpu.memory_space<semaphore_mem>>)
        %mul3A_321 = arith.constant 80 : i32
        %mul3A_322 = arith.muli %add3A_305, %mul3A_321 : i32
        %dma_start3A_323 = arith.constant 3 : i32
        %dma_start3A_324 = arith.constant 0 : i32
        %dma_start3A_325 = arith.constant 0 : i32
        %dma_start3A_326 = tpu.memref_slice %arg8[%dma_start3A_323, %dma_start3A_324, %dma_start3A_325] : memref<5x80x32xf32, #tpu.memory_space<vmem>> -> memref<1x80x32xf32, #tpu.memory_space<vmem>>
        %dma_start3A_327 = tpu.memref_squeeze %dma_start3A_326 : memref<1x80x32xf32, #tpu.memory_space<vmem>> -> memref<80x32xf32, #tpu.memory_space<vmem>>
        %dma_start3A_328 = tpu.memref_slice %arg6[%mul3A_322] : memref<10000xi32, #tpu.memory_space<vmem>> -> memref<80xi32, #tpu.memory_space<vmem>>
        %dma_start3A_329 = arith.constant 0 : i32
        %dma_start3A_330 = arith.constant 0 : i32
        %dma_start3A_331 = tpu.memref_slice %arg2[%dma_start3A_329, %dma_start3A_330] : memref<10240x32xf32, #tpu.memory_space<hbm>> -> memref<10240x32xf32, #tpu.memory_space<hbm>>
        tpu.enqueue_indirect_dma source(%dma_start3A_331 : memref<10240x32xf32, #tpu.memory_space<hbm>>) target(%dma_start3A_327 : memref<80x32xf32, #tpu.memory_space<vmem>>) offsets(%dma_start3A_328 : memref<80xi32, #tpu.memory_space<vmem>>) semaphore(%arg13 : memref<!tpu.dma_semaphore, #tpu.memory_space<semaphore_mem>>)
      } else {
      }
      %add3A_269 = arith.constant 4 : i32
      %add3A_270 = arith.addi %mul3A_132, %add3A_269 : i32
      %mul3A_271 = arith.constant 80 : i32
      %mul3A_272 = arith.muli %add3A_270, %mul3A_271 : i32
      %add3A_273 = arith.addi %mul3A_2, %mul3A_272 : i32
      %dma_wait3A_274 = arith.constant 1 : i32
      %dma_wait3A_275 = arith.constant 4 : i32
      %dma_wait3A_276 = arith.constant 0 : i32
      %dma_wait3A_277 = tpu.memref_slice %arg7[%dma_wait3A_275, %dma_wait3A_276] : memref<5x80xi32, #tpu.memory_space<vmem>> -> memref<1x80xi32, #tpu.memory_space<vmem>>
      %dma_wait3A_278 = tpu.memref_squeeze %dma_wait3A_277 : memref<1x80xi32, #tpu.memory_space<vmem>> -> memref<80xi32, #tpu.memory_space<vmem>>
      %dma_wait3A_279 = tpu.memref_slice %arg3[%dma_wait3A_274, %add3A_273] : memref<2x320000xi32, #tpu.memory_space<hbm>> -> memref<1x80xi32, #tpu.memory_space<hbm>>
      %dma_wait3A_280 = tpu.memref_squeeze %dma_wait3A_279 : memref<1x80xi32, #tpu.memory_space<hbm>> -> memref<80xi32, #tpu.memory_space<hbm>>
      %dma_wait3A_281 = arith.constant 0 : i32
      %dma_wait3A_282 = tpu.memref_slice %arg7[%dma_wait3A_275, %dma_wait3A_281] : memref<5x80xi32, #tpu.memory_space<vmem>> -> memref<1x80xi32, #tpu.memory_space<vmem>>
      %dma_wait3A_283 = tpu.memref_squeeze %dma_wait3A_282 : memref<1x80xi32, #tpu.memory_space<vmem>> -> memref<80xi32, #tpu.memory_space<vmem>>
      %dma_wait3A_284 = tpu.memref_slice %arg3[%dma_wait3A_274, %add3A_273] : memref<2x320000xi32, #tpu.memory_space<hbm>> -> memref<1x80xi32, #tpu.memory_space<hbm>>
      %dma_wait3A_285 = tpu.memref_squeeze %dma_wait3A_284 : memref<1x80xi32, #tpu.memory_space<hbm>> -> memref<80xi32, #tpu.memory_space<hbm>>
      tpu.wait_dma2 semaphore(%arg19 : memref<!tpu.dma_semaphore, #tpu.memory_space<semaphore_mem>>) src(%dma_wait3A_285 : memref<80xi32, #tpu.memory_space<hbm>>) dst(%dma_wait3A_283 : memref<80xi32, #tpu.memory_space<vmem>>)
      %mul3A_286 = arith.constant 80 : i32
      %mul3A_287 = arith.muli %add3A_270, %mul3A_286 : i32
      %dma_wait3A_288 = arith.constant 4 : i32
      %dma_wait3A_289 = arith.constant 0 : i32
      %dma_wait3A_290 = arith.constant 0 : i32
      %dma_wait3A_291 = tpu.memref_slice %arg8[%dma_wait3A_288, %dma_wait3A_289, %dma_wait3A_290] : memref<5x80x32xf32, #tpu.memory_space<vmem>> -> memref<1x80x32xf32, #tpu.memory_space<vmem>>
      %dma_wait3A_292 = tpu.memref_squeeze %dma_wait3A_291 : memref<1x80x32xf32, #tpu.memory_space<vmem>> -> memref<80x32xf32, #tpu.memory_space<vmem>>
      %dma_wait3A_293 = tpu.memref_slice %arg6[%mul3A_287] : memref<10000xi32, #tpu.memory_space<vmem>> -> memref<80xi32, #tpu.memory_space<vmem>>
      %dma_wait3A_294 = arith.constant 0 : i32
      %dma_wait3A_295 = arith.constant 0 : i32
      %dma_wait3A_296 = tpu.memref_slice %arg2[%dma_wait3A_294, %dma_wait3A_295] : memref<10240x32xf32, #tpu.memory_space<hbm>> -> memref<10240x32xf32, #tpu.memory_space<hbm>>
      tpu.wait_indirect_dma semaphore(%arg14 : memref<!tpu.dma_semaphore, #tpu.memory_space<semaphore_mem>>) src(%dma_wait3A_296 : memref<10240x32xf32, #tpu.memory_space<hbm>>) dst(%dma_wait3A_292 : memref<80x32xf32, #tpu.memory_space<vmem>>)
      %run_scoped3A_297 = arith.constant 4 : i32
      %run_scoped3A_298 = arith.constant 4 : i32
      "tpu.region"() ({
        %run_scoped3A_304 = tpu.sem_alloc : memref<!tpu.dma_semaphore, #tpu.memory_space<semaphore_mem>>
        %dma_start3A_305 = arith.constant 0 : i32
        %dma_start3A_306 = arith.constant 0 : i32
        %dma_start3A_307 = tpu.memref_slice %arg8[%run_scoped3A_297, %dma_start3A_305, %dma_start3A_306] : memref<5x80x32xf32, #tpu.memory_space<vmem>> -> memref<1x80x32xf32, #tpu.memory_space<vmem>>
        %dma_start3A_308 = tpu.memref_squeeze %dma_start3A_307 : memref<1x80x32xf32, #tpu.memory_space<vmem>> -> memref<80x32xf32, #tpu.memory_space<vmem>>
        %dma_start3A_309 = arith.constant 0 : i32
        %dma_start3A_310 = tpu.memref_slice %arg7[%run_scoped3A_298, %dma_start3A_309] : memref<5x80xi32, #tpu.memory_space<vmem>> -> memref<1x80xi32, #tpu.memory_space<vmem>>
        %dma_start3A_311 = tpu.memref_squeeze %dma_start3A_310 : memref<1x80xi32, #tpu.memory_space<vmem>> -> memref<80xi32, #tpu.memory_space<vmem>>
        %dma_start3A_312 = arith.constant 0 : i32
        %dma_start3A_313 = arith.constant 0 : i32
        %dma_start3A_314 = tpu.memref_slice %arg9[%dma_start3A_312, %dma_start3A_313] : memref<10240x32xf32, #tpu.memory_space<vmem_shared>> -> memref<10240x32xf32, #tpu.memory_space<vmem_shared>>
        tpu.enqueue_indirect_dma source(%dma_start3A_308 : memref<80x32xf32, #tpu.memory_space<vmem>>) target(%dma_start3A_314 : memref<10240x32xf32, #tpu.memory_space<vmem_shared>>) offsets(%dma_start3A_311 : memref<80xi32, #tpu.memory_space<vmem>>) semaphore(%run_scoped3A_304 : memref<!tpu.dma_semaphore, #tpu.memory_space<semaphore_mem>>) {add = true}
        %dma_wait3A_315 = arith.constant 0 : i32
        %dma_wait3A_316 = arith.constant 0 : i32
        %dma_wait3A_317 = tpu.memref_slice %arg8[%run_scoped3A_297, %dma_wait3A_315, %dma_wait3A_316] : memref<5x80x32xf32, #tpu.memory_space<vmem>> -> memref<1x80x32xf32, #tpu.memory_space<vmem>>
        %dma_wait3A_318 = tpu.memref_squeeze %dma_wait3A_317 : memref<1x80x32xf32, #tpu.memory_space<vmem>> -> memref<80x32xf32, #tpu.memory_space<vmem>>
        %dma_wait3A_319 = arith.constant 0 : i32
        %dma_wait3A_320 = tpu.memref_slice %arg7[%run_scoped3A_298, %dma_wait3A_319] : memref<5x80xi32, #tpu.memory_space<vmem>> -> memref<1x80xi32, #tpu.memory_space<vmem>>
        %dma_wait3A_321 = tpu.memref_squeeze %dma_wait3A_320 : memref<1x80xi32, #tpu.memory_space<vmem>> -> memref<80xi32, #tpu.memory_space<vmem>>
        %dma_wait3A_322 = arith.constant 0 : i32
        %dma_wait3A_323 = arith.constant 0 : i32
        %dma_wait3A_324 = tpu.memref_slice %arg9[%dma_wait3A_322, %dma_wait3A_323] : memref<10240x32xf32, #tpu.memory_space<vmem_shared>> -> memref<10240x32xf32, #tpu.memory_space<vmem_shared>>
        tpu.wait_indirect_dma semaphore(%run_scoped3A_304 : memref<!tpu.dma_semaphore, #tpu.memory_space<semaphore_mem>>) src(%dma_wait3A_318 : memref<80x32xf32, #tpu.memory_space<vmem>>) dst(%dma_wait3A_324 : memref<10240x32xf32, #tpu.memory_space<vmem_shared>>)
        tpu.yield
      }) : () -> ()
      %lt3A_299 = arith.constant 24 : i32
      %lt3A_300 = arith.cmpi slt, %scan3A_130, %lt3A_299 : i32
      %convert_element_type3A_301 = arith.extui %lt3A_300 : i1 to i32
      %cond3A_302 = arith.constant 0 : i32
      %cond3A_303 = arith.cmpi ne, %convert_element_type3A_301, %cond3A_302 : i32
      scf.if %cond3A_303 {
        %add3A_304 = arith.constant 5 : i32
        %add3A_305 = arith.addi %add3A_270, %add3A_304 : i32
        %mul3A_306 = arith.constant 80 : i32
        %mul3A_307 = arith.muli %add3A_305, %mul3A_306 : i32
        %add3A_308 = arith.addi %mul3A_2, %mul3A_307 : i32
        %dma_start3A_309 = arith.constant 1 : i32
        %dma_start3A_310 = arith.constant 4 : i32
        %dma_start3A_311 = arith.constant 0 : i32
        %dma_start3A_312 = tpu.memref_slice %arg7[%dma_start3A_310, %dma_start3A_311] : memref<5x80xi32, #tpu.memory_space<vmem>> -> memref<1x80xi32, #tpu.memory_space<vmem>>
        %dma_start3A_313 = tpu.memref_squeeze %dma_start3A_312 : memref<1x80xi32, #tpu.memory_space<vmem>> -> memref<80xi32, #tpu.memory_space<vmem>>
        %dma_start3A_314 = tpu.memref_slice %arg3[%dma_start3A_309, %add3A_308] : memref<2x320000xi32, #tpu.memory_space<hbm>> -> memref<1x80xi32, #tpu.memory_space<hbm>>
        %dma_start3A_315 = tpu.memref_squeeze %dma_start3A_314 : memref<1x80xi32, #tpu.memory_space<hbm>> -> memref<80xi32, #tpu.memory_space<hbm>>
        %dma_start3A_316 = arith.constant 0 : i32
        %dma_start3A_317 = tpu.memref_slice %arg7[%dma_start3A_310, %dma_start3A_316] : memref<5x80xi32, #tpu.memory_space<vmem>> -> memref<1x80xi32, #tpu.memory_space<vmem>>
        %dma_start3A_318 = tpu.memref_squeeze %dma_start3A_317 : memref<1x80xi32, #tpu.memory_space<vmem>> -> memref<80xi32, #tpu.memory_space<vmem>>
        %dma_start3A_319 = tpu.memref_slice %arg3[%dma_start3A_309, %add3A_308] : memref<2x320000xi32, #tpu.memory_space<hbm>> -> memref<1x80xi32, #tpu.memory_space<hbm>>
        %dma_start3A_320 = tpu.memref_squeeze %dma_start3A_319 : memref<1x80xi32, #tpu.memory_space<hbm>> -> memref<80xi32, #tpu.memory_space<hbm>>
        tpu.enqueue_dma source(%dma_start3A_320 : memref<80xi32, #tpu.memory_space<hbm>>) target(%dma_start3A_318 : memref<80xi32, #tpu.memory_space<vmem>>) target_semaphore(%arg19 : memref<!tpu.dma_semaphore, #tpu.memory_space<semaphore_mem>>)
        %mul3A_321 = arith.constant 80 : i32
        %mul3A_322 = arith.muli %add3A_305, %mul3A_321 : i32
        %dma_start3A_323 = arith.constant 4 : i32
        %dma_start3A_324 = arith.constant 0 : i32
        %dma_start3A_325 = arith.constant 0 : i32
        %dma_start3A_326 = tpu.memref_slice %arg8[%dma_start3A_323, %dma_start3A_324, %dma_start3A_325] : memref<5x80x32xf32, #tpu.memory_space<vmem>> -> memref<1x80x32xf32, #tpu.memory_space<vmem>>
        %dma_start3A_327 = tpu.memref_squeeze %dma_start3A_326 : memref<1x80x32xf32, #tpu.memory_space<vmem>> -> memref<80x32xf32, #tpu.memory_space<vmem>>
        %dma_start3A_328 = tpu.memref_slice %arg6[%mul3A_322] : memref<10000xi32, #tpu.memory_space<vmem>> -> memref<80xi32, #tpu.memory_space<vmem>>
        %dma_start3A_329 = arith.constant 0 : i32
        %dma_start3A_330 = arith.constant 0 : i32
        %dma_start3A_331 = tpu.memref_slice %arg2[%dma_start3A_329, %dma_start3A_330] : memref<10240x32xf32, #tpu.memory_space<hbm>> -> memref<10240x32xf32, #tpu.memory_space<hbm>>
        tpu.enqueue_indirect_dma source(%dma_start3A_331 : memref<10240x32xf32, #tpu.memory_space<hbm>>) target(%dma_start3A_327 : memref<80x32xf32, #tpu.memory_space<vmem>>) offsets(%dma_start3A_328 : memref<80xi32, #tpu.memory_space<vmem>>) semaphore(%arg14 : memref<!tpu.dma_semaphore, #tpu.memory_space<semaphore_mem>>)
      } else {
      }
    }
    %scan3A_128 = arith.constant 25 : i32
    %barrier3A_129 = arith.constant 0 : index
    tpu.barrier barrier_id(%barrier3A_129)
    "tpu.region"() ({
      %run_scoped3A_130 = tpu.sem_alloc : memref<!tpu.dma_semaphore, #tpu.memory_space<semaphore_mem>>
      %dma_start3A_131 = arith.constant 0 : i32
      %dma_start3A_132 = tpu.memref_slice %arg5[%arg0, %mul3A_4, %dma_start3A_131] : memref<2x10240x32xf32, #tpu.memory_space<hbm>> -> memref<1x640x32xf32, #tpu.memory_space<hbm>>
      %dma_start3A_133 = tpu.memref_squeeze %dma_start3A_132 : memref<1x640x32xf32, #tpu.memory_space<hbm>> -> memref<640x32xf32, #tpu.memory_space<hbm>>
      %dma_start3A_134 = arith.constant 0 : i32
      %dma_start3A_135 = tpu.memref_slice %arg9[%mul3A_4, %dma_start3A_134] : memref<10240x32xf32, #tpu.memory_space<vmem_shared>> -> memref<640x32xf32, #tpu.memory_space<vmem_shared>>
      tpu.enqueue_dma source(%dma_start3A_135 : memref<640x32xf32, #tpu.memory_space<vmem_shared>>) target(%dma_start3A_133 : memref<640x32xf32, #tpu.memory_space<hbm>>) target_semaphore(%run_scoped3A_130 : memref<!tpu.dma_semaphore, #tpu.memory_space<semaphore_mem>>)
      %dma_wait3A = arith.constant 0 : i32
      %dma_wait3A_136 = tpu.memref_slice %arg5[%arg0, %mul3A_4, %dma_wait3A] : memref<2x10240x32xf32, #tpu.memory_space<hbm>> -> memref<1x640x32xf32, #tpu.memory_space<hbm>>
      %dma_wait3A_137 = tpu.memref_squeeze %dma_wait3A_136 : memref<1x640x32xf32, #tpu.memory_space<hbm>> -> memref<640x32xf32, #tpu.memory_space<hbm>>
      %dma_wait3A_138 = arith.constant 0 : i32
      %dma_wait3A_139 = tpu.memref_slice %arg9[%mul3A_4, %dma_wait3A_138] : memref<10240x32xf32, #tpu.memory_space<vmem_shared>> -> memref<640x32xf32, #tpu.memory_space<vmem_shared>>
      tpu.wait_dma2 semaphore(%run_scoped3A_130 : memref<!tpu.dma_semaphore, #tpu.memory_space<semaphore_mem>>) src(%dma_wait3A_139 : memref<640x32xf32, #tpu.memory_space<vmem_shared>>) dst(%dma_wait3A_137 : memref<640x32xf32, #tpu.memory_space<hbm>>)
      tpu.yield
    }) : () -> ()
    return
  }
}

#map = affine_map<(d0, d1) -> (0, 0)>
#map1 = affine_map<(d0, d1) -> (0, 0, 0)>
module attributes {stable_mosaic.version = 14 : i64} {
  func.func @_sc_pass_body(%arg0: i32, %arg1: i32, %arg2: memref<10000x32xf32, #tpu.memory_space<hbm>>, %arg3: memref<2x320000xi32, #tpu.memory_space<hbm>>, %arg4: memref<10240x32xf32, #tpu.memory_space<hbm>>, %arg5: memref<10240x16xf32, #tpu.memory_space<hbm>>, %arg6: memref<80x16xf32, #tpu.memory_space<hbm>>, %arg7: memref<2x10240x32xf32, #tpu.memory_space<hbm>>, %arg8: memref<2x10240x16xf32, #tpu.memory_space<hbm>>, %arg9: memref<10000xi32, #tpu.memory_space<vmem>>, %arg10: memref<5x80xi32, #tpu.memory_space<vmem>>, %arg11: memref<5x80x32xf32, #tpu.memory_space<vmem>>, %arg12: memref<80x16xf32, #tpu.memory_space<vmem>>, %arg13: memref<10240x32xf32, #tpu.memory_space<vmem_shared>>, %arg14: memref<10240x16xf32, #tpu.memory_space<vmem_shared>>, %arg15: memref<!tpu.dma_semaphore, #tpu.memory_space<semaphore_mem>>, %arg16: memref<!tpu.dma_semaphore, #tpu.memory_space<semaphore_mem>>, %arg17: memref<!tpu.dma_semaphore, #tpu.memory_space<semaphore_mem>>, %arg18: memref<!tpu.dma_semaphore, #tpu.memory_space<semaphore_mem>>, %arg19: memref<!tpu.dma_semaphore, #tpu.memory_space<semaphore_mem>>, %arg20: memref<!tpu.dma_semaphore, #tpu.memory_space<semaphore_mem>>, %arg21: memref<!tpu.dma_semaphore, #tpu.memory_space<semaphore_mem>>, %arg22: memref<!tpu.dma_semaphore, #tpu.memory_space<semaphore_mem>>, %arg23: memref<!tpu.dma_semaphore, #tpu.memory_space<semaphore_mem>>, %arg24: memref<!tpu.dma_semaphore, #tpu.memory_space<semaphore_mem>>, %arg25: memref<!tpu.dma_semaphore, #tpu.memory_space<semaphore_mem>>, %arg26: memref<!tpu.dma_semaphore, #tpu.memory_space<semaphore_mem>>, %arg27: memref<!tpu.dma_semaphore, #tpu.memory_space<semaphore_mem>>, %arg28: memref<!tpu.dma_semaphore, #tpu.memory_space<semaphore_mem>>, %arg29: memref<!tpu.dma_semaphore, #tpu.memory_space<semaphore_mem>>) attributes {dimension_semantics = [#tpu.dimension_semantics<core_parallel>, #tpu.dimension_semantics<subcore_parallel>], iteration_bounds = array<i64: 2, 16>, scalar_prefetch = 0 : i64, scratch_operands = 21 : i64, tpu.core_type = #tpu.core_type<sc_vector_subcore>, window_params = [{transform_indices = #map}, {transform_indices = #map}, {transform_indices = #map}, {transform_indices = #map}, {transform_indices = #map}, {transform_indices = #map1}, {transform_indices = #map1}]} {
    %mul3A = arith.constant 16 : i32
    %mul3A_0 = arith.muli %arg0, %mul3A : i32
    %add3A = arith.addi %mul3A_0, %arg1 : i32
    %mul3A_1 = arith.constant 10000 : i32
    %mul3A_2 = arith.muli %add3A, %mul3A_1 : i32
    %run_scoped3A = arith.constant 0 : i32
    "tpu.region"() ({
      %run_scoped3A_130 = tpu.sem_alloc : memref<!tpu.dma_semaphore, #tpu.memory_space<semaphore_mem>>
      %dma_start3A_131 = tpu.memref_slice %arg3[%run_scoped3A, %mul3A_2] : memref<2x320000xi32, #tpu.memory_space<hbm>> -> memref<1x10000xi32, #tpu.memory_space<hbm>>
      %dma_start3A_132 = tpu.memref_squeeze %dma_start3A_131 : memref<1x10000xi32, #tpu.memory_space<hbm>> -> memref<10000xi32, #tpu.memory_space<hbm>>
      %dma_start3A_133 = tpu.memref_slice %arg3[%run_scoped3A, %mul3A_2] : memref<2x320000xi32, #tpu.memory_space<hbm>> -> memref<1x10000xi32, #tpu.memory_space<hbm>>
      %dma_start3A_134 = tpu.memref_squeeze %dma_start3A_133 : memref<1x10000xi32, #tpu.memory_space<hbm>> -> memref<10000xi32, #tpu.memory_space<hbm>>
      tpu.enqueue_dma source(%dma_start3A_134 : memref<10000xi32, #tpu.memory_space<hbm>>) target(%arg9 : memref<10000xi32, #tpu.memory_space<vmem>>) target_semaphore(%run_scoped3A_130 : memref<!tpu.dma_semaphore, #tpu.memory_space<semaphore_mem>>)
      %dma_wait3A = tpu.memref_slice %arg3[%run_scoped3A, %mul3A_2] : memref<2x320000xi32, #tpu.memory_space<hbm>> -> memref<1x10000xi32, #tpu.memory_space<hbm>>
      %dma_wait3A_135 = tpu.memref_squeeze %dma_wait3A : memref<1x10000xi32, #tpu.memory_space<hbm>> -> memref<10000xi32, #tpu.memory_space<hbm>>
      %dma_wait3A_136 = tpu.memref_slice %arg3[%run_scoped3A, %mul3A_2] : memref<2x320000xi32, #tpu.memory_space<hbm>> -> memref<1x10000xi32, #tpu.memory_space<hbm>>
      %dma_wait3A_137 = tpu.memref_squeeze %dma_wait3A_136 : memref<1x10000xi32, #tpu.memory_space<hbm>> -> memref<10000xi32, #tpu.memory_space<hbm>>
      tpu.wait_dma2 semaphore(%run_scoped3A_130 : memref<!tpu.dma_semaphore, #tpu.memory_space<semaphore_mem>>) src(%dma_wait3A_137 : memref<10000xi32, #tpu.memory_space<hbm>>) dst(%arg9 : memref<10000xi32, #tpu.memory_space<vmem>>)
      tpu.yield
    }) : () -> ()
    %mul3A_3 = arith.constant 640 : i32
    %mul3A_4 = arith.muli %arg1, %mul3A_3 : i32
    "tpu.region"() ({
      %run_scoped3A_130 = tpu.sem_alloc : memref<!tpu.dma_semaphore, #tpu.memory_space<semaphore_mem>>
      %dma_start3A_131 = arith.constant 0 : i32
      %dma_start3A_132 = tpu.memref_slice %arg13[%mul3A_4, %dma_start3A_131] : memref<10240x32xf32, #tpu.memory_space<vmem_shared>> -> memref<640x32xf32, #tpu.memory_space<vmem_shared>>
      %dma_start3A_133 = arith.constant 0 : i32
      %dma_start3A_134 = tpu.memref_slice %arg4[%mul3A_4, %dma_start3A_133] : memref<10240x32xf32, #tpu.memory_space<hbm>> -> memref<640x32xf32, #tpu.memory_space<hbm>>
      tpu.enqueue_dma source(%dma_start3A_134 : memref<640x32xf32, #tpu.memory_space<hbm>>) target(%dma_start3A_132 : memref<640x32xf32, #tpu.memory_space<vmem_shared>>) target_semaphore(%run_scoped3A_130 : memref<!tpu.dma_semaphore, #tpu.memory_space<semaphore_mem>>)
      %dma_wait3A = arith.constant 0 : i32
      %dma_wait3A_135 = tpu.memref_slice %arg13[%mul3A_4, %dma_wait3A] : memref<10240x32xf32, #tpu.memory_space<vmem_shared>> -> memref<640x32xf32, #tpu.memory_space<vmem_shared>>
      %dma_wait3A_136 = arith.constant 0 : i32
      %dma_wait3A_137 = tpu.memref_slice %arg4[%mul3A_4, %dma_wait3A_136] : memref<10240x32xf32, #tpu.memory_space<hbm>> -> memref<640x32xf32, #tpu.memory_space<hbm>>
      tpu.wait_dma2 semaphore(%run_scoped3A_130 : memref<!tpu.dma_semaphore, #tpu.memory_space<semaphore_mem>>) src(%dma_wait3A_137 : memref<640x32xf32, #tpu.memory_space<hbm>>) dst(%dma_wait3A_135 : memref<640x32xf32, #tpu.memory_space<vmem_shared>>)
      tpu.yield
    }) : () -> ()
    "tpu.region"() ({
      %run_scoped3A_130 = tpu.sem_alloc : memref<!tpu.dma_semaphore, #tpu.memory_space<semaphore_mem>>
      %dma_start3A_131 = arith.constant 0 : i32
      %dma_start3A_132 = tpu.memref_slice %arg14[%mul3A_4, %dma_start3A_131] : memref<10240x16xf32, #tpu.memory_space<vmem_shared>> -> memref<640x16xf32, #tpu.memory_space<vmem_shared>>
      %dma_start3A_133 = arith.constant 0 : i32
      %dma_start3A_134 = tpu.memref_slice %arg5[%mul3A_4, %dma_start3A_133] : memref<10240x16xf32, #tpu.memory_space<hbm>> -> memref<640x16xf32, #tpu.memory_space<hbm>>
      tpu.enqueue_dma source(%dma_start3A_134 : memref<640x16xf32, #tpu.memory_space<hbm>>) target(%dma_start3A_132 : memref<640x16xf32, #tpu.memory_space<vmem_shared>>) target_semaphore(%run_scoped3A_130 : memref<!tpu.dma_semaphore, #tpu.memory_space<semaphore_mem>>)
      %dma_wait3A = arith.constant 0 : i32
      %dma_wait3A_135 = tpu.memref_slice %arg14[%mul3A_4, %dma_wait3A] : memref<10240x16xf32, #tpu.memory_space<vmem_shared>> -> memref<640x16xf32, #tpu.memory_space<vmem_shared>>
      %dma_wait3A_136 = arith.constant 0 : i32
      %dma_wait3A_137 = tpu.memref_slice %arg5[%mul3A_4, %dma_wait3A_136] : memref<10240x16xf32, #tpu.memory_space<hbm>> -> memref<640x16xf32, #tpu.memory_space<hbm>>
      tpu.wait_dma2 semaphore(%run_scoped3A_130 : memref<!tpu.dma_semaphore, #tpu.memory_space<semaphore_mem>>) src(%dma_wait3A_137 : memref<640x16xf32, #tpu.memory_space<hbm>>) dst(%dma_wait3A_135 : memref<640x16xf32, #tpu.memory_space<vmem_shared>>)
      tpu.yield
    }) : () -> ()
    "tpu.region"() ({
      %run_scoped3A_130 = tpu.sem_alloc : memref<!tpu.dma_semaphore, #tpu.memory_space<semaphore_mem>>
      tpu.enqueue_dma source(%arg6 : memref<80x16xf32, #tpu.memory_space<hbm>>) target(%arg12 : memref<80x16xf32, #tpu.memory_space<vmem>>) target_semaphore(%run_scoped3A_130 : memref<!tpu.dma_semaphore, #tpu.memory_space<semaphore_mem>>)
      tpu.wait_dma2 semaphore(%run_scoped3A_130 : memref<!tpu.dma_semaphore, #tpu.memory_space<semaphore_mem>>) src(%arg6 : memref<80x16xf32, #tpu.memory_space<hbm>>) dst(%arg12 : memref<80x16xf32, #tpu.memory_space<vmem>>)
      tpu.yield
    }) : () -> ()
    %barrier3A = arith.constant 0 : index
    tpu.barrier barrier_id(%barrier3A)
    %add3A_5 = arith.constant 0 : i32
    %add3A_6 = arith.addi %mul3A_2, %add3A_5 : i32
    %dma_start3A = arith.constant 1 : i32
    %dma_start3A_7 = arith.constant 0 : i32
    %dma_start3A_8 = arith.constant 0 : i32
    %dma_start3A_9 = tpu.memref_slice %arg10[%dma_start3A_7, %dma_start3A_8] : memref<5x80xi32, #tpu.memory_space<vmem>> -> memref<1x80xi32, #tpu.memory_space<vmem>>
    %dma_start3A_10 = tpu.memref_squeeze %dma_start3A_9 : memref<1x80xi32, #tpu.memory_space<vmem>> -> memref<80xi32, #tpu.memory_space<vmem>>
    %dma_start3A_11 = tpu.memref_slice %arg3[%dma_start3A, %add3A_6] : memref<2x320000xi32, #tpu.memory_space<hbm>> -> memref<1x80xi32, #tpu.memory_space<hbm>>
    %dma_start3A_12 = tpu.memref_squeeze %dma_start3A_11 : memref<1x80xi32, #tpu.memory_space<hbm>> -> memref<80xi32, #tpu.memory_space<hbm>>
    %dma_start3A_13 = arith.constant 0 : i32
    %dma_start3A_14 = tpu.memref_slice %arg10[%dma_start3A_7, %dma_start3A_13] : memref<5x80xi32, #tpu.memory_space<vmem>> -> memref<1x80xi32, #tpu.memory_space<vmem>>
    %dma_start3A_15 = tpu.memref_squeeze %dma_start3A_14 : memref<1x80xi32, #tpu.memory_space<vmem>> -> memref<80xi32, #tpu.memory_space<vmem>>
    %dma_start3A_16 = tpu.memref_slice %arg3[%dma_start3A, %add3A_6] : memref<2x320000xi32, #tpu.memory_space<hbm>> -> memref<1x80xi32, #tpu.memory_space<hbm>>
    %dma_start3A_17 = tpu.memref_squeeze %dma_start3A_16 : memref<1x80xi32, #tpu.memory_space<hbm>> -> memref<80xi32, #tpu.memory_space<hbm>>
    tpu.enqueue_dma source(%dma_start3A_17 : memref<80xi32, #tpu.memory_space<hbm>>) target(%dma_start3A_15 : memref<80xi32, #tpu.memory_space<vmem>>) target_semaphore(%arg20 : memref<!tpu.dma_semaphore, #tpu.memory_space<semaphore_mem>>)
    %dma_start3A_18 = arith.constant 0 : i32
    %dma_start3A_19 = arith.constant 0 : i32
    %dma_start3A_20 = arith.constant 0 : i32
    %dma_start3A_21 = tpu.memref_slice %arg11[%dma_start3A_18, %dma_start3A_19, %dma_start3A_20] : memref<5x80x32xf32, #tpu.memory_space<vmem>> -> memref<1x80x32xf32, #tpu.memory_space<vmem>>
    %dma_start3A_22 = tpu.memref_squeeze %dma_start3A_21 : memref<1x80x32xf32, #tpu.memory_space<vmem>> -> memref<80x32xf32, #tpu.memory_space<vmem>>
    %dma_start3A_23 = arith.constant 0 : i32
    %dma_start3A_24 = tpu.memref_slice %arg9[%dma_start3A_23] : memref<10000xi32, #tpu.memory_space<vmem>> -> memref<80xi32, #tpu.memory_space<vmem>>
    %dma_start3A_25 = arith.constant 0 : i32
    %dma_start3A_26 = arith.constant 0 : i32
    %dma_start3A_27 = tpu.memref_slice %arg2[%dma_start3A_25, %dma_start3A_26] : memref<10000x32xf32, #tpu.memory_space<hbm>> -> memref<10000x32xf32, #tpu.memory_space<hbm>>
    tpu.enqueue_indirect_dma source(%dma_start3A_27 : memref<10000x32xf32, #tpu.memory_space<hbm>>) target(%dma_start3A_22 : memref<80x32xf32, #tpu.memory_space<vmem>>) offsets(%dma_start3A_24 : memref<80xi32, #tpu.memory_space<vmem>>) semaphore(%arg15 : memref<!tpu.dma_semaphore, #tpu.memory_space<semaphore_mem>>)
    %add3A_28 = arith.constant 80 : i32
    %add3A_29 = arith.addi %mul3A_2, %add3A_28 : i32
    %dma_start3A_30 = arith.constant 1 : i32
    %dma_start3A_31 = arith.constant 1 : i32
    %dma_start3A_32 = arith.constant 0 : i32
    %dma_start3A_33 = tpu.memref_slice %arg10[%dma_start3A_31, %dma_start3A_32] : memref<5x80xi32, #tpu.memory_space<vmem>> -> memref<1x80xi32, #tpu.memory_space<vmem>>
    %dma_start3A_34 = tpu.memref_squeeze %dma_start3A_33 : memref<1x80xi32, #tpu.memory_space<vmem>> -> memref<80xi32, #tpu.memory_space<vmem>>
    %dma_start3A_35 = tpu.memref_slice %arg3[%dma_start3A_30, %add3A_29] : memref<2x320000xi32, #tpu.memory_space<hbm>> -> memref<1x80xi32, #tpu.memory_space<hbm>>
    %dma_start3A_36 = tpu.memref_squeeze %dma_start3A_35 : memref<1x80xi32, #tpu.memory_space<hbm>> -> memref<80xi32, #tpu.memory_space<hbm>>
    %dma_start3A_37 = arith.constant 0 : i32
    %dma_start3A_38 = tpu.memref_slice %arg10[%dma_start3A_31, %dma_start3A_37] : memref<5x80xi32, #tpu.memory_space<vmem>> -> memref<1x80xi32, #tpu.memory_space<vmem>>
    %dma_start3A_39 = tpu.memref_squeeze %dma_start3A_38 : memref<1x80xi32, #tpu.memory_space<vmem>> -> memref<80xi32, #tpu.memory_space<vmem>>
    %dma_start3A_40 = tpu.memref_slice %arg3[%dma_start3A_30, %add3A_29] : memref<2x320000xi32, #tpu.memory_space<hbm>> -> memref<1x80xi32, #tpu.memory_space<hbm>>
    %dma_start3A_41 = tpu.memref_squeeze %dma_start3A_40 : memref<1x80xi32, #tpu.memory_space<hbm>> -> memref<80xi32, #tpu.memory_space<hbm>>
    tpu.enqueue_dma source(%dma_start3A_41 : memref<80xi32, #tpu.memory_space<hbm>>) target(%dma_start3A_39 : memref<80xi32, #tpu.memory_space<vmem>>) target_semaphore(%arg21 : memref<!tpu.dma_semaphore, #tpu.memory_space<semaphore_mem>>)
    %dma_start3A_42 = arith.constant 1 : i32
    %dma_start3A_43 = arith.constant 0 : i32
    %dma_start3A_44 = arith.constant 0 : i32
    %dma_start3A_45 = tpu.memref_slice %arg11[%dma_start3A_42, %dma_start3A_43, %dma_start3A_44] : memref<5x80x32xf32, #tpu.memory_space<vmem>> -> memref<1x80x32xf32, #tpu.memory_space<vmem>>
    %dma_start3A_46 = tpu.memref_squeeze %dma_start3A_45 : memref<1x80x32xf32, #tpu.memory_space<vmem>> -> memref<80x32xf32, #tpu.memory_space<vmem>>
    %dma_start3A_47 = arith.constant 80 : i32
    %dma_start3A_48 = tpu.memref_slice %arg9[%dma_start3A_47] : memref<10000xi32, #tpu.memory_space<vmem>> -> memref<80xi32, #tpu.memory_space<vmem>>
    %dma_start3A_49 = arith.constant 0 : i32
    %dma_start3A_50 = arith.constant 0 : i32
    %dma_start3A_51 = tpu.memref_slice %arg2[%dma_start3A_49, %dma_start3A_50] : memref<10000x32xf32, #tpu.memory_space<hbm>> -> memref<10000x32xf32, #tpu.memory_space<hbm>>
    tpu.enqueue_indirect_dma source(%dma_start3A_51 : memref<10000x32xf32, #tpu.memory_space<hbm>>) target(%dma_start3A_46 : memref<80x32xf32, #tpu.memory_space<vmem>>) offsets(%dma_start3A_48 : memref<80xi32, #tpu.memory_space<vmem>>) semaphore(%arg16 : memref<!tpu.dma_semaphore, #tpu.memory_space<semaphore_mem>>)
    %add3A_52 = arith.constant 160 : i32
    %add3A_53 = arith.addi %mul3A_2, %add3A_52 : i32
    %dma_start3A_54 = arith.constant 1 : i32
    %dma_start3A_55 = arith.constant 2 : i32
    %dma_start3A_56 = arith.constant 0 : i32
    %dma_start3A_57 = tpu.memref_slice %arg10[%dma_start3A_55, %dma_start3A_56] : memref<5x80xi32, #tpu.memory_space<vmem>> -> memref<1x80xi32, #tpu.memory_space<vmem>>
    %dma_start3A_58 = tpu.memref_squeeze %dma_start3A_57 : memref<1x80xi32, #tpu.memory_space<vmem>> -> memref<80xi32, #tpu.memory_space<vmem>>
    %dma_start3A_59 = tpu.memref_slice %arg3[%dma_start3A_54, %add3A_53] : memref<2x320000xi32, #tpu.memory_space<hbm>> -> memref<1x80xi32, #tpu.memory_space<hbm>>
    %dma_start3A_60 = tpu.memref_squeeze %dma_start3A_59 : memref<1x80xi32, #tpu.memory_space<hbm>> -> memref<80xi32, #tpu.memory_space<hbm>>
    %dma_start3A_61 = arith.constant 0 : i32
    %dma_start3A_62 = tpu.memref_slice %arg10[%dma_start3A_55, %dma_start3A_61] : memref<5x80xi32, #tpu.memory_space<vmem>> -> memref<1x80xi32, #tpu.memory_space<vmem>>
    %dma_start3A_63 = tpu.memref_squeeze %dma_start3A_62 : memref<1x80xi32, #tpu.memory_space<vmem>> -> memref<80xi32, #tpu.memory_space<vmem>>
    %dma_start3A_64 = tpu.memref_slice %arg3[%dma_start3A_54, %add3A_53] : memref<2x320000xi32, #tpu.memory_space<hbm>> -> memref<1x80xi32, #tpu.memory_space<hbm>>
    %dma_start3A_65 = tpu.memref_squeeze %dma_start3A_64 : memref<1x80xi32, #tpu.memory_space<hbm>> -> memref<80xi32, #tpu.memory_space<hbm>>
    tpu.enqueue_dma source(%dma_start3A_65 : memref<80xi32, #tpu.memory_space<hbm>>) target(%dma_start3A_63 : memref<80xi32, #tpu.memory_space<vmem>>) target_semaphore(%arg22 : memref<!tpu.dma_semaphore, #tpu.memory_space<semaphore_mem>>)
    %dma_start3A_66 = arith.constant 2 : i32
    %dma_start3A_67 = arith.constant 0 : i32
    %dma_start3A_68 = arith.constant 0 : i32
    %dma_start3A_69 = tpu.memref_slice %arg11[%dma_start3A_66, %dma_start3A_67, %dma_start3A_68] : memref<5x80x32xf32, #tpu.memory_space<vmem>> -> memref<1x80x32xf32, #tpu.memory_space<vmem>>
    %dma_start3A_70 = tpu.memref_squeeze %dma_start3A_69 : memref<1x80x32xf32, #tpu.memory_space<vmem>> -> memref<80x32xf32, #tpu.memory_space<vmem>>
    %dma_start3A_71 = arith.constant 160 : i32
    %dma_start3A_72 = tpu.memref_slice %arg9[%dma_start3A_71] : memref<10000xi32, #tpu.memory_space<vmem>> -> memref<80xi32, #tpu.memory_space<vmem>>
    %dma_start3A_73 = arith.constant 0 : i32
    %dma_start3A_74 = arith.constant 0 : i32
    %dma_start3A_75 = tpu.memref_slice %arg2[%dma_start3A_73, %dma_start3A_74] : memref<10000x32xf32, #tpu.memory_space<hbm>> -> memref<10000x32xf32, #tpu.memory_space<hbm>>
    tpu.enqueue_indirect_dma source(%dma_start3A_75 : memref<10000x32xf32, #tpu.memory_space<hbm>>) target(%dma_start3A_70 : memref<80x32xf32, #tpu.memory_space<vmem>>) offsets(%dma_start3A_72 : memref<80xi32, #tpu.memory_space<vmem>>) semaphore(%arg17 : memref<!tpu.dma_semaphore, #tpu.memory_space<semaphore_mem>>)
    %add3A_76 = arith.constant 240 : i32
    %add3A_77 = arith.addi %mul3A_2, %add3A_76 : i32
    %dma_start3A_78 = arith.constant 1 : i32
    %dma_start3A_79 = arith.constant 3 : i32
    %dma_start3A_80 = arith.constant 0 : i32
    %dma_start3A_81 = tpu.memref_slice %arg10[%dma_start3A_79, %dma_start3A_80] : memref<5x80xi32, #tpu.memory_space<vmem>> -> memref<1x80xi32, #tpu.memory_space<vmem>>
    %dma_start3A_82 = tpu.memref_squeeze %dma_start3A_81 : memref<1x80xi32, #tpu.memory_space<vmem>> -> memref<80xi32, #tpu.memory_space<vmem>>
    %dma_start3A_83 = tpu.memref_slice %arg3[%dma_start3A_78, %add3A_77] : memref<2x320000xi32, #tpu.memory_space<hbm>> -> memref<1x80xi32, #tpu.memory_space<hbm>>
    %dma_start3A_84 = tpu.memref_squeeze %dma_start3A_83 : memref<1x80xi32, #tpu.memory_space<hbm>> -> memref<80xi32, #tpu.memory_space<hbm>>
    %dma_start3A_85 = arith.constant 0 : i32
    %dma_start3A_86 = tpu.memref_slice %arg10[%dma_start3A_79, %dma_start3A_85] : memref<5x80xi32, #tpu.memory_space<vmem>> -> memref<1x80xi32, #tpu.memory_space<vmem>>
    %dma_start3A_87 = tpu.memref_squeeze %dma_start3A_86 : memref<1x80xi32, #tpu.memory_space<vmem>> -> memref<80xi32, #tpu.memory_space<vmem>>
    %dma_start3A_88 = tpu.memref_slice %arg3[%dma_start3A_78, %add3A_77] : memref<2x320000xi32, #tpu.memory_space<hbm>> -> memref<1x80xi32, #tpu.memory_space<hbm>>
    %dma_start3A_89 = tpu.memref_squeeze %dma_start3A_88 : memref<1x80xi32, #tpu.memory_space<hbm>> -> memref<80xi32, #tpu.memory_space<hbm>>
    tpu.enqueue_dma source(%dma_start3A_89 : memref<80xi32, #tpu.memory_space<hbm>>) target(%dma_start3A_87 : memref<80xi32, #tpu.memory_space<vmem>>) target_semaphore(%arg23 : memref<!tpu.dma_semaphore, #tpu.memory_space<semaphore_mem>>)
    %dma_start3A_90 = arith.constant 3 : i32
    %dma_start3A_91 = arith.constant 0 : i32
    %dma_start3A_92 = arith.constant 0 : i32
    %dma_start3A_93 = tpu.memref_slice %arg11[%dma_start3A_90, %dma_start3A_91, %dma_start3A_92] : memref<5x80x32xf32, #tpu.memory_space<vmem>> -> memref<1x80x32xf32, #tpu.memory_space<vmem>>
    %dma_start3A_94 = tpu.memref_squeeze %dma_start3A_93 : memref<1x80x32xf32, #tpu.memory_space<vmem>> -> memref<80x32xf32, #tpu.memory_space<vmem>>
    %dma_start3A_95 = arith.constant 240 : i32
    %dma_start3A_96 = tpu.memref_slice %arg9[%dma_start3A_95] : memref<10000xi32, #tpu.memory_space<vmem>> -> memref<80xi32, #tpu.memory_space<vmem>>
    %dma_start3A_97 = arith.constant 0 : i32
    %dma_start3A_98 = arith.constant 0 : i32
    %dma_start3A_99 = tpu.memref_slice %arg2[%dma_start3A_97, %dma_start3A_98] : memref<10000x32xf32, #tpu.memory_space<hbm>> -> memref<10000x32xf32, #tpu.memory_space<hbm>>
    tpu.enqueue_indirect_dma source(%dma_start3A_99 : memref<10000x32xf32, #tpu.memory_space<hbm>>) target(%dma_start3A_94 : memref<80x32xf32, #tpu.memory_space<vmem>>) offsets(%dma_start3A_96 : memref<80xi32, #tpu.memory_space<vmem>>) semaphore(%arg18 : memref<!tpu.dma_semaphore, #tpu.memory_space<semaphore_mem>>)
    %add3A_100 = arith.constant 320 : i32
    %add3A_101 = arith.addi %mul3A_2, %add3A_100 : i32
    %dma_start3A_102 = arith.constant 1 : i32
    %dma_start3A_103 = arith.constant 4 : i32
    %dma_start3A_104 = arith.constant 0 : i32
    %dma_start3A_105 = tpu.memref_slice %arg10[%dma_start3A_103, %dma_start3A_104] : memref<5x80xi32, #tpu.memory_space<vmem>> -> memref<1x80xi32, #tpu.memory_space<vmem>>
    %dma_start3A_106 = tpu.memref_squeeze %dma_start3A_105 : memref<1x80xi32, #tpu.memory_space<vmem>> -> memref<80xi32, #tpu.memory_space<vmem>>
    %dma_start3A_107 = tpu.memref_slice %arg3[%dma_start3A_102, %add3A_101] : memref<2x320000xi32, #tpu.memory_space<hbm>> -> memref<1x80xi32, #tpu.memory_space<hbm>>
    %dma_start3A_108 = tpu.memref_squeeze %dma_start3A_107 : memref<1x80xi32, #tpu.memory_space<hbm>> -> memref<80xi32, #tpu.memory_space<hbm>>
    %dma_start3A_109 = arith.constant 0 : i32
    %dma_start3A_110 = tpu.memref_slice %arg10[%dma_start3A_103, %dma_start3A_109] : memref<5x80xi32, #tpu.memory_space<vmem>> -> memref<1x80xi32, #tpu.memory_space<vmem>>
    %dma_start3A_111 = tpu.memref_squeeze %dma_start3A_110 : memref<1x80xi32, #tpu.memory_space<vmem>> -> memref<80xi32, #tpu.memory_space<vmem>>
    %dma_start3A_112 = tpu.memref_slice %arg3[%dma_start3A_102, %add3A_101] : memref<2x320000xi32, #tpu.memory_space<hbm>> -> memref<1x80xi32, #tpu.memory_space<hbm>>
    %dma_start3A_113 = tpu.memref_squeeze %dma_start3A_112 : memref<1x80xi32, #tpu.memory_space<hbm>> -> memref<80xi32, #tpu.memory_space<hbm>>
    tpu.enqueue_dma source(%dma_start3A_113 : memref<80xi32, #tpu.memory_space<hbm>>) target(%dma_start3A_111 : memref<80xi32, #tpu.memory_space<vmem>>) target_semaphore(%arg24 : memref<!tpu.dma_semaphore, #tpu.memory_space<semaphore_mem>>)
    %dma_start3A_114 = arith.constant 4 : i32
    %dma_start3A_115 = arith.constant 0 : i32
    %dma_start3A_116 = arith.constant 0 : i32
    %dma_start3A_117 = tpu.memref_slice %arg11[%dma_start3A_114, %dma_start3A_115, %dma_start3A_116] : memref<5x80x32xf32, #tpu.memory_space<vmem>> -> memref<1x80x32xf32, #tpu.memory_space<vmem>>
    %dma_start3A_118 = tpu.memref_squeeze %dma_start3A_117 : memref<1x80x32xf32, #tpu.memory_space<vmem>> -> memref<80x32xf32, #tpu.memory_space<vmem>>
    %dma_start3A_119 = arith.constant 320 : i32
    %dma_start3A_120 = tpu.memref_slice %arg9[%dma_start3A_119] : memref<10000xi32, #tpu.memory_space<vmem>> -> memref<80xi32, #tpu.memory_space<vmem>>
    %dma_start3A_121 = arith.constant 0 : i32
    %dma_start3A_122 = arith.constant 0 : i32
    %dma_start3A_123 = tpu.memref_slice %arg2[%dma_start3A_121, %dma_start3A_122] : memref<10000x32xf32, #tpu.memory_space<hbm>> -> memref<10000x32xf32, #tpu.memory_space<hbm>>
    tpu.enqueue_indirect_dma source(%dma_start3A_123 : memref<10000x32xf32, #tpu.memory_space<hbm>>) target(%dma_start3A_118 : memref<80x32xf32, #tpu.memory_space<vmem>>) offsets(%dma_start3A_120 : memref<80xi32, #tpu.memory_space<vmem>>) semaphore(%arg19 : memref<!tpu.dma_semaphore, #tpu.memory_space<semaphore_mem>>)
    %scan3A = arith.constant 0 : i32
    %scan3A_124 = arith.constant 0 : i32
    %scan3A_125 = arith.constant 25 : i32
    %scan3A_126 = arith.addi %scan3A_124, %scan3A_125 : i32
    %scan3A_127 = arith.constant 1 : i32
    scf.for %scan3A_130 = %scan3A_124 to %scan3A_126 step %scan3A_127  : i32 {
      %mul3A_131 = arith.constant 5 : i32
      %mul3A_132 = arith.muli %scan3A_130, %mul3A_131 : i32
      %add3A_133 = arith.constant 0 : i32
      %add3A_134 = arith.addi %mul3A_132, %add3A_133 : i32
      %mul3A_135 = arith.constant 80 : i32
      %mul3A_136 = arith.muli %add3A_134, %mul3A_135 : i32
      %add3A_137 = arith.addi %mul3A_2, %mul3A_136 : i32
      %dma_wait3A = arith.constant 1 : i32
      %dma_wait3A_138 = arith.constant 0 : i32
      %dma_wait3A_139 = arith.constant 0 : i32
      %dma_wait3A_140 = tpu.memref_slice %arg10[%dma_wait3A_138, %dma_wait3A_139] : memref<5x80xi32, #tpu.memory_space<vmem>> -> memref<1x80xi32, #tpu.memory_space<vmem>>
      %dma_wait3A_141 = tpu.memref_squeeze %dma_wait3A_140 : memref<1x80xi32, #tpu.memory_space<vmem>> -> memref<80xi32, #tpu.memory_space<vmem>>
      %dma_wait3A_142 = tpu.memref_slice %arg3[%dma_wait3A, %add3A_137] : memref<2x320000xi32, #tpu.memory_space<hbm>> -> memref<1x80xi32, #tpu.memory_space<hbm>>
      %dma_wait3A_143 = tpu.memref_squeeze %dma_wait3A_142 : memref<1x80xi32, #tpu.memory_space<hbm>> -> memref<80xi32, #tpu.memory_space<hbm>>
      %dma_wait3A_144 = arith.constant 0 : i32
      %dma_wait3A_145 = tpu.memref_slice %arg10[%dma_wait3A_138, %dma_wait3A_144] : memref<5x80xi32, #tpu.memory_space<vmem>> -> memref<1x80xi32, #tpu.memory_space<vmem>>
      %dma_wait3A_146 = tpu.memref_squeeze %dma_wait3A_145 : memref<1x80xi32, #tpu.memory_space<vmem>> -> memref<80xi32, #tpu.memory_space<vmem>>
      %dma_wait3A_147 = tpu.memref_slice %arg3[%dma_wait3A, %add3A_137] : memref<2x320000xi32, #tpu.memory_space<hbm>> -> memref<1x80xi32, #tpu.memory_space<hbm>>
      %dma_wait3A_148 = tpu.memref_squeeze %dma_wait3A_147 : memref<1x80xi32, #tpu.memory_space<hbm>> -> memref<80xi32, #tpu.memory_space<hbm>>
      tpu.wait_dma2 semaphore(%arg20 : memref<!tpu.dma_semaphore, #tpu.memory_space<semaphore_mem>>) src(%dma_wait3A_148 : memref<80xi32, #tpu.memory_space<hbm>>) dst(%dma_wait3A_146 : memref<80xi32, #tpu.memory_space<vmem>>)
      %dma_start3A_149 = arith.constant 0 : i32
      %dma_start3A_150 = arith.constant 0 : i32
      %dma_start3A_151 = tpu.memref_slice %arg10[%dma_start3A_149, %dma_start3A_150] : memref<5x80xi32, #tpu.memory_space<vmem>> -> memref<1x80xi32, #tpu.memory_space<vmem>>
      %dma_start3A_152 = tpu.memref_squeeze %dma_start3A_151 : memref<1x80xi32, #tpu.memory_space<vmem>> -> memref<80xi32, #tpu.memory_space<vmem>>
      %dma_start3A_153 = arith.constant 0 : i32
      %dma_start3A_154 = arith.constant 0 : i32
      %dma_start3A_155 = tpu.memref_slice %arg14[%dma_start3A_153, %dma_start3A_154] : memref<10240x16xf32, #tpu.memory_space<vmem_shared>> -> memref<10240x16xf32, #tpu.memory_space<vmem_shared>>
      tpu.enqueue_indirect_dma source(%arg12 : memref<80x16xf32, #tpu.memory_space<vmem>>) target(%dma_start3A_155 : memref<10240x16xf32, #tpu.memory_space<vmem_shared>>) offsets(%dma_start3A_152 : memref<80xi32, #tpu.memory_space<vmem>>) semaphore(%arg25 : memref<!tpu.dma_semaphore, #tpu.memory_space<semaphore_mem>>) {add = true}
      %mul3A_156 = arith.constant 80 : i32
      %mul3A_157 = arith.muli %add3A_134, %mul3A_156 : i32
      %dma_wait3A_158 = arith.constant 0 : i32
      %dma_wait3A_159 = arith.constant 0 : i32
      %dma_wait3A_160 = arith.constant 0 : i32
      %dma_wait3A_161 = tpu.memref_slice %arg11[%dma_wait3A_158, %dma_wait3A_159, %dma_wait3A_160] : memref<5x80x32xf32, #tpu.memory_space<vmem>> -> memref<1x80x32xf32, #tpu.memory_space<vmem>>
      %dma_wait3A_162 = tpu.memref_squeeze %dma_wait3A_161 : memref<1x80x32xf32, #tpu.memory_space<vmem>> -> memref<80x32xf32, #tpu.memory_space<vmem>>
      %dma_wait3A_163 = tpu.memref_slice %arg9[%mul3A_157] : memref<10000xi32, #tpu.memory_space<vmem>> -> memref<80xi32, #tpu.memory_space<vmem>>
      %dma_wait3A_164 = arith.constant 0 : i32
      %dma_wait3A_165 = arith.constant 0 : i32
      %dma_wait3A_166 = tpu.memref_slice %arg2[%dma_wait3A_164, %dma_wait3A_165] : memref<10000x32xf32, #tpu.memory_space<hbm>> -> memref<10000x32xf32, #tpu.memory_space<hbm>>
      tpu.wait_indirect_dma semaphore(%arg15 : memref<!tpu.dma_semaphore, #tpu.memory_space<semaphore_mem>>) src(%dma_wait3A_166 : memref<10000x32xf32, #tpu.memory_space<hbm>>) dst(%dma_wait3A_162 : memref<80x32xf32, #tpu.memory_space<vmem>>)
      %run_scoped3A_167 = arith.constant 0 : i32
      %run_scoped3A_168 = arith.constant 0 : i32
      "tpu.region"() ({
        %run_scoped3A_374 = tpu.sem_alloc : memref<!tpu.dma_semaphore, #tpu.memory_space<semaphore_mem>>
        %dma_start3A_375 = arith.constant 0 : i32
        %dma_start3A_376 = arith.constant 0 : i32
        %dma_start3A_377 = tpu.memref_slice %arg11[%run_scoped3A_167, %dma_start3A_375, %dma_start3A_376] : memref<5x80x32xf32, #tpu.memory_space<vmem>> -> memref<1x80x32xf32, #tpu.memory_space<vmem>>
        %dma_start3A_378 = tpu.memref_squeeze %dma_start3A_377 : memref<1x80x32xf32, #tpu.memory_space<vmem>> -> memref<80x32xf32, #tpu.memory_space<vmem>>
        %dma_start3A_379 = arith.constant 0 : i32
        %dma_start3A_380 = tpu.memref_slice %arg10[%run_scoped3A_168, %dma_start3A_379] : memref<5x80xi32, #tpu.memory_space<vmem>> -> memref<1x80xi32, #tpu.memory_space<vmem>>
        %dma_start3A_381 = tpu.memref_squeeze %dma_start3A_380 : memref<1x80xi32, #tpu.memory_space<vmem>> -> memref<80xi32, #tpu.memory_space<vmem>>
        %dma_start3A_382 = arith.constant 0 : i32
        %dma_start3A_383 = arith.constant 0 : i32
        %dma_start3A_384 = tpu.memref_slice %arg13[%dma_start3A_382, %dma_start3A_383] : memref<10240x32xf32, #tpu.memory_space<vmem_shared>> -> memref<10240x32xf32, #tpu.memory_space<vmem_shared>>
        tpu.enqueue_indirect_dma source(%dma_start3A_378 : memref<80x32xf32, #tpu.memory_space<vmem>>) target(%dma_start3A_384 : memref<10240x32xf32, #tpu.memory_space<vmem_shared>>) offsets(%dma_start3A_381 : memref<80xi32, #tpu.memory_space<vmem>>) semaphore(%run_scoped3A_374 : memref<!tpu.dma_semaphore, #tpu.memory_space<semaphore_mem>>) {add = true}
        %dma_wait3A_385 = arith.constant 0 : i32
        %dma_wait3A_386 = arith.constant 0 : i32
        %dma_wait3A_387 = tpu.memref_slice %arg11[%run_scoped3A_167, %dma_wait3A_385, %dma_wait3A_386] : memref<5x80x32xf32, #tpu.memory_space<vmem>> -> memref<1x80x32xf32, #tpu.memory_space<vmem>>
        %dma_wait3A_388 = tpu.memref_squeeze %dma_wait3A_387 : memref<1x80x32xf32, #tpu.memory_space<vmem>> -> memref<80x32xf32, #tpu.memory_space<vmem>>
        %dma_wait3A_389 = arith.constant 0 : i32
        %dma_wait3A_390 = tpu.memref_slice %arg10[%run_scoped3A_168, %dma_wait3A_389] : memref<5x80xi32, #tpu.memory_space<vmem>> -> memref<1x80xi32, #tpu.memory_space<vmem>>
        %dma_wait3A_391 = tpu.memref_squeeze %dma_wait3A_390 : memref<1x80xi32, #tpu.memory_space<vmem>> -> memref<80xi32, #tpu.memory_space<vmem>>
        %dma_wait3A_392 = arith.constant 0 : i32
        %dma_wait3A_393 = arith.constant 0 : i32
        %dma_wait3A_394 = tpu.memref_slice %arg13[%dma_wait3A_392, %dma_wait3A_393] : memref<10240x32xf32, #tpu.memory_space<vmem_shared>> -> memref<10240x32xf32, #tpu.memory_space<vmem_shared>>
        tpu.wait_indirect_dma semaphore(%run_scoped3A_374 : memref<!tpu.dma_semaphore, #tpu.memory_space<semaphore_mem>>) src(%dma_wait3A_388 : memref<80x32xf32, #tpu.memory_space<vmem>>) dst(%dma_wait3A_394 : memref<10240x32xf32, #tpu.memory_space<vmem_shared>>)
        tpu.yield
      }) : () -> ()
      %dma_wait3A_169 = arith.constant 0 : i32
      %dma_wait3A_170 = arith.constant 0 : i32
      %dma_wait3A_171 = tpu.memref_slice %arg10[%dma_wait3A_169, %dma_wait3A_170] : memref<5x80xi32, #tpu.memory_space<vmem>> -> memref<1x80xi32, #tpu.memory_space<vmem>>
      %dma_wait3A_172 = tpu.memref_squeeze %dma_wait3A_171 : memref<1x80xi32, #tpu.memory_space<vmem>> -> memref<80xi32, #tpu.memory_space<vmem>>
      %dma_wait3A_173 = arith.constant 0 : i32
      %dma_wait3A_174 = arith.constant 0 : i32
      %dma_wait3A_175 = tpu.memref_slice %arg14[%dma_wait3A_173, %dma_wait3A_174] : memref<10240x16xf32, #tpu.memory_space<vmem_shared>> -> memref<10240x16xf32, #tpu.memory_space<vmem_shared>>
      tpu.wait_indirect_dma semaphore(%arg25 : memref<!tpu.dma_semaphore, #tpu.memory_space<semaphore_mem>>) src(%arg12 : memref<80x16xf32, #tpu.memory_space<vmem>>) dst(%dma_wait3A_175 : memref<10240x16xf32, #tpu.memory_space<vmem_shared>>)
      %lt3A = arith.constant 24 : i32
      %lt3A_176 = arith.cmpi slt, %scan3A_130, %lt3A : i32
      %convert_element_type3A = arith.extui %lt3A_176 : i1 to i32
      %cond3A = arith.constant 0 : i32
      %cond3A_177 = arith.cmpi ne, %convert_element_type3A, %cond3A : i32
      scf.if %cond3A_177 {
        %add3A_374 = arith.constant 5 : i32
        %add3A_375 = arith.addi %add3A_134, %add3A_374 : i32
        %mul3A_376 = arith.constant 80 : i32
        %mul3A_377 = arith.muli %add3A_375, %mul3A_376 : i32
        %add3A_378 = arith.addi %mul3A_2, %mul3A_377 : i32
        %dma_start3A_379 = arith.constant 1 : i32
        %dma_start3A_380 = arith.constant 0 : i32
        %dma_start3A_381 = arith.constant 0 : i32
        %dma_start3A_382 = tpu.memref_slice %arg10[%dma_start3A_380, %dma_start3A_381] : memref<5x80xi32, #tpu.memory_space<vmem>> -> memref<1x80xi32, #tpu.memory_space<vmem>>
        %dma_start3A_383 = tpu.memref_squeeze %dma_start3A_382 : memref<1x80xi32, #tpu.memory_space<vmem>> -> memref<80xi32, #tpu.memory_space<vmem>>
        %dma_start3A_384 = tpu.memref_slice %arg3[%dma_start3A_379, %add3A_378] : memref<2x320000xi32, #tpu.memory_space<hbm>> -> memref<1x80xi32, #tpu.memory_space<hbm>>
        %dma_start3A_385 = tpu.memref_squeeze %dma_start3A_384 : memref<1x80xi32, #tpu.memory_space<hbm>> -> memref<80xi32, #tpu.memory_space<hbm>>
        %dma_start3A_386 = arith.constant 0 : i32
        %dma_start3A_387 = tpu.memref_slice %arg10[%dma_start3A_380, %dma_start3A_386] : memref<5x80xi32, #tpu.memory_space<vmem>> -> memref<1x80xi32, #tpu.memory_space<vmem>>
        %dma_start3A_388 = tpu.memref_squeeze %dma_start3A_387 : memref<1x80xi32, #tpu.memory_space<vmem>> -> memref<80xi32, #tpu.memory_space<vmem>>
        %dma_start3A_389 = tpu.memref_slice %arg3[%dma_start3A_379, %add3A_378] : memref<2x320000xi32, #tpu.memory_space<hbm>> -> memref<1x80xi32, #tpu.memory_space<hbm>>
        %dma_start3A_390 = tpu.memref_squeeze %dma_start3A_389 : memref<1x80xi32, #tpu.memory_space<hbm>> -> memref<80xi32, #tpu.memory_space<hbm>>
        tpu.enqueue_dma source(%dma_start3A_390 : memref<80xi32, #tpu.memory_space<hbm>>) target(%dma_start3A_388 : memref<80xi32, #tpu.memory_space<vmem>>) target_semaphore(%arg20 : memref<!tpu.dma_semaphore, #tpu.memory_space<semaphore_mem>>)
        %mul3A_391 = arith.constant 80 : i32
        %mul3A_392 = arith.muli %add3A_375, %mul3A_391 : i32
        %dma_start3A_393 = arith.constant 0 : i32
        %dma_start3A_394 = arith.constant 0 : i32
        %dma_start3A_395 = arith.constant 0 : i32
        %dma_start3A_396 = tpu.memref_slice %arg11[%dma_start3A_393, %dma_start3A_394, %dma_start3A_395] : memref<5x80x32xf32, #tpu.memory_space<vmem>> -> memref<1x80x32xf32, #tpu.memory_space<vmem>>
        %dma_start3A_397 = tpu.memref_squeeze %dma_start3A_396 : memref<1x80x32xf32, #tpu.memory_space<vmem>> -> memref<80x32xf32, #tpu.memory_space<vmem>>
        %dma_start3A_398 = tpu.memref_slice %arg9[%mul3A_392] : memref<10000xi32, #tpu.memory_space<vmem>> -> memref<80xi32, #tpu.memory_space<vmem>>
        %dma_start3A_399 = arith.constant 0 : i32
        %dma_start3A_400 = arith.constant 0 : i32
        %dma_start3A_401 = tpu.memref_slice %arg2[%dma_start3A_399, %dma_start3A_400] : memref<10000x32xf32, #tpu.memory_space<hbm>> -> memref<10000x32xf32, #tpu.memory_space<hbm>>
        tpu.enqueue_indirect_dma source(%dma_start3A_401 : memref<10000x32xf32, #tpu.memory_space<hbm>>) target(%dma_start3A_397 : memref<80x32xf32, #tpu.memory_space<vmem>>) offsets(%dma_start3A_398 : memref<80xi32, #tpu.memory_space<vmem>>) semaphore(%arg15 : memref<!tpu.dma_semaphore, #tpu.memory_space<semaphore_mem>>)
      } else {
      }
      %add3A_178 = arith.constant 1 : i32
      %add3A_179 = arith.addi %mul3A_132, %add3A_178 : i32
      %mul3A_180 = arith.constant 80 : i32
      %mul3A_181 = arith.muli %add3A_179, %mul3A_180 : i32
      %add3A_182 = arith.addi %mul3A_2, %mul3A_181 : i32
      %dma_wait3A_183 = arith.constant 1 : i32
      %dma_wait3A_184 = arith.constant 1 : i32
      %dma_wait3A_185 = arith.constant 0 : i32
      %dma_wait3A_186 = tpu.memref_slice %arg10[%dma_wait3A_184, %dma_wait3A_185] : memref<5x80xi32, #tpu.memory_space<vmem>> -> memref<1x80xi32, #tpu.memory_space<vmem>>
      %dma_wait3A_187 = tpu.memref_squeeze %dma_wait3A_186 : memref<1x80xi32, #tpu.memory_space<vmem>> -> memref<80xi32, #tpu.memory_space<vmem>>
      %dma_wait3A_188 = tpu.memref_slice %arg3[%dma_wait3A_183, %add3A_182] : memref<2x320000xi32, #tpu.memory_space<hbm>> -> memref<1x80xi32, #tpu.memory_space<hbm>>
      %dma_wait3A_189 = tpu.memref_squeeze %dma_wait3A_188 : memref<1x80xi32, #tpu.memory_space<hbm>> -> memref<80xi32, #tpu.memory_space<hbm>>
      %dma_wait3A_190 = arith.constant 0 : i32
      %dma_wait3A_191 = tpu.memref_slice %arg10[%dma_wait3A_184, %dma_wait3A_190] : memref<5x80xi32, #tpu.memory_space<vmem>> -> memref<1x80xi32, #tpu.memory_space<vmem>>
      %dma_wait3A_192 = tpu.memref_squeeze %dma_wait3A_191 : memref<1x80xi32, #tpu.memory_space<vmem>> -> memref<80xi32, #tpu.memory_space<vmem>>
      %dma_wait3A_193 = tpu.memref_slice %arg3[%dma_wait3A_183, %add3A_182] : memref<2x320000xi32, #tpu.memory_space<hbm>> -> memref<1x80xi32, #tpu.memory_space<hbm>>
      %dma_wait3A_194 = tpu.memref_squeeze %dma_wait3A_193 : memref<1x80xi32, #tpu.memory_space<hbm>> -> memref<80xi32, #tpu.memory_space<hbm>>
      tpu.wait_dma2 semaphore(%arg21 : memref<!tpu.dma_semaphore, #tpu.memory_space<semaphore_mem>>) src(%dma_wait3A_194 : memref<80xi32, #tpu.memory_space<hbm>>) dst(%dma_wait3A_192 : memref<80xi32, #tpu.memory_space<vmem>>)
      %dma_start3A_195 = arith.constant 1 : i32
      %dma_start3A_196 = arith.constant 0 : i32
      %dma_start3A_197 = tpu.memref_slice %arg10[%dma_start3A_195, %dma_start3A_196] : memref<5x80xi32, #tpu.memory_space<vmem>> -> memref<1x80xi32, #tpu.memory_space<vmem>>
      %dma_start3A_198 = tpu.memref_squeeze %dma_start3A_197 : memref<1x80xi32, #tpu.memory_space<vmem>> -> memref<80xi32, #tpu.memory_space<vmem>>
      %dma_start3A_199 = arith.constant 0 : i32
      %dma_start3A_200 = arith.constant 0 : i32
      %dma_start3A_201 = tpu.memref_slice %arg14[%dma_start3A_199, %dma_start3A_200] : memref<10240x16xf32, #tpu.memory_space<vmem_shared>> -> memref<10240x16xf32, #tpu.memory_space<vmem_shared>>
      tpu.enqueue_indirect_dma source(%arg12 : memref<80x16xf32, #tpu.memory_space<vmem>>) target(%dma_start3A_201 : memref<10240x16xf32, #tpu.memory_space<vmem_shared>>) offsets(%dma_start3A_198 : memref<80xi32, #tpu.memory_space<vmem>>) semaphore(%arg26 : memref<!tpu.dma_semaphore, #tpu.memory_space<semaphore_mem>>) {add = true}
      %mul3A_202 = arith.constant 80 : i32
      %mul3A_203 = arith.muli %add3A_179, %mul3A_202 : i32
      %dma_wait3A_204 = arith.constant 1 : i32
      %dma_wait3A_205 = arith.constant 0 : i32
      %dma_wait3A_206 = arith.constant 0 : i32
      %dma_wait3A_207 = tpu.memref_slice %arg11[%dma_wait3A_204, %dma_wait3A_205, %dma_wait3A_206] : memref<5x80x32xf32, #tpu.memory_space<vmem>> -> memref<1x80x32xf32, #tpu.memory_space<vmem>>
      %dma_wait3A_208 = tpu.memref_squeeze %dma_wait3A_207 : memref<1x80x32xf32, #tpu.memory_space<vmem>> -> memref<80x32xf32, #tpu.memory_space<vmem>>
      %dma_wait3A_209 = tpu.memref_slice %arg9[%mul3A_203] : memref<10000xi32, #tpu.memory_space<vmem>> -> memref<80xi32, #tpu.memory_space<vmem>>
      %dma_wait3A_210 = arith.constant 0 : i32
      %dma_wait3A_211 = arith.constant 0 : i32
      %dma_wait3A_212 = tpu.memref_slice %arg2[%dma_wait3A_210, %dma_wait3A_211] : memref<10000x32xf32, #tpu.memory_space<hbm>> -> memref<10000x32xf32, #tpu.memory_space<hbm>>
      tpu.wait_indirect_dma semaphore(%arg16 : memref<!tpu.dma_semaphore, #tpu.memory_space<semaphore_mem>>) src(%dma_wait3A_212 : memref<10000x32xf32, #tpu.memory_space<hbm>>) dst(%dma_wait3A_208 : memref<80x32xf32, #tpu.memory_space<vmem>>)
      %run_scoped3A_213 = arith.constant 1 : i32
      %run_scoped3A_214 = arith.constant 1 : i32
      "tpu.region"() ({
        %run_scoped3A_374 = tpu.sem_alloc : memref<!tpu.dma_semaphore, #tpu.memory_space<semaphore_mem>>
        %dma_start3A_375 = arith.constant 0 : i32
        %dma_start3A_376 = arith.constant 0 : i32
        %dma_start3A_377 = tpu.memref_slice %arg11[%run_scoped3A_213, %dma_start3A_375, %dma_start3A_376] : memref<5x80x32xf32, #tpu.memory_space<vmem>> -> memref<1x80x32xf32, #tpu.memory_space<vmem>>
        %dma_start3A_378 = tpu.memref_squeeze %dma_start3A_377 : memref<1x80x32xf32, #tpu.memory_space<vmem>> -> memref<80x32xf32, #tpu.memory_space<vmem>>
        %dma_start3A_379 = arith.constant 0 : i32
        %dma_start3A_380 = tpu.memref_slice %arg10[%run_scoped3A_214, %dma_start3A_379] : memref<5x80xi32, #tpu.memory_space<vmem>> -> memref<1x80xi32, #tpu.memory_space<vmem>>
        %dma_start3A_381 = tpu.memref_squeeze %dma_start3A_380 : memref<1x80xi32, #tpu.memory_space<vmem>> -> memref<80xi32, #tpu.memory_space<vmem>>
        %dma_start3A_382 = arith.constant 0 : i32
        %dma_start3A_383 = arith.constant 0 : i32
        %dma_start3A_384 = tpu.memref_slice %arg13[%dma_start3A_382, %dma_start3A_383] : memref<10240x32xf32, #tpu.memory_space<vmem_shared>> -> memref<10240x32xf32, #tpu.memory_space<vmem_shared>>
        tpu.enqueue_indirect_dma source(%dma_start3A_378 : memref<80x32xf32, #tpu.memory_space<vmem>>) target(%dma_start3A_384 : memref<10240x32xf32, #tpu.memory_space<vmem_shared>>) offsets(%dma_start3A_381 : memref<80xi32, #tpu.memory_space<vmem>>) semaphore(%run_scoped3A_374 : memref<!tpu.dma_semaphore, #tpu.memory_space<semaphore_mem>>) {add = true}
        %dma_wait3A_385 = arith.constant 0 : i32
        %dma_wait3A_386 = arith.constant 0 : i32
        %dma_wait3A_387 = tpu.memref_slice %arg11[%run_scoped3A_213, %dma_wait3A_385, %dma_wait3A_386] : memref<5x80x32xf32, #tpu.memory_space<vmem>> -> memref<1x80x32xf32, #tpu.memory_space<vmem>>
        %dma_wait3A_388 = tpu.memref_squeeze %dma_wait3A_387 : memref<1x80x32xf32, #tpu.memory_space<vmem>> -> memref<80x32xf32, #tpu.memory_space<vmem>>
        %dma_wait3A_389 = arith.constant 0 : i32
        %dma_wait3A_390 = tpu.memref_slice %arg10[%run_scoped3A_214, %dma_wait3A_389] : memref<5x80xi32, #tpu.memory_space<vmem>> -> memref<1x80xi32, #tpu.memory_space<vmem>>
        %dma_wait3A_391 = tpu.memref_squeeze %dma_wait3A_390 : memref<1x80xi32, #tpu.memory_space<vmem>> -> memref<80xi32, #tpu.memory_space<vmem>>
        %dma_wait3A_392 = arith.constant 0 : i32
        %dma_wait3A_393 = arith.constant 0 : i32
        %dma_wait3A_394 = tpu.memref_slice %arg13[%dma_wait3A_392, %dma_wait3A_393] : memref<10240x32xf32, #tpu.memory_space<vmem_shared>> -> memref<10240x32xf32, #tpu.memory_space<vmem_shared>>
        tpu.wait_indirect_dma semaphore(%run_scoped3A_374 : memref<!tpu.dma_semaphore, #tpu.memory_space<semaphore_mem>>) src(%dma_wait3A_388 : memref<80x32xf32, #tpu.memory_space<vmem>>) dst(%dma_wait3A_394 : memref<10240x32xf32, #tpu.memory_space<vmem_shared>>)
        tpu.yield
      }) : () -> ()
      %dma_wait3A_215 = arith.constant 1 : i32
      %dma_wait3A_216 = arith.constant 0 : i32
      %dma_wait3A_217 = tpu.memref_slice %arg10[%dma_wait3A_215, %dma_wait3A_216] : memref<5x80xi32, #tpu.memory_space<vmem>> -> memref<1x80xi32, #tpu.memory_space<vmem>>
      %dma_wait3A_218 = tpu.memref_squeeze %dma_wait3A_217 : memref<1x80xi32, #tpu.memory_space<vmem>> -> memref<80xi32, #tpu.memory_space<vmem>>
      %dma_wait3A_219 = arith.constant 0 : i32
      %dma_wait3A_220 = arith.constant 0 : i32
      %dma_wait3A_221 = tpu.memref_slice %arg14[%dma_wait3A_219, %dma_wait3A_220] : memref<10240x16xf32, #tpu.memory_space<vmem_shared>> -> memref<10240x16xf32, #tpu.memory_space<vmem_shared>>
      tpu.wait_indirect_dma semaphore(%arg26 : memref<!tpu.dma_semaphore, #tpu.memory_space<semaphore_mem>>) src(%arg12 : memref<80x16xf32, #tpu.memory_space<vmem>>) dst(%dma_wait3A_221 : memref<10240x16xf32, #tpu.memory_space<vmem_shared>>)
      %lt3A_222 = arith.constant 24 : i32
      %lt3A_223 = arith.cmpi slt, %scan3A_130, %lt3A_222 : i32
      %convert_element_type3A_224 = arith.extui %lt3A_223 : i1 to i32
      %cond3A_225 = arith.constant 0 : i32
      %cond3A_226 = arith.cmpi ne, %convert_element_type3A_224, %cond3A_225 : i32
      scf.if %cond3A_226 {
        %add3A_374 = arith.constant 5 : i32
        %add3A_375 = arith.addi %add3A_179, %add3A_374 : i32
        %mul3A_376 = arith.constant 80 : i32
        %mul3A_377 = arith.muli %add3A_375, %mul3A_376 : i32
        %add3A_378 = arith.addi %mul3A_2, %mul3A_377 : i32
        %dma_start3A_379 = arith.constant 1 : i32
        %dma_start3A_380 = arith.constant 1 : i32
        %dma_start3A_381 = arith.constant 0 : i32
        %dma_start3A_382 = tpu.memref_slice %arg10[%dma_start3A_380, %dma_start3A_381] : memref<5x80xi32, #tpu.memory_space<vmem>> -> memref<1x80xi32, #tpu.memory_space<vmem>>
        %dma_start3A_383 = tpu.memref_squeeze %dma_start3A_382 : memref<1x80xi32, #tpu.memory_space<vmem>> -> memref<80xi32, #tpu.memory_space<vmem>>
        %dma_start3A_384 = tpu.memref_slice %arg3[%dma_start3A_379, %add3A_378] : memref<2x320000xi32, #tpu.memory_space<hbm>> -> memref<1x80xi32, #tpu.memory_space<hbm>>
        %dma_start3A_385 = tpu.memref_squeeze %dma_start3A_384 : memref<1x80xi32, #tpu.memory_space<hbm>> -> memref<80xi32, #tpu.memory_space<hbm>>
        %dma_start3A_386 = arith.constant 0 : i32
        %dma_start3A_387 = tpu.memref_slice %arg10[%dma_start3A_380, %dma_start3A_386] : memref<5x80xi32, #tpu.memory_space<vmem>> -> memref<1x80xi32, #tpu.memory_space<vmem>>
        %dma_start3A_388 = tpu.memref_squeeze %dma_start3A_387 : memref<1x80xi32, #tpu.memory_space<vmem>> -> memref<80xi32, #tpu.memory_space<vmem>>
        %dma_start3A_389 = tpu.memref_slice %arg3[%dma_start3A_379, %add3A_378] : memref<2x320000xi32, #tpu.memory_space<hbm>> -> memref<1x80xi32, #tpu.memory_space<hbm>>
        %dma_start3A_390 = tpu.memref_squeeze %dma_start3A_389 : memref<1x80xi32, #tpu.memory_space<hbm>> -> memref<80xi32, #tpu.memory_space<hbm>>
        tpu.enqueue_dma source(%dma_start3A_390 : memref<80xi32, #tpu.memory_space<hbm>>) target(%dma_start3A_388 : memref<80xi32, #tpu.memory_space<vmem>>) target_semaphore(%arg21 : memref<!tpu.dma_semaphore, #tpu.memory_space<semaphore_mem>>)
        %mul3A_391 = arith.constant 80 : i32
        %mul3A_392 = arith.muli %add3A_375, %mul3A_391 : i32
        %dma_start3A_393 = arith.constant 1 : i32
        %dma_start3A_394 = arith.constant 0 : i32
        %dma_start3A_395 = arith.constant 0 : i32
        %dma_start3A_396 = tpu.memref_slice %arg11[%dma_start3A_393, %dma_start3A_394, %dma_start3A_395] : memref<5x80x32xf32, #tpu.memory_space<vmem>> -> memref<1x80x32xf32, #tpu.memory_space<vmem>>
        %dma_start3A_397 = tpu.memref_squeeze %dma_start3A_396 : memref<1x80x32xf32, #tpu.memory_space<vmem>> -> memref<80x32xf32, #tpu.memory_space<vmem>>
        %dma_start3A_398 = tpu.memref_slice %arg9[%mul3A_392] : memref<10000xi32, #tpu.memory_space<vmem>> -> memref<80xi32, #tpu.memory_space<vmem>>
        %dma_start3A_399 = arith.constant 0 : i32
        %dma_start3A_400 = arith.constant 0 : i32
        %dma_start3A_401 = tpu.memref_slice %arg2[%dma_start3A_399, %dma_start3A_400] : memref<10000x32xf32, #tpu.memory_space<hbm>> -> memref<10000x32xf32, #tpu.memory_space<hbm>>
        tpu.enqueue_indirect_dma source(%dma_start3A_401 : memref<10000x32xf32, #tpu.memory_space<hbm>>) target(%dma_start3A_397 : memref<80x32xf32, #tpu.memory_space<vmem>>) offsets(%dma_start3A_398 : memref<80xi32, #tpu.memory_space<vmem>>) semaphore(%arg16 : memref<!tpu.dma_semaphore, #tpu.memory_space<semaphore_mem>>)
      } else {
      }
      %add3A_227 = arith.constant 2 : i32
      %add3A_228 = arith.addi %mul3A_132, %add3A_227 : i32
      %mul3A_229 = arith.constant 80 : i32
      %mul3A_230 = arith.muli %add3A_228, %mul3A_229 : i32
      %add3A_231 = arith.addi %mul3A_2, %mul3A_230 : i32
      %dma_wait3A_232 = arith.constant 1 : i32
      %dma_wait3A_233 = arith.constant 2 : i32
      %dma_wait3A_234 = arith.constant 0 : i32
      %dma_wait3A_235 = tpu.memref_slice %arg10[%dma_wait3A_233, %dma_wait3A_234] : memref<5x80xi32, #tpu.memory_space<vmem>> -> memref<1x80xi32, #tpu.memory_space<vmem>>
      %dma_wait3A_236 = tpu.memref_squeeze %dma_wait3A_235 : memref<1x80xi32, #tpu.memory_space<vmem>> -> memref<80xi32, #tpu.memory_space<vmem>>
      %dma_wait3A_237 = tpu.memref_slice %arg3[%dma_wait3A_232, %add3A_231] : memref<2x320000xi32, #tpu.memory_space<hbm>> -> memref<1x80xi32, #tpu.memory_space<hbm>>
      %dma_wait3A_238 = tpu.memref_squeeze %dma_wait3A_237 : memref<1x80xi32, #tpu.memory_space<hbm>> -> memref<80xi32, #tpu.memory_space<hbm>>
      %dma_wait3A_239 = arith.constant 0 : i32
      %dma_wait3A_240 = tpu.memref_slice %arg10[%dma_wait3A_233, %dma_wait3A_239] : memref<5x80xi32, #tpu.memory_space<vmem>> -> memref<1x80xi32, #tpu.memory_space<vmem>>
      %dma_wait3A_241 = tpu.memref_squeeze %dma_wait3A_240 : memref<1x80xi32, #tpu.memory_space<vmem>> -> memref<80xi32, #tpu.memory_space<vmem>>
      %dma_wait3A_242 = tpu.memref_slice %arg3[%dma_wait3A_232, %add3A_231] : memref<2x320000xi32, #tpu.memory_space<hbm>> -> memref<1x80xi32, #tpu.memory_space<hbm>>
      %dma_wait3A_243 = tpu.memref_squeeze %dma_wait3A_242 : memref<1x80xi32, #tpu.memory_space<hbm>> -> memref<80xi32, #tpu.memory_space<hbm>>
      tpu.wait_dma2 semaphore(%arg22 : memref<!tpu.dma_semaphore, #tpu.memory_space<semaphore_mem>>) src(%dma_wait3A_243 : memref<80xi32, #tpu.memory_space<hbm>>) dst(%dma_wait3A_241 : memref<80xi32, #tpu.memory_space<vmem>>)
      %dma_start3A_244 = arith.constant 2 : i32
      %dma_start3A_245 = arith.constant 0 : i32
      %dma_start3A_246 = tpu.memref_slice %arg10[%dma_start3A_244, %dma_start3A_245] : memref<5x80xi32, #tpu.memory_space<vmem>> -> memref<1x80xi32, #tpu.memory_space<vmem>>
      %dma_start3A_247 = tpu.memref_squeeze %dma_start3A_246 : memref<1x80xi32, #tpu.memory_space<vmem>> -> memref<80xi32, #tpu.memory_space<vmem>>
      %dma_start3A_248 = arith.constant 0 : i32
      %dma_start3A_249 = arith.constant 0 : i32
      %dma_start3A_250 = tpu.memref_slice %arg14[%dma_start3A_248, %dma_start3A_249] : memref<10240x16xf32, #tpu.memory_space<vmem_shared>> -> memref<10240x16xf32, #tpu.memory_space<vmem_shared>>
      tpu.enqueue_indirect_dma source(%arg12 : memref<80x16xf32, #tpu.memory_space<vmem>>) target(%dma_start3A_250 : memref<10240x16xf32, #tpu.memory_space<vmem_shared>>) offsets(%dma_start3A_247 : memref<80xi32, #tpu.memory_space<vmem>>) semaphore(%arg27 : memref<!tpu.dma_semaphore, #tpu.memory_space<semaphore_mem>>) {add = true}
      %mul3A_251 = arith.constant 80 : i32
      %mul3A_252 = arith.muli %add3A_228, %mul3A_251 : i32
      %dma_wait3A_253 = arith.constant 2 : i32
      %dma_wait3A_254 = arith.constant 0 : i32
      %dma_wait3A_255 = arith.constant 0 : i32
      %dma_wait3A_256 = tpu.memref_slice %arg11[%dma_wait3A_253, %dma_wait3A_254, %dma_wait3A_255] : memref<5x80x32xf32, #tpu.memory_space<vmem>> -> memref<1x80x32xf32, #tpu.memory_space<vmem>>
      %dma_wait3A_257 = tpu.memref_squeeze %dma_wait3A_256 : memref<1x80x32xf32, #tpu.memory_space<vmem>> -> memref<80x32xf32, #tpu.memory_space<vmem>>
      %dma_wait3A_258 = tpu.memref_slice %arg9[%mul3A_252] : memref<10000xi32, #tpu.memory_space<vmem>> -> memref<80xi32, #tpu.memory_space<vmem>>
      %dma_wait3A_259 = arith.constant 0 : i32
      %dma_wait3A_260 = arith.constant 0 : i32
      %dma_wait3A_261 = tpu.memref_slice %arg2[%dma_wait3A_259, %dma_wait3A_260] : memref<10000x32xf32, #tpu.memory_space<hbm>> -> memref<10000x32xf32, #tpu.memory_space<hbm>>
      tpu.wait_indirect_dma semaphore(%arg17 : memref<!tpu.dma_semaphore, #tpu.memory_space<semaphore_mem>>) src(%dma_wait3A_261 : memref<10000x32xf32, #tpu.memory_space<hbm>>) dst(%dma_wait3A_257 : memref<80x32xf32, #tpu.memory_space<vmem>>)
      %run_scoped3A_262 = arith.constant 2 : i32
      %run_scoped3A_263 = arith.constant 2 : i32
      "tpu.region"() ({
        %run_scoped3A_374 = tpu.sem_alloc : memref<!tpu.dma_semaphore, #tpu.memory_space<semaphore_mem>>
        %dma_start3A_375 = arith.constant 0 : i32
        %dma_start3A_376 = arith.constant 0 : i32
        %dma_start3A_377 = tpu.memref_slice %arg11[%run_scoped3A_262, %dma_start3A_375, %dma_start3A_376] : memref<5x80x32xf32, #tpu.memory_space<vmem>> -> memref<1x80x32xf32, #tpu.memory_space<vmem>>
        %dma_start3A_378 = tpu.memref_squeeze %dma_start3A_377 : memref<1x80x32xf32, #tpu.memory_space<vmem>> -> memref<80x32xf32, #tpu.memory_space<vmem>>
        %dma_start3A_379 = arith.constant 0 : i32
        %dma_start3A_380 = tpu.memref_slice %arg10[%run_scoped3A_263, %dma_start3A_379] : memref<5x80xi32, #tpu.memory_space<vmem>> -> memref<1x80xi32, #tpu.memory_space<vmem>>
        %dma_start3A_381 = tpu.memref_squeeze %dma_start3A_380 : memref<1x80xi32, #tpu.memory_space<vmem>> -> memref<80xi32, #tpu.memory_space<vmem>>
        %dma_start3A_382 = arith.constant 0 : i32
        %dma_start3A_383 = arith.constant 0 : i32
        %dma_start3A_384 = tpu.memref_slice %arg13[%dma_start3A_382, %dma_start3A_383] : memref<10240x32xf32, #tpu.memory_space<vmem_shared>> -> memref<10240x32xf32, #tpu.memory_space<vmem_shared>>
        tpu.enqueue_indirect_dma source(%dma_start3A_378 : memref<80x32xf32, #tpu.memory_space<vmem>>) target(%dma_start3A_384 : memref<10240x32xf32, #tpu.memory_space<vmem_shared>>) offsets(%dma_start3A_381 : memref<80xi32, #tpu.memory_space<vmem>>) semaphore(%run_scoped3A_374 : memref<!tpu.dma_semaphore, #tpu.memory_space<semaphore_mem>>) {add = true}
        %dma_wait3A_385 = arith.constant 0 : i32
        %dma_wait3A_386 = arith.constant 0 : i32
        %dma_wait3A_387 = tpu.memref_slice %arg11[%run_scoped3A_262, %dma_wait3A_385, %dma_wait3A_386] : memref<5x80x32xf32, #tpu.memory_space<vmem>> -> memref<1x80x32xf32, #tpu.memory_space<vmem>>
        %dma_wait3A_388 = tpu.memref_squeeze %dma_wait3A_387 : memref<1x80x32xf32, #tpu.memory_space<vmem>> -> memref<80x32xf32, #tpu.memory_space<vmem>>
        %dma_wait3A_389 = arith.constant 0 : i32
        %dma_wait3A_390 = tpu.memref_slice %arg10[%run_scoped3A_263, %dma_wait3A_389] : memref<5x80xi32, #tpu.memory_space<vmem>> -> memref<1x80xi32, #tpu.memory_space<vmem>>
        %dma_wait3A_391 = tpu.memref_squeeze %dma_wait3A_390 : memref<1x80xi32, #tpu.memory_space<vmem>> -> memref<80xi32, #tpu.memory_space<vmem>>
        %dma_wait3A_392 = arith.constant 0 : i32
        %dma_wait3A_393 = arith.constant 0 : i32
        %dma_wait3A_394 = tpu.memref_slice %arg13[%dma_wait3A_392, %dma_wait3A_393] : memref<10240x32xf32, #tpu.memory_space<vmem_shared>> -> memref<10240x32xf32, #tpu.memory_space<vmem_shared>>
        tpu.wait_indirect_dma semaphore(%run_scoped3A_374 : memref<!tpu.dma_semaphore, #tpu.memory_space<semaphore_mem>>) src(%dma_wait3A_388 : memref<80x32xf32, #tpu.memory_space<vmem>>) dst(%dma_wait3A_394 : memref<10240x32xf32, #tpu.memory_space<vmem_shared>>)
        tpu.yield
      }) : () -> ()
      %dma_wait3A_264 = arith.constant 2 : i32
      %dma_wait3A_265 = arith.constant 0 : i32
      %dma_wait3A_266 = tpu.memref_slice %arg10[%dma_wait3A_264, %dma_wait3A_265] : memref<5x80xi32, #tpu.memory_space<vmem>> -> memref<1x80xi32, #tpu.memory_space<vmem>>
      %dma_wait3A_267 = tpu.memref_squeeze %dma_wait3A_266 : memref<1x80xi32, #tpu.memory_space<vmem>> -> memref<80xi32, #tpu.memory_space<vmem>>
      %dma_wait3A_268 = arith.constant 0 : i32
      %dma_wait3A_269 = arith.constant 0 : i32
      %dma_wait3A_270 = tpu.memref_slice %arg14[%dma_wait3A_268, %dma_wait3A_269] : memref<10240x16xf32, #tpu.memory_space<vmem_shared>> -> memref<10240x16xf32, #tpu.memory_space<vmem_shared>>
      tpu.wait_indirect_dma semaphore(%arg27 : memref<!tpu.dma_semaphore, #tpu.memory_space<semaphore_mem>>) src(%arg12 : memref<80x16xf32, #tpu.memory_space<vmem>>) dst(%dma_wait3A_270 : memref<10240x16xf32, #tpu.memory_space<vmem_shared>>)
      %lt3A_271 = arith.constant 24 : i32
      %lt3A_272 = arith.cmpi slt, %scan3A_130, %lt3A_271 : i32
      %convert_element_type3A_273 = arith.extui %lt3A_272 : i1 to i32
      %cond3A_274 = arith.constant 0 : i32
      %cond3A_275 = arith.cmpi ne, %convert_element_type3A_273, %cond3A_274 : i32
      scf.if %cond3A_275 {
        %add3A_374 = arith.constant 5 : i32
        %add3A_375 = arith.addi %add3A_228, %add3A_374 : i32
        %mul3A_376 = arith.constant 80 : i32
        %mul3A_377 = arith.muli %add3A_375, %mul3A_376 : i32
        %add3A_378 = arith.addi %mul3A_2, %mul3A_377 : i32
        %dma_start3A_379 = arith.constant 1 : i32
        %dma_start3A_380 = arith.constant 2 : i32
        %dma_start3A_381 = arith.constant 0 : i32
        %dma_start3A_382 = tpu.memref_slice %arg10[%dma_start3A_380, %dma_start3A_381] : memref<5x80xi32, #tpu.memory_space<vmem>> -> memref<1x80xi32, #tpu.memory_space<vmem>>
        %dma_start3A_383 = tpu.memref_squeeze %dma_start3A_382 : memref<1x80xi32, #tpu.memory_space<vmem>> -> memref<80xi32, #tpu.memory_space<vmem>>
        %dma_start3A_384 = tpu.memref_slice %arg3[%dma_start3A_379, %add3A_378] : memref<2x320000xi32, #tpu.memory_space<hbm>> -> memref<1x80xi32, #tpu.memory_space<hbm>>
        %dma_start3A_385 = tpu.memref_squeeze %dma_start3A_384 : memref<1x80xi32, #tpu.memory_space<hbm>> -> memref<80xi32, #tpu.memory_space<hbm>>
        %dma_start3A_386 = arith.constant 0 : i32
        %dma_start3A_387 = tpu.memref_slice %arg10[%dma_start3A_380, %dma_start3A_386] : memref<5x80xi32, #tpu.memory_space<vmem>> -> memref<1x80xi32, #tpu.memory_space<vmem>>
        %dma_start3A_388 = tpu.memref_squeeze %dma_start3A_387 : memref<1x80xi32, #tpu.memory_space<vmem>> -> memref<80xi32, #tpu.memory_space<vmem>>
        %dma_start3A_389 = tpu.memref_slice %arg3[%dma_start3A_379, %add3A_378] : memref<2x320000xi32, #tpu.memory_space<hbm>> -> memref<1x80xi32, #tpu.memory_space<hbm>>
        %dma_start3A_390 = tpu.memref_squeeze %dma_start3A_389 : memref<1x80xi32, #tpu.memory_space<hbm>> -> memref<80xi32, #tpu.memory_space<hbm>>
        tpu.enqueue_dma source(%dma_start3A_390 : memref<80xi32, #tpu.memory_space<hbm>>) target(%dma_start3A_388 : memref<80xi32, #tpu.memory_space<vmem>>) target_semaphore(%arg22 : memref<!tpu.dma_semaphore, #tpu.memory_space<semaphore_mem>>)
        %mul3A_391 = arith.constant 80 : i32
        %mul3A_392 = arith.muli %add3A_375, %mul3A_391 : i32
        %dma_start3A_393 = arith.constant 2 : i32
        %dma_start3A_394 = arith.constant 0 : i32
        %dma_start3A_395 = arith.constant 0 : i32
        %dma_start3A_396 = tpu.memref_slice %arg11[%dma_start3A_393, %dma_start3A_394, %dma_start3A_395] : memref<5x80x32xf32, #tpu.memory_space<vmem>> -> memref<1x80x32xf32, #tpu.memory_space<vmem>>
        %dma_start3A_397 = tpu.memref_squeeze %dma_start3A_396 : memref<1x80x32xf32, #tpu.memory_space<vmem>> -> memref<80x32xf32, #tpu.memory_space<vmem>>
        %dma_start3A_398 = tpu.memref_slice %arg9[%mul3A_392] : memref<10000xi32, #tpu.memory_space<vmem>> -> memref<80xi32, #tpu.memory_space<vmem>>
        %dma_start3A_399 = arith.constant 0 : i32
        %dma_start3A_400 = arith.constant 0 : i32
        %dma_start3A_401 = tpu.memref_slice %arg2[%dma_start3A_399, %dma_start3A_400] : memref<10000x32xf32, #tpu.memory_space<hbm>> -> memref<10000x32xf32, #tpu.memory_space<hbm>>
        tpu.enqueue_indirect_dma source(%dma_start3A_401 : memref<10000x32xf32, #tpu.memory_space<hbm>>) target(%dma_start3A_397 : memref<80x32xf32, #tpu.memory_space<vmem>>) offsets(%dma_start3A_398 : memref<80xi32, #tpu.memory_space<vmem>>) semaphore(%arg17 : memref<!tpu.dma_semaphore, #tpu.memory_space<semaphore_mem>>)
      } else {
      }
      %add3A_276 = arith.constant 3 : i32
      %add3A_277 = arith.addi %mul3A_132, %add3A_276 : i32
      %mul3A_278 = arith.constant 80 : i32
      %mul3A_279 = arith.muli %add3A_277, %mul3A_278 : i32
      %add3A_280 = arith.addi %mul3A_2, %mul3A_279 : i32
      %dma_wait3A_281 = arith.constant 1 : i32
      %dma_wait3A_282 = arith.constant 3 : i32
      %dma_wait3A_283 = arith.constant 0 : i32
      %dma_wait3A_284 = tpu.memref_slice %arg10[%dma_wait3A_282, %dma_wait3A_283] : memref<5x80xi32, #tpu.memory_space<vmem>> -> memref<1x80xi32, #tpu.memory_space<vmem>>
      %dma_wait3A_285 = tpu.memref_squeeze %dma_wait3A_284 : memref<1x80xi32, #tpu.memory_space<vmem>> -> memref<80xi32, #tpu.memory_space<vmem>>
      %dma_wait3A_286 = tpu.memref_slice %arg3[%dma_wait3A_281, %add3A_280] : memref<2x320000xi32, #tpu.memory_space<hbm>> -> memref<1x80xi32, #tpu.memory_space<hbm>>
      %dma_wait3A_287 = tpu.memref_squeeze %dma_wait3A_286 : memref<1x80xi32, #tpu.memory_space<hbm>> -> memref<80xi32, #tpu.memory_space<hbm>>
      %dma_wait3A_288 = arith.constant 0 : i32
      %dma_wait3A_289 = tpu.memref_slice %arg10[%dma_wait3A_282, %dma_wait3A_288] : memref<5x80xi32, #tpu.memory_space<vmem>> -> memref<1x80xi32, #tpu.memory_space<vmem>>
      %dma_wait3A_290 = tpu.memref_squeeze %dma_wait3A_289 : memref<1x80xi32, #tpu.memory_space<vmem>> -> memref<80xi32, #tpu.memory_space<vmem>>
      %dma_wait3A_291 = tpu.memref_slice %arg3[%dma_wait3A_281, %add3A_280] : memref<2x320000xi32, #tpu.memory_space<hbm>> -> memref<1x80xi32, #tpu.memory_space<hbm>>
      %dma_wait3A_292 = tpu.memref_squeeze %dma_wait3A_291 : memref<1x80xi32, #tpu.memory_space<hbm>> -> memref<80xi32, #tpu.memory_space<hbm>>
      tpu.wait_dma2 semaphore(%arg23 : memref<!tpu.dma_semaphore, #tpu.memory_space<semaphore_mem>>) src(%dma_wait3A_292 : memref<80xi32, #tpu.memory_space<hbm>>) dst(%dma_wait3A_290 : memref<80xi32, #tpu.memory_space<vmem>>)
      %dma_start3A_293 = arith.constant 3 : i32
      %dma_start3A_294 = arith.constant 0 : i32
      %dma_start3A_295 = tpu.memref_slice %arg10[%dma_start3A_293, %dma_start3A_294] : memref<5x80xi32, #tpu.memory_space<vmem>> -> memref<1x80xi32, #tpu.memory_space<vmem>>
      %dma_start3A_296 = tpu.memref_squeeze %dma_start3A_295 : memref<1x80xi32, #tpu.memory_space<vmem>> -> memref<80xi32, #tpu.memory_space<vmem>>
      %dma_start3A_297 = arith.constant 0 : i32
      %dma_start3A_298 = arith.constant 0 : i32
      %dma_start3A_299 = tpu.memref_slice %arg14[%dma_start3A_297, %dma_start3A_298] : memref<10240x16xf32, #tpu.memory_space<vmem_shared>> -> memref<10240x16xf32, #tpu.memory_space<vmem_shared>>
      tpu.enqueue_indirect_dma source(%arg12 : memref<80x16xf32, #tpu.memory_space<vmem>>) target(%dma_start3A_299 : memref<10240x16xf32, #tpu.memory_space<vmem_shared>>) offsets(%dma_start3A_296 : memref<80xi32, #tpu.memory_space<vmem>>) semaphore(%arg28 : memref<!tpu.dma_semaphore, #tpu.memory_space<semaphore_mem>>) {add = true}
      %mul3A_300 = arith.constant 80 : i32
      %mul3A_301 = arith.muli %add3A_277, %mul3A_300 : i32
      %dma_wait3A_302 = arith.constant 3 : i32
      %dma_wait3A_303 = arith.constant 0 : i32
      %dma_wait3A_304 = arith.constant 0 : i32
      %dma_wait3A_305 = tpu.memref_slice %arg11[%dma_wait3A_302, %dma_wait3A_303, %dma_wait3A_304] : memref<5x80x32xf32, #tpu.memory_space<vmem>> -> memref<1x80x32xf32, #tpu.memory_space<vmem>>
      %dma_wait3A_306 = tpu.memref_squeeze %dma_wait3A_305 : memref<1x80x32xf32, #tpu.memory_space<vmem>> -> memref<80x32xf32, #tpu.memory_space<vmem>>
      %dma_wait3A_307 = tpu.memref_slice %arg9[%mul3A_301] : memref<10000xi32, #tpu.memory_space<vmem>> -> memref<80xi32, #tpu.memory_space<vmem>>
      %dma_wait3A_308 = arith.constant 0 : i32
      %dma_wait3A_309 = arith.constant 0 : i32
      %dma_wait3A_310 = tpu.memref_slice %arg2[%dma_wait3A_308, %dma_wait3A_309] : memref<10000x32xf32, #tpu.memory_space<hbm>> -> memref<10000x32xf32, #tpu.memory_space<hbm>>
      tpu.wait_indirect_dma semaphore(%arg18 : memref<!tpu.dma_semaphore, #tpu.memory_space<semaphore_mem>>) src(%dma_wait3A_310 : memref<10000x32xf32, #tpu.memory_space<hbm>>) dst(%dma_wait3A_306 : memref<80x32xf32, #tpu.memory_space<vmem>>)
      %run_scoped3A_311 = arith.constant 3 : i32
      %run_scoped3A_312 = arith.constant 3 : i32
      "tpu.region"() ({
        %run_scoped3A_374 = tpu.sem_alloc : memref<!tpu.dma_semaphore, #tpu.memory_space<semaphore_mem>>
        %dma_start3A_375 = arith.constant 0 : i32
        %dma_start3A_376 = arith.constant 0 : i32
        %dma_start3A_377 = tpu.memref_slice %arg11[%run_scoped3A_311, %dma_start3A_375, %dma_start3A_376] : memref<5x80x32xf32, #tpu.memory_space<vmem>> -> memref<1x80x32xf32, #tpu.memory_space<vmem>>
        %dma_start3A_378 = tpu.memref_squeeze %dma_start3A_377 : memref<1x80x32xf32, #tpu.memory_space<vmem>> -> memref<80x32xf32, #tpu.memory_space<vmem>>
        %dma_start3A_379 = arith.constant 0 : i32
        %dma_start3A_380 = tpu.memref_slice %arg10[%run_scoped3A_312, %dma_start3A_379] : memref<5x80xi32, #tpu.memory_space<vmem>> -> memref<1x80xi32, #tpu.memory_space<vmem>>
        %dma_start3A_381 = tpu.memref_squeeze %dma_start3A_380 : memref<1x80xi32, #tpu.memory_space<vmem>> -> memref<80xi32, #tpu.memory_space<vmem>>
        %dma_start3A_382 = arith.constant 0 : i32
        %dma_start3A_383 = arith.constant 0 : i32
        %dma_start3A_384 = tpu.memref_slice %arg13[%dma_start3A_382, %dma_start3A_383] : memref<10240x32xf32, #tpu.memory_space<vmem_shared>> -> memref<10240x32xf32, #tpu.memory_space<vmem_shared>>
        tpu.enqueue_indirect_dma source(%dma_start3A_378 : memref<80x32xf32, #tpu.memory_space<vmem>>) target(%dma_start3A_384 : memref<10240x32xf32, #tpu.memory_space<vmem_shared>>) offsets(%dma_start3A_381 : memref<80xi32, #tpu.memory_space<vmem>>) semaphore(%run_scoped3A_374 : memref<!tpu.dma_semaphore, #tpu.memory_space<semaphore_mem>>) {add = true}
        %dma_wait3A_385 = arith.constant 0 : i32
        %dma_wait3A_386 = arith.constant 0 : i32
        %dma_wait3A_387 = tpu.memref_slice %arg11[%run_scoped3A_311, %dma_wait3A_385, %dma_wait3A_386] : memref<5x80x32xf32, #tpu.memory_space<vmem>> -> memref<1x80x32xf32, #tpu.memory_space<vmem>>
        %dma_wait3A_388 = tpu.memref_squeeze %dma_wait3A_387 : memref<1x80x32xf32, #tpu.memory_space<vmem>> -> memref<80x32xf32, #tpu.memory_space<vmem>>
        %dma_wait3A_389 = arith.constant 0 : i32
        %dma_wait3A_390 = tpu.memref_slice %arg10[%run_scoped3A_312, %dma_wait3A_389] : memref<5x80xi32, #tpu.memory_space<vmem>> -> memref<1x80xi32, #tpu.memory_space<vmem>>
        %dma_wait3A_391 = tpu.memref_squeeze %dma_wait3A_390 : memref<1x80xi32, #tpu.memory_space<vmem>> -> memref<80xi32, #tpu.memory_space<vmem>>
        %dma_wait3A_392 = arith.constant 0 : i32
        %dma_wait3A_393 = arith.constant 0 : i32
        %dma_wait3A_394 = tpu.memref_slice %arg13[%dma_wait3A_392, %dma_wait3A_393] : memref<10240x32xf32, #tpu.memory_space<vmem_shared>> -> memref<10240x32xf32, #tpu.memory_space<vmem_shared>>
        tpu.wait_indirect_dma semaphore(%run_scoped3A_374 : memref<!tpu.dma_semaphore, #tpu.memory_space<semaphore_mem>>) src(%dma_wait3A_388 : memref<80x32xf32, #tpu.memory_space<vmem>>) dst(%dma_wait3A_394 : memref<10240x32xf32, #tpu.memory_space<vmem_shared>>)
        tpu.yield
      }) : () -> ()
      %dma_wait3A_313 = arith.constant 3 : i32
      %dma_wait3A_314 = arith.constant 0 : i32
      %dma_wait3A_315 = tpu.memref_slice %arg10[%dma_wait3A_313, %dma_wait3A_314] : memref<5x80xi32, #tpu.memory_space<vmem>> -> memref<1x80xi32, #tpu.memory_space<vmem>>
      %dma_wait3A_316 = tpu.memref_squeeze %dma_wait3A_315 : memref<1x80xi32, #tpu.memory_space<vmem>> -> memref<80xi32, #tpu.memory_space<vmem>>
      %dma_wait3A_317 = arith.constant 0 : i32
      %dma_wait3A_318 = arith.constant 0 : i32
      %dma_wait3A_319 = tpu.memref_slice %arg14[%dma_wait3A_317, %dma_wait3A_318] : memref<10240x16xf32, #tpu.memory_space<vmem_shared>> -> memref<10240x16xf32, #tpu.memory_space<vmem_shared>>
      tpu.wait_indirect_dma semaphore(%arg28 : memref<!tpu.dma_semaphore, #tpu.memory_space<semaphore_mem>>) src(%arg12 : memref<80x16xf32, #tpu.memory_space<vmem>>) dst(%dma_wait3A_319 : memref<10240x16xf32, #tpu.memory_space<vmem_shared>>)
      %lt3A_320 = arith.constant 24 : i32
      %lt3A_321 = arith.cmpi slt, %scan3A_130, %lt3A_320 : i32
      %convert_element_type3A_322 = arith.extui %lt3A_321 : i1 to i32
      %cond3A_323 = arith.constant 0 : i32
      %cond3A_324 = arith.cmpi ne, %convert_element_type3A_322, %cond3A_323 : i32
      scf.if %cond3A_324 {
        %add3A_374 = arith.constant 5 : i32
        %add3A_375 = arith.addi %add3A_277, %add3A_374 : i32
        %mul3A_376 = arith.constant 80 : i32
        %mul3A_377 = arith.muli %add3A_375, %mul3A_376 : i32
        %add3A_378 = arith.addi %mul3A_2, %mul3A_377 : i32
        %dma_start3A_379 = arith.constant 1 : i32
        %dma_start3A_380 = arith.constant 3 : i32
        %dma_start3A_381 = arith.constant 0 : i32
        %dma_start3A_382 = tpu.memref_slice %arg10[%dma_start3A_380, %dma_start3A_381] : memref<5x80xi32, #tpu.memory_space<vmem>> -> memref<1x80xi32, #tpu.memory_space<vmem>>
        %dma_start3A_383 = tpu.memref_squeeze %dma_start3A_382 : memref<1x80xi32, #tpu.memory_space<vmem>> -> memref<80xi32, #tpu.memory_space<vmem>>
        %dma_start3A_384 = tpu.memref_slice %arg3[%dma_start3A_379, %add3A_378] : memref<2x320000xi32, #tpu.memory_space<hbm>> -> memref<1x80xi32, #tpu.memory_space<hbm>>
        %dma_start3A_385 = tpu.memref_squeeze %dma_start3A_384 : memref<1x80xi32, #tpu.memory_space<hbm>> -> memref<80xi32, #tpu.memory_space<hbm>>
        %dma_start3A_386 = arith.constant 0 : i32
        %dma_start3A_387 = tpu.memref_slice %arg10[%dma_start3A_380, %dma_start3A_386] : memref<5x80xi32, #tpu.memory_space<vmem>> -> memref<1x80xi32, #tpu.memory_space<vmem>>
        %dma_start3A_388 = tpu.memref_squeeze %dma_start3A_387 : memref<1x80xi32, #tpu.memory_space<vmem>> -> memref<80xi32, #tpu.memory_space<vmem>>
        %dma_start3A_389 = tpu.memref_slice %arg3[%dma_start3A_379, %add3A_378] : memref<2x320000xi32, #tpu.memory_space<hbm>> -> memref<1x80xi32, #tpu.memory_space<hbm>>
        %dma_start3A_390 = tpu.memref_squeeze %dma_start3A_389 : memref<1x80xi32, #tpu.memory_space<hbm>> -> memref<80xi32, #tpu.memory_space<hbm>>
        tpu.enqueue_dma source(%dma_start3A_390 : memref<80xi32, #tpu.memory_space<hbm>>) target(%dma_start3A_388 : memref<80xi32, #tpu.memory_space<vmem>>) target_semaphore(%arg23 : memref<!tpu.dma_semaphore, #tpu.memory_space<semaphore_mem>>)
        %mul3A_391 = arith.constant 80 : i32
        %mul3A_392 = arith.muli %add3A_375, %mul3A_391 : i32
        %dma_start3A_393 = arith.constant 3 : i32
        %dma_start3A_394 = arith.constant 0 : i32
        %dma_start3A_395 = arith.constant 0 : i32
        %dma_start3A_396 = tpu.memref_slice %arg11[%dma_start3A_393, %dma_start3A_394, %dma_start3A_395] : memref<5x80x32xf32, #tpu.memory_space<vmem>> -> memref<1x80x32xf32, #tpu.memory_space<vmem>>
        %dma_start3A_397 = tpu.memref_squeeze %dma_start3A_396 : memref<1x80x32xf32, #tpu.memory_space<vmem>> -> memref<80x32xf32, #tpu.memory_space<vmem>>
        %dma_start3A_398 = tpu.memref_slice %arg9[%mul3A_392] : memref<10000xi32, #tpu.memory_space<vmem>> -> memref<80xi32, #tpu.memory_space<vmem>>
        %dma_start3A_399 = arith.constant 0 : i32
        %dma_start3A_400 = arith.constant 0 : i32
        %dma_start3A_401 = tpu.memref_slice %arg2[%dma_start3A_399, %dma_start3A_400] : memref<10000x32xf32, #tpu.memory_space<hbm>> -> memref<10000x32xf32, #tpu.memory_space<hbm>>
        tpu.enqueue_indirect_dma source(%dma_start3A_401 : memref<10000x32xf32, #tpu.memory_space<hbm>>) target(%dma_start3A_397 : memref<80x32xf32, #tpu.memory_space<vmem>>) offsets(%dma_start3A_398 : memref<80xi32, #tpu.memory_space<vmem>>) semaphore(%arg18 : memref<!tpu.dma_semaphore, #tpu.memory_space<semaphore_mem>>)
      } else {
      }
      %add3A_325 = arith.constant 4 : i32
      %add3A_326 = arith.addi %mul3A_132, %add3A_325 : i32
      %mul3A_327 = arith.constant 80 : i32
      %mul3A_328 = arith.muli %add3A_326, %mul3A_327 : i32
      %add3A_329 = arith.addi %mul3A_2, %mul3A_328 : i32
      %dma_wait3A_330 = arith.constant 1 : i32
      %dma_wait3A_331 = arith.constant 4 : i32
      %dma_wait3A_332 = arith.constant 0 : i32
      %dma_wait3A_333 = tpu.memref_slice %arg10[%dma_wait3A_331, %dma_wait3A_332] : memref<5x80xi32, #tpu.memory_space<vmem>> -> memref<1x80xi32, #tpu.memory_space<vmem>>
      %dma_wait3A_334 = tpu.memref_squeeze %dma_wait3A_333 : memref<1x80xi32, #tpu.memory_space<vmem>> -> memref<80xi32, #tpu.memory_space<vmem>>
      %dma_wait3A_335 = tpu.memref_slice %arg3[%dma_wait3A_330, %add3A_329] : memref<2x320000xi32, #tpu.memory_space<hbm>> -> memref<1x80xi32, #tpu.memory_space<hbm>>
      %dma_wait3A_336 = tpu.memref_squeeze %dma_wait3A_335 : memref<1x80xi32, #tpu.memory_space<hbm>> -> memref<80xi32, #tpu.memory_space<hbm>>
      %dma_wait3A_337 = arith.constant 0 : i32
      %dma_wait3A_338 = tpu.memref_slice %arg10[%dma_wait3A_331, %dma_wait3A_337] : memref<5x80xi32, #tpu.memory_space<vmem>> -> memref<1x80xi32, #tpu.memory_space<vmem>>
      %dma_wait3A_339 = tpu.memref_squeeze %dma_wait3A_338 : memref<1x80xi32, #tpu.memory_space<vmem>> -> memref<80xi32, #tpu.memory_space<vmem>>
      %dma_wait3A_340 = tpu.memref_slice %arg3[%dma_wait3A_330, %add3A_329] : memref<2x320000xi32, #tpu.memory_space<hbm>> -> memref<1x80xi32, #tpu.memory_space<hbm>>
      %dma_wait3A_341 = tpu.memref_squeeze %dma_wait3A_340 : memref<1x80xi32, #tpu.memory_space<hbm>> -> memref<80xi32, #tpu.memory_space<hbm>>
      tpu.wait_dma2 semaphore(%arg24 : memref<!tpu.dma_semaphore, #tpu.memory_space<semaphore_mem>>) src(%dma_wait3A_341 : memref<80xi32, #tpu.memory_space<hbm>>) dst(%dma_wait3A_339 : memref<80xi32, #tpu.memory_space<vmem>>)
      %dma_start3A_342 = arith.constant 4 : i32
      %dma_start3A_343 = arith.constant 0 : i32
      %dma_start3A_344 = tpu.memref_slice %arg10[%dma_start3A_342, %dma_start3A_343] : memref<5x80xi32, #tpu.memory_space<vmem>> -> memref<1x80xi32, #tpu.memory_space<vmem>>
      %dma_start3A_345 = tpu.memref_squeeze %dma_start3A_344 : memref<1x80xi32, #tpu.memory_space<vmem>> -> memref<80xi32, #tpu.memory_space<vmem>>
      %dma_start3A_346 = arith.constant 0 : i32
      %dma_start3A_347 = arith.constant 0 : i32
      %dma_start3A_348 = tpu.memref_slice %arg14[%dma_start3A_346, %dma_start3A_347] : memref<10240x16xf32, #tpu.memory_space<vmem_shared>> -> memref<10240x16xf32, #tpu.memory_space<vmem_shared>>
      tpu.enqueue_indirect_dma source(%arg12 : memref<80x16xf32, #tpu.memory_space<vmem>>) target(%dma_start3A_348 : memref<10240x16xf32, #tpu.memory_space<vmem_shared>>) offsets(%dma_start3A_345 : memref<80xi32, #tpu.memory_space<vmem>>) semaphore(%arg29 : memref<!tpu.dma_semaphore, #tpu.memory_space<semaphore_mem>>) {add = true}
      %mul3A_349 = arith.constant 80 : i32
      %mul3A_350 = arith.muli %add3A_326, %mul3A_349 : i32
      %dma_wait3A_351 = arith.constant 4 : i32
      %dma_wait3A_352 = arith.constant 0 : i32
      %dma_wait3A_353 = arith.constant 0 : i32
      %dma_wait3A_354 = tpu.memref_slice %arg11[%dma_wait3A_351, %dma_wait3A_352, %dma_wait3A_353] : memref<5x80x32xf32, #tpu.memory_space<vmem>> -> memref<1x80x32xf32, #tpu.memory_space<vmem>>
      %dma_wait3A_355 = tpu.memref_squeeze %dma_wait3A_354 : memref<1x80x32xf32, #tpu.memory_space<vmem>> -> memref<80x32xf32, #tpu.memory_space<vmem>>
      %dma_wait3A_356 = tpu.memref_slice %arg9[%mul3A_350] : memref<10000xi32, #tpu.memory_space<vmem>> -> memref<80xi32, #tpu.memory_space<vmem>>
      %dma_wait3A_357 = arith.constant 0 : i32
      %dma_wait3A_358 = arith.constant 0 : i32
      %dma_wait3A_359 = tpu.memref_slice %arg2[%dma_wait3A_357, %dma_wait3A_358] : memref<10000x32xf32, #tpu.memory_space<hbm>> -> memref<10000x32xf32, #tpu.memory_space<hbm>>
      tpu.wait_indirect_dma semaphore(%arg19 : memref<!tpu.dma_semaphore, #tpu.memory_space<semaphore_mem>>) src(%dma_wait3A_359 : memref<10000x32xf32, #tpu.memory_space<hbm>>) dst(%dma_wait3A_355 : memref<80x32xf32, #tpu.memory_space<vmem>>)
      %run_scoped3A_360 = arith.constant 4 : i32
      %run_scoped3A_361 = arith.constant 4 : i32
      "tpu.region"() ({
        %run_scoped3A_374 = tpu.sem_alloc : memref<!tpu.dma_semaphore, #tpu.memory_space<semaphore_mem>>
        %dma_start3A_375 = arith.constant 0 : i32
        %dma_start3A_376 = arith.constant 0 : i32
        %dma_start3A_377 = tpu.memref_slice %arg11[%run_scoped3A_360, %dma_start3A_375, %dma_start3A_376] : memref<5x80x32xf32, #tpu.memory_space<vmem>> -> memref<1x80x32xf32, #tpu.memory_space<vmem>>
        %dma_start3A_378 = tpu.memref_squeeze %dma_start3A_377 : memref<1x80x32xf32, #tpu.memory_space<vmem>> -> memref<80x32xf32, #tpu.memory_space<vmem>>
        %dma_start3A_379 = arith.constant 0 : i32
        %dma_start3A_380 = tpu.memref_slice %arg10[%run_scoped3A_361, %dma_start3A_379] : memref<5x80xi32, #tpu.memory_space<vmem>> -> memref<1x80xi32, #tpu.memory_space<vmem>>
        %dma_start3A_381 = tpu.memref_squeeze %dma_start3A_380 : memref<1x80xi32, #tpu.memory_space<vmem>> -> memref<80xi32, #tpu.memory_space<vmem>>
        %dma_start3A_382 = arith.constant 0 : i32
        %dma_start3A_383 = arith.constant 0 : i32
        %dma_start3A_384 = tpu.memref_slice %arg13[%dma_start3A_382, %dma_start3A_383] : memref<10240x32xf32, #tpu.memory_space<vmem_shared>> -> memref<10240x32xf32, #tpu.memory_space<vmem_shared>>
        tpu.enqueue_indirect_dma source(%dma_start3A_378 : memref<80x32xf32, #tpu.memory_space<vmem>>) target(%dma_start3A_384 : memref<10240x32xf32, #tpu.memory_space<vmem_shared>>) offsets(%dma_start3A_381 : memref<80xi32, #tpu.memory_space<vmem>>) semaphore(%run_scoped3A_374 : memref<!tpu.dma_semaphore, #tpu.memory_space<semaphore_mem>>) {add = true}
        %dma_wait3A_385 = arith.constant 0 : i32
        %dma_wait3A_386 = arith.constant 0 : i32
        %dma_wait3A_387 = tpu.memref_slice %arg11[%run_scoped3A_360, %dma_wait3A_385, %dma_wait3A_386] : memref<5x80x32xf32, #tpu.memory_space<vmem>> -> memref<1x80x32xf32, #tpu.memory_space<vmem>>
        %dma_wait3A_388 = tpu.memref_squeeze %dma_wait3A_387 : memref<1x80x32xf32, #tpu.memory_space<vmem>> -> memref<80x32xf32, #tpu.memory_space<vmem>>
        %dma_wait3A_389 = arith.constant 0 : i32
        %dma_wait3A_390 = tpu.memref_slice %arg10[%run_scoped3A_361, %dma_wait3A_389] : memref<5x80xi32, #tpu.memory_space<vmem>> -> memref<1x80xi32, #tpu.memory_space<vmem>>
        %dma_wait3A_391 = tpu.memref_squeeze %dma_wait3A_390 : memref<1x80xi32, #tpu.memory_space<vmem>> -> memref<80xi32, #tpu.memory_space<vmem>>
        %dma_wait3A_392 = arith.constant 0 : i32
        %dma_wait3A_393 = arith.constant 0 : i32
        %dma_wait3A_394 = tpu.memref_slice %arg13[%dma_wait3A_392, %dma_wait3A_393] : memref<10240x32xf32, #tpu.memory_space<vmem_shared>> -> memref<10240x32xf32, #tpu.memory_space<vmem_shared>>
        tpu.wait_indirect_dma semaphore(%run_scoped3A_374 : memref<!tpu.dma_semaphore, #tpu.memory_space<semaphore_mem>>) src(%dma_wait3A_388 : memref<80x32xf32, #tpu.memory_space<vmem>>) dst(%dma_wait3A_394 : memref<10240x32xf32, #tpu.memory_space<vmem_shared>>)
        tpu.yield
      }) : () -> ()
      %dma_wait3A_362 = arith.constant 4 : i32
      %dma_wait3A_363 = arith.constant 0 : i32
      %dma_wait3A_364 = tpu.memref_slice %arg10[%dma_wait3A_362, %dma_wait3A_363] : memref<5x80xi32, #tpu.memory_space<vmem>> -> memref<1x80xi32, #tpu.memory_space<vmem>>
      %dma_wait3A_365 = tpu.memref_squeeze %dma_wait3A_364 : memref<1x80xi32, #tpu.memory_space<vmem>> -> memref<80xi32, #tpu.memory_space<vmem>>
      %dma_wait3A_366 = arith.constant 0 : i32
      %dma_wait3A_367 = arith.constant 0 : i32
      %dma_wait3A_368 = tpu.memref_slice %arg14[%dma_wait3A_366, %dma_wait3A_367] : memref<10240x16xf32, #tpu.memory_space<vmem_shared>> -> memref<10240x16xf32, #tpu.memory_space<vmem_shared>>
      tpu.wait_indirect_dma semaphore(%arg29 : memref<!tpu.dma_semaphore, #tpu.memory_space<semaphore_mem>>) src(%arg12 : memref<80x16xf32, #tpu.memory_space<vmem>>) dst(%dma_wait3A_368 : memref<10240x16xf32, #tpu.memory_space<vmem_shared>>)
      %lt3A_369 = arith.constant 24 : i32
      %lt3A_370 = arith.cmpi slt, %scan3A_130, %lt3A_369 : i32
      %convert_element_type3A_371 = arith.extui %lt3A_370 : i1 to i32
      %cond3A_372 = arith.constant 0 : i32
      %cond3A_373 = arith.cmpi ne, %convert_element_type3A_371, %cond3A_372 : i32
      scf.if %cond3A_373 {
        %add3A_374 = arith.constant 5 : i32
        %add3A_375 = arith.addi %add3A_326, %add3A_374 : i32
        %mul3A_376 = arith.constant 80 : i32
        %mul3A_377 = arith.muli %add3A_375, %mul3A_376 : i32
        %add3A_378 = arith.addi %mul3A_2, %mul3A_377 : i32
        %dma_start3A_379 = arith.constant 1 : i32
        %dma_start3A_380 = arith.constant 4 : i32
        %dma_start3A_381 = arith.constant 0 : i32
        %dma_start3A_382 = tpu.memref_slice %arg10[%dma_start3A_380, %dma_start3A_381] : memref<5x80xi32, #tpu.memory_space<vmem>> -> memref<1x80xi32, #tpu.memory_space<vmem>>
        %dma_start3A_383 = tpu.memref_squeeze %dma_start3A_382 : memref<1x80xi32, #tpu.memory_space<vmem>> -> memref<80xi32, #tpu.memory_space<vmem>>
        %dma_start3A_384 = tpu.memref_slice %arg3[%dma_start3A_379, %add3A_378] : memref<2x320000xi32, #tpu.memory_space<hbm>> -> memref<1x80xi32, #tpu.memory_space<hbm>>
        %dma_start3A_385 = tpu.memref_squeeze %dma_start3A_384 : memref<1x80xi32, #tpu.memory_space<hbm>> -> memref<80xi32, #tpu.memory_space<hbm>>
        %dma_start3A_386 = arith.constant 0 : i32
        %dma_start3A_387 = tpu.memref_slice %arg10[%dma_start3A_380, %dma_start3A_386] : memref<5x80xi32, #tpu.memory_space<vmem>> -> memref<1x80xi32, #tpu.memory_space<vmem>>
        %dma_start3A_388 = tpu.memref_squeeze %dma_start3A_387 : memref<1x80xi32, #tpu.memory_space<vmem>> -> memref<80xi32, #tpu.memory_space<vmem>>
        %dma_start3A_389 = tpu.memref_slice %arg3[%dma_start3A_379, %add3A_378] : memref<2x320000xi32, #tpu.memory_space<hbm>> -> memref<1x80xi32, #tpu.memory_space<hbm>>
        %dma_start3A_390 = tpu.memref_squeeze %dma_start3A_389 : memref<1x80xi32, #tpu.memory_space<hbm>> -> memref<80xi32, #tpu.memory_space<hbm>>
        tpu.enqueue_dma source(%dma_start3A_390 : memref<80xi32, #tpu.memory_space<hbm>>) target(%dma_start3A_388 : memref<80xi32, #tpu.memory_space<vmem>>) target_semaphore(%arg24 : memref<!tpu.dma_semaphore, #tpu.memory_space<semaphore_mem>>)
        %mul3A_391 = arith.constant 80 : i32
        %mul3A_392 = arith.muli %add3A_375, %mul3A_391 : i32
        %dma_start3A_393 = arith.constant 4 : i32
        %dma_start3A_394 = arith.constant 0 : i32
        %dma_start3A_395 = arith.constant 0 : i32
        %dma_start3A_396 = tpu.memref_slice %arg11[%dma_start3A_393, %dma_start3A_394, %dma_start3A_395] : memref<5x80x32xf32, #tpu.memory_space<vmem>> -> memref<1x80x32xf32, #tpu.memory_space<vmem>>
        %dma_start3A_397 = tpu.memref_squeeze %dma_start3A_396 : memref<1x80x32xf32, #tpu.memory_space<vmem>> -> memref<80x32xf32, #tpu.memory_space<vmem>>
        %dma_start3A_398 = tpu.memref_slice %arg9[%mul3A_392] : memref<10000xi32, #tpu.memory_space<vmem>> -> memref<80xi32, #tpu.memory_space<vmem>>
        %dma_start3A_399 = arith.constant 0 : i32
        %dma_start3A_400 = arith.constant 0 : i32
        %dma_start3A_401 = tpu.memref_slice %arg2[%dma_start3A_399, %dma_start3A_400] : memref<10000x32xf32, #tpu.memory_space<hbm>> -> memref<10000x32xf32, #tpu.memory_space<hbm>>
        tpu.enqueue_indirect_dma source(%dma_start3A_401 : memref<10000x32xf32, #tpu.memory_space<hbm>>) target(%dma_start3A_397 : memref<80x32xf32, #tpu.memory_space<vmem>>) offsets(%dma_start3A_398 : memref<80xi32, #tpu.memory_space<vmem>>) semaphore(%arg19 : memref<!tpu.dma_semaphore, #tpu.memory_space<semaphore_mem>>)
      } else {
      }
    }
    %scan3A_128 = arith.constant 25 : i32
    %barrier3A_129 = arith.constant 0 : index
    tpu.barrier barrier_id(%barrier3A_129)
    "tpu.region"() ({
      %run_scoped3A_130 = tpu.sem_alloc : memref<!tpu.dma_semaphore, #tpu.memory_space<semaphore_mem>>
      %dma_start3A_131 = arith.constant 0 : i32
      %dma_start3A_132 = tpu.memref_slice %arg7[%arg0, %mul3A_4, %dma_start3A_131] : memref<2x10240x32xf32, #tpu.memory_space<hbm>> -> memref<1x640x32xf32, #tpu.memory_space<hbm>>
      %dma_start3A_133 = tpu.memref_squeeze %dma_start3A_132 : memref<1x640x32xf32, #tpu.memory_space<hbm>> -> memref<640x32xf32, #tpu.memory_space<hbm>>
      %dma_start3A_134 = arith.constant 0 : i32
      %dma_start3A_135 = tpu.memref_slice %arg13[%mul3A_4, %dma_start3A_134] : memref<10240x32xf32, #tpu.memory_space<vmem_shared>> -> memref<640x32xf32, #tpu.memory_space<vmem_shared>>
      tpu.enqueue_dma source(%dma_start3A_135 : memref<640x32xf32, #tpu.memory_space<vmem_shared>>) target(%dma_start3A_133 : memref<640x32xf32, #tpu.memory_space<hbm>>) target_semaphore(%run_scoped3A_130 : memref<!tpu.dma_semaphore, #tpu.memory_space<semaphore_mem>>)
      %dma_wait3A = arith.constant 0 : i32
      %dma_wait3A_136 = tpu.memref_slice %arg7[%arg0, %mul3A_4, %dma_wait3A] : memref<2x10240x32xf32, #tpu.memory_space<hbm>> -> memref<1x640x32xf32, #tpu.memory_space<hbm>>
      %dma_wait3A_137 = tpu.memref_squeeze %dma_wait3A_136 : memref<1x640x32xf32, #tpu.memory_space<hbm>> -> memref<640x32xf32, #tpu.memory_space<hbm>>
      %dma_wait3A_138 = arith.constant 0 : i32
      %dma_wait3A_139 = tpu.memref_slice %arg13[%mul3A_4, %dma_wait3A_138] : memref<10240x32xf32, #tpu.memory_space<vmem_shared>> -> memref<640x32xf32, #tpu.memory_space<vmem_shared>>
      tpu.wait_dma2 semaphore(%run_scoped3A_130 : memref<!tpu.dma_semaphore, #tpu.memory_space<semaphore_mem>>) src(%dma_wait3A_139 : memref<640x32xf32, #tpu.memory_space<vmem_shared>>) dst(%dma_wait3A_137 : memref<640x32xf32, #tpu.memory_space<hbm>>)
      tpu.yield
    }) : () -> ()
    "tpu.region"() ({
      %run_scoped3A_130 = tpu.sem_alloc : memref<!tpu.dma_semaphore, #tpu.memory_space<semaphore_mem>>
      %dma_start3A_131 = arith.constant 0 : i32
      %dma_start3A_132 = tpu.memref_slice %arg8[%arg0, %mul3A_4, %dma_start3A_131] : memref<2x10240x16xf32, #tpu.memory_space<hbm>> -> memref<1x640x16xf32, #tpu.memory_space<hbm>>
      %dma_start3A_133 = tpu.memref_squeeze %dma_start3A_132 : memref<1x640x16xf32, #tpu.memory_space<hbm>> -> memref<640x16xf32, #tpu.memory_space<hbm>>
      %dma_start3A_134 = arith.constant 0 : i32
      %dma_start3A_135 = tpu.memref_slice %arg14[%mul3A_4, %dma_start3A_134] : memref<10240x16xf32, #tpu.memory_space<vmem_shared>> -> memref<640x16xf32, #tpu.memory_space<vmem_shared>>
      tpu.enqueue_dma source(%dma_start3A_135 : memref<640x16xf32, #tpu.memory_space<vmem_shared>>) target(%dma_start3A_133 : memref<640x16xf32, #tpu.memory_space<hbm>>) target_semaphore(%run_scoped3A_130 : memref<!tpu.dma_semaphore, #tpu.memory_space<semaphore_mem>>)
      %dma_wait3A = arith.constant 0 : i32
      %dma_wait3A_136 = tpu.memref_slice %arg8[%arg0, %mul3A_4, %dma_wait3A] : memref<2x10240x16xf32, #tpu.memory_space<hbm>> -> memref<1x640x16xf32, #tpu.memory_space<hbm>>
      %dma_wait3A_137 = tpu.memref_squeeze %dma_wait3A_136 : memref<1x640x16xf32, #tpu.memory_space<hbm>> -> memref<640x16xf32, #tpu.memory_space<hbm>>
      %dma_wait3A_138 = arith.constant 0 : i32
      %dma_wait3A_139 = tpu.memref_slice %arg14[%mul3A_4, %dma_wait3A_138] : memref<10240x16xf32, #tpu.memory_space<vmem_shared>> -> memref<640x16xf32, #tpu.memory_space<vmem_shared>>
      tpu.wait_dma2 semaphore(%run_scoped3A_130 : memref<!tpu.dma_semaphore, #tpu.memory_space<semaphore_mem>>) src(%dma_wait3A_139 : memref<640x16xf32, #tpu.memory_space<vmem_shared>>) dst(%dma_wait3A_137 : memref<640x16xf32, #tpu.memory_space<hbm>>)
      tpu.yield
    }) : () -> ()
    return
  }
}

module attributes {stable_mosaic.version = 14 : i64} {
  func.func @_tc1_body(%arg0: i32, %arg1: memref<4x2000x128xf32, #tpu.memory_space<vmem>>, %arg2: memref<4x128x32xf32, #tpu.memory_space<vmem>>, %arg3: memref<4x128x32xf32, #tpu.memory_space<vmem>>, %arg4: memref<1x32xf32, #tpu.memory_space<vmem>>, %arg5: memref<2000x32xf32, #tpu.memory_space<vmem>>, %arg6: memref<2000x32xf32, #tpu.memory_space<vmem>>) attributes {dimension_semantics = [#tpu.dimension_semantics<arbitrary>], iteration_bounds = array<i64: 5>, scalar_prefetch = 0 : i64, scratch_operands = 0 : i64, tpu.core_type = #tpu.core_type<tc>, window_params = [{transform_indices = @transform_0, window_bounds = array<i64: 4, 2000, 128>}, {pipeline_mode = #tpu.pipeline_mode<synchronous>, transform_indices = @transform_1, window_bounds = array<i64: 4, 128, 32>}, {pipeline_mode = #tpu.pipeline_mode<synchronous>, transform_indices = @transform_2, window_bounds = array<i64: 4, 128, 32>}, {pipeline_mode = #tpu.pipeline_mode<synchronous>, transform_indices = @transform_3, window_bounds = array<i64: 1, 32>}, {transform_indices = @transform_4, window_bounds = array<i64: 2000, 32>}, {transform_indices = @transform_5, window_bounds = array<i64: 2000, 32>}]} {
    %broadcast_in_dim3A = arith.constant 0.000000e+00 : f32
    %broadcast_in_dim3A_0 = vector.broadcast %broadcast_in_dim3A : f32 to vector<2000x32xf32>
    %broadcast_in_dim3A_1 = arith.constant 0.000000e+00 : f32
    %broadcast_in_dim3A_2 = vector.broadcast %broadcast_in_dim3A_1 : f32 to vector<2000x32xf32>
    %get3A = arith.constant 0 : index
    %get3A_3 = arith.constant 0 : index
    %get3A_4 = arith.constant 0 : index
    %get3A_5 = vector.load %arg1[%get3A, %get3A_3, %get3A_4] : memref<4x2000x128xf32, #tpu.memory_space<vmem>>, vector<1x2000x128xf32>
    %get3A_6 = vector.shape_cast %get3A_5 : vector<1x2000x128xf32> to vector<2000x128xf32>
    %get3A_7 = arith.constant 0 : index
    %get3A_8 = arith.constant 0 : index
    %get3A_9 = arith.constant 0 : index
    %get3A_10 = vector.load %arg2[%get3A_7, %get3A_8, %get3A_9] : memref<4x128x32xf32, #tpu.memory_space<vmem>>, vector<1x128x32xf32>
    %get3A_11 = vector.shape_cast %get3A_10 : vector<1x128x32xf32> to vector<128x32xf32>
    %dot_general3A = arith.constant dense<0.000000e+00> : vector<2000x32xf32>
    %dot_general3A_12 = tpu.matmul %get3A_6, %get3A_11, %dot_general3A {dimension_numbers = #tpu.dot_dimension_numbers<[1], [0], [0], [1], [0, 0, 1, 1], [], []>, transpose_lhs_hint = false} : vector<2000x128xf32>, vector<128x32xf32>, vector<2000x32xf32> -> vector<2000x32xf32>
    %add3A = arith.addf %broadcast_in_dim3A_0, %dot_general3A_12 : vector<2000x32xf32>
    %get3A_13 = arith.constant 0 : index
    %get3A_14 = arith.constant 0 : index
    %get3A_15 = arith.constant 0 : index
    %get3A_16 = vector.load %arg3[%get3A_13, %get3A_14, %get3A_15] : memref<4x128x32xf32, #tpu.memory_space<vmem>>, vector<1x128x32xf32>
    %get3A_17 = vector.shape_cast %get3A_16 : vector<1x128x32xf32> to vector<128x32xf32>
    %dot_general3A_18 = arith.constant dense<0.000000e+00> : vector<2000x32xf32>
    %dot_general3A_19 = tpu.matmul %get3A_6, %get3A_17, %dot_general3A_18 {dimension_numbers = #tpu.dot_dimension_numbers<[1], [0], [0], [1], [0, 0, 1, 1], [], []>, transpose_lhs_hint = false} : vector<2000x128xf32>, vector<128x32xf32>, vector<2000x32xf32> -> vector<2000x32xf32>
    %add3A_20 = arith.addf %broadcast_in_dim3A_2, %dot_general3A_19 : vector<2000x32xf32>
    %get3A_21 = arith.constant 1 : index
    %get3A_22 = arith.constant 0 : index
    %get3A_23 = arith.constant 0 : index
    %get3A_24 = vector.load %arg1[%get3A_21, %get3A_22, %get3A_23] : memref<4x2000x128xf32, #tpu.memory_space<vmem>>, vector<1x2000x128xf32>
    %get3A_25 = vector.shape_cast %get3A_24 : vector<1x2000x128xf32> to vector<2000x128xf32>
    %get3A_26 = arith.constant 1 : index
    %get3A_27 = arith.constant 0 : index
    %get3A_28 = arith.constant 0 : index
    %get3A_29 = vector.load %arg2[%get3A_26, %get3A_27, %get3A_28] : memref<4x128x32xf32, #tpu.memory_space<vmem>>, vector<1x128x32xf32>
    %get3A_30 = vector.shape_cast %get3A_29 : vector<1x128x32xf32> to vector<128x32xf32>
    %dot_general3A_31 = arith.constant dense<0.000000e+00> : vector<2000x32xf32>
    %dot_general3A_32 = tpu.matmul %get3A_25, %get3A_30, %dot_general3A_31 {dimension_numbers = #tpu.dot_dimension_numbers<[1], [0], [0], [1], [0, 0, 1, 1], [], []>, transpose_lhs_hint = false} : vector<2000x128xf32>, vector<128x32xf32>, vector<2000x32xf32> -> vector<2000x32xf32>
    %add3A_33 = arith.addf %add3A, %dot_general3A_32 : vector<2000x32xf32>
    %get3A_34 = arith.constant 1 : index
    %get3A_35 = arith.constant 0 : index
    %get3A_36 = arith.constant 0 : index
    %get3A_37 = vector.load %arg3[%get3A_34, %get3A_35, %get3A_36] : memref<4x128x32xf32, #tpu.memory_space<vmem>>, vector<1x128x32xf32>
    %get3A_38 = vector.shape_cast %get3A_37 : vector<1x128x32xf32> to vector<128x32xf32>
    %dot_general3A_39 = arith.constant dense<0.000000e+00> : vector<2000x32xf32>
    %dot_general3A_40 = tpu.matmul %get3A_25, %get3A_38, %dot_general3A_39 {dimension_numbers = #tpu.dot_dimension_numbers<[1], [0], [0], [1], [0, 0, 1, 1], [], []>, transpose_lhs_hint = false} : vector<2000x128xf32>, vector<128x32xf32>, vector<2000x32xf32> -> vector<2000x32xf32>
    %add3A_41 = arith.addf %add3A_20, %dot_general3A_40 : vector<2000x32xf32>
    %get3A_42 = arith.constant 2 : index
    %get3A_43 = arith.constant 0 : index
    %get3A_44 = arith.constant 0 : index
    %get3A_45 = vector.load %arg1[%get3A_42, %get3A_43, %get3A_44] : memref<4x2000x128xf32, #tpu.memory_space<vmem>>, vector<1x2000x128xf32>
    %get3A_46 = vector.shape_cast %get3A_45 : vector<1x2000x128xf32> to vector<2000x128xf32>
    %get3A_47 = arith.constant 2 : index
    %get3A_48 = arith.constant 0 : index
    %get3A_49 = arith.constant 0 : index
    %get3A_50 = vector.load %arg2[%get3A_47, %get3A_48, %get3A_49] : memref<4x128x32xf32, #tpu.memory_space<vmem>>, vector<1x128x32xf32>
    %get3A_51 = vector.shape_cast %get3A_50 : vector<1x128x32xf32> to vector<128x32xf32>
    %dot_general3A_52 = arith.constant dense<0.000000e+00> : vector<2000x32xf32>
    %dot_general3A_53 = tpu.matmul %get3A_46, %get3A_51, %dot_general3A_52 {dimension_numbers = #tpu.dot_dimension_numbers<[1], [0], [0], [1], [0, 0, 1, 1], [], []>, transpose_lhs_hint = false} : vector<2000x128xf32>, vector<128x32xf32>, vector<2000x32xf32> -> vector<2000x32xf32>
    %add3A_54 = arith.addf %add3A_33, %dot_general3A_53 : vector<2000x32xf32>
    %get3A_55 = arith.constant 2 : index
    %get3A_56 = arith.constant 0 : index
    %get3A_57 = arith.constant 0 : index
    %get3A_58 = vector.load %arg3[%get3A_55, %get3A_56, %get3A_57] : memref<4x128x32xf32, #tpu.memory_space<vmem>>, vector<1x128x32xf32>
    %get3A_59 = vector.shape_cast %get3A_58 : vector<1x128x32xf32> to vector<128x32xf32>
    %dot_general3A_60 = arith.constant dense<0.000000e+00> : vector<2000x32xf32>
    %dot_general3A_61 = tpu.matmul %get3A_46, %get3A_59, %dot_general3A_60 {dimension_numbers = #tpu.dot_dimension_numbers<[1], [0], [0], [1], [0, 0, 1, 1], [], []>, transpose_lhs_hint = false} : vector<2000x128xf32>, vector<128x32xf32>, vector<2000x32xf32> -> vector<2000x32xf32>
    %add3A_62 = arith.addf %add3A_41, %dot_general3A_61 : vector<2000x32xf32>
    %get3A_63 = arith.constant 3 : index
    %get3A_64 = arith.constant 0 : index
    %get3A_65 = arith.constant 0 : index
    %get3A_66 = vector.load %arg1[%get3A_63, %get3A_64, %get3A_65] : memref<4x2000x128xf32, #tpu.memory_space<vmem>>, vector<1x2000x128xf32>
    %get3A_67 = vector.shape_cast %get3A_66 : vector<1x2000x128xf32> to vector<2000x128xf32>
    %get3A_68 = arith.constant 3 : index
    %get3A_69 = arith.constant 0 : index
    %get3A_70 = arith.constant 0 : index
    %get3A_71 = vector.load %arg2[%get3A_68, %get3A_69, %get3A_70] : memref<4x128x32xf32, #tpu.memory_space<vmem>>, vector<1x128x32xf32>
    %get3A_72 = vector.shape_cast %get3A_71 : vector<1x128x32xf32> to vector<128x32xf32>
    %dot_general3A_73 = arith.constant dense<0.000000e+00> : vector<2000x32xf32>
    %dot_general3A_74 = tpu.matmul %get3A_67, %get3A_72, %dot_general3A_73 {dimension_numbers = #tpu.dot_dimension_numbers<[1], [0], [0], [1], [0, 0, 1, 1], [], []>, transpose_lhs_hint = false} : vector<2000x128xf32>, vector<128x32xf32>, vector<2000x32xf32> -> vector<2000x32xf32>
    %add3A_75 = arith.addf %add3A_54, %dot_general3A_74 : vector<2000x32xf32>
    %get3A_76 = arith.constant 3 : index
    %get3A_77 = arith.constant 0 : index
    %get3A_78 = arith.constant 0 : index
    %get3A_79 = vector.load %arg3[%get3A_76, %get3A_77, %get3A_78] : memref<4x128x32xf32, #tpu.memory_space<vmem>>, vector<1x128x32xf32>
    %get3A_80 = vector.shape_cast %get3A_79 : vector<1x128x32xf32> to vector<128x32xf32>
    %dot_general3A_81 = arith.constant dense<0.000000e+00> : vector<2000x32xf32>
    %dot_general3A_82 = tpu.matmul %get3A_67, %get3A_80, %dot_general3A_81 {dimension_numbers = #tpu.dot_dimension_numbers<[1], [0], [0], [1], [0, 0, 1, 1], [], []>, transpose_lhs_hint = false} : vector<2000x128xf32>, vector<128x32xf32>, vector<2000x32xf32> -> vector<2000x32xf32>
    %add3A_83 = arith.addf %add3A_62, %dot_general3A_82 : vector<2000x32xf32>
    %swap3A = arith.constant 0 : index
    %swap3A_84 = arith.constant 0 : index
    %swap3A_85 = vector.load %arg5[%swap3A, %swap3A_84] : memref<2000x32xf32, #tpu.memory_space<vmem>>, vector<2000x32xf32>
    tpu.vector_store %arg5[%swap3A, %swap3A_84], %add3A_75 {strides = array<i32>} : memref<2000x32xf32, #tpu.memory_space<vmem>>, vector<2000x32xf32>,
    %get3A_86 = arith.constant 0 : index
    %get3A_87 = arith.constant 0 : index
    %get3A_88 = vector.load %arg4[%get3A_86, %get3A_87] : memref<1x32xf32, #tpu.memory_space<vmem>>, vector<1x32xf32>
    %add3A_89 = vector.broadcast %get3A_88 : vector<1x32xf32> to vector<2000x32xf32>
    %add3A_90 = arith.addf %add3A_83, %add3A_89 : vector<2000x32xf32>
    %swap3A_91 = arith.constant 0 : index
    %swap3A_92 = arith.constant 0 : index
    %swap3A_93 = vector.load %arg6[%swap3A_91, %swap3A_92] : memref<2000x32xf32, #tpu.memory_space<vmem>>, vector<2000x32xf32>
    tpu.vector_store %arg6[%swap3A_91, %swap3A_92], %add3A_90 {strides = array<i32>} : memref<2000x32xf32, #tpu.memory_space<vmem>>, vector<2000x32xf32>,
    return
  }
  func.func @transform_0(%arg0: i32) -> (i32, i32, i32) {
    %c0_i32 = arith.constant 0 : i32
    %c0_i32_0 = arith.constant 0 : i32
    %c0_i32_1 = arith.constant 0 : i32
    return %c0_i32, %arg0, %c0_i32_0 : i32, i32, i32
  }
  func.func @transform_1(%arg0: i32) -> (i32, i32, i32) {
    %c0_i32 = arith.constant 0 : i32
    %c0_i32_0 = arith.constant 0 : i32
    %c0_i32_1 = arith.constant 0 : i32
    %c0_i32_2 = arith.constant 0 : i32
    return %c0_i32, %c0_i32_0, %c0_i32_1 : i32, i32, i32
  }
  func.func @transform_2(%arg0: i32) -> (i32, i32, i32) {
    %c0_i32 = arith.constant 0 : i32
    %c0_i32_0 = arith.constant 0 : i32
    %c0_i32_1 = arith.constant 0 : i32
    %c0_i32_2 = arith.constant 0 : i32
    return %c0_i32, %c0_i32_0, %c0_i32_1 : i32, i32, i32
  }
  func.func @transform_3(%arg0: i32) -> (i32, i32) {
    %c0_i32 = arith.constant 0 : i32
    %c0_i32_0 = arith.constant 0 : i32
    %c0_i32_1 = arith.constant 0 : i32
    return %c0_i32, %c0_i32_0 : i32, i32
  }
  func.func @transform_4(%arg0: i32) -> (i32, i32) {
    %c0_i32 = arith.constant 0 : i32
    %c0_i32_0 = arith.constant 0 : i32
    return %arg0, %c0_i32 : i32, i32
  }
  func.func @transform_5(%arg0: i32) -> (i32, i32) {
    %c0_i32 = arith.constant 0 : i32
    %c0_i32_0 = arith.constant 0 : i32
    return %arg0, %c0_i32 : i32, i32
  }
}

module attributes {stable_mosaic.version = 14 : i64} {
  func.func @_tcv_body(%arg0: i32, %arg1: memref<2000x32xf32, #tpu.memory_space<vmem>>, %arg2: memref<32x32xf32, #tpu.memory_space<vmem>>, %arg3: memref<1x32xf32, #tpu.memory_space<vmem>>, %arg4: memref<2000x32xf32, #tpu.memory_space<vmem>>) attributes {dimension_semantics = [#tpu.dimension_semantics<arbitrary>], iteration_bounds = array<i64: 5>, scalar_prefetch = 0 : i64, scratch_operands = 0 : i64, tpu.core_type = #tpu.core_type<tc>, window_params = [{transform_indices = @transform_0, window_bounds = array<i64: 2000, 32>}, {pipeline_mode = #tpu.pipeline_mode<synchronous>, transform_indices = @transform_1, window_bounds = array<i64: 32, 32>}, {pipeline_mode = #tpu.pipeline_mode<synchronous>, transform_indices = @transform_2, window_bounds = array<i64: 1, 32>}, {transform_indices = @transform_3, window_bounds = array<i64: 2000, 32>}]} {
    %get3A = arith.constant 0 : index
    %get3A_0 = arith.constant 0 : index
    %get3A_1 = vector.load %arg1[%get3A, %get3A_0] : memref<2000x32xf32, #tpu.memory_space<vmem>>, vector<2000x32xf32>
    %get3A_2 = arith.constant 0 : index
    %get3A_3 = arith.constant 0 : index
    %get3A_4 = vector.load %arg2[%get3A_2, %get3A_3] : memref<32x32xf32, #tpu.memory_space<vmem>>, vector<32x32xf32>
    %dot_general3A = arith.constant dense<0.000000e+00> : vector<2000x32xf32>
    %dot_general3A_5 = tpu.matmul %get3A_1, %get3A_4, %dot_general3A {dimension_numbers = #tpu.dot_dimension_numbers<[1], [0], [0], [1], [0, 0, 1, 1], [], []>, transpose_lhs_hint = false} : vector<2000x32xf32>, vector<32x32xf32>, vector<2000x32xf32> -> vector<2000x32xf32>
    %get3A_6 = arith.constant 0 : index
    %get3A_7 = arith.constant 0 : index
    %get3A_8 = vector.load %arg3[%get3A_6, %get3A_7] : memref<1x32xf32, #tpu.memory_space<vmem>>, vector<1x32xf32>
    %add3A = vector.broadcast %get3A_8 : vector<1x32xf32> to vector<2000x32xf32>
    %add3A_9 = arith.addf %dot_general3A_5, %add3A : vector<2000x32xf32>
    %swap3A = arith.constant 0 : index
    %swap3A_10 = arith.constant 0 : index
    %swap3A_11 = vector.load %arg4[%swap3A, %swap3A_10] : memref<2000x32xf32, #tpu.memory_space<vmem>>, vector<2000x32xf32>
    tpu.vector_store %arg4[%swap3A, %swap3A_10], %add3A_9 {strides = array<i32>} : memref<2000x32xf32, #tpu.memory_space<vmem>>, vector<2000x32xf32>,
    return
  }
  func.func @transform_0(%arg0: i32) -> (i32, i32) {
    %c0_i32 = arith.constant 0 : i32
    %c0_i32_0 = arith.constant 0 : i32
    return %arg0, %c0_i32 : i32, i32
  }
  func.func @transform_1(%arg0: i32) -> (i32, i32) {
    %c0_i32 = arith.constant 0 : i32
    %c0_i32_0 = arith.constant 0 : i32
    %c0_i32_1 = arith.constant 0 : i32
    return %c0_i32, %c0_i32_0 : i32, i32
  }
  func.func @transform_2(%arg0: i32) -> (i32, i32) {
    %c0_i32 = arith.constant 0 : i32
    %c0_i32_0 = arith.constant 0 : i32
    %c0_i32_1 = arith.constant 0 : i32
    return %c0_i32, %c0_i32_0 : i32, i32
  }
  func.func @transform_3(%arg0: i32) -> (i32, i32) {
    %c0_i32 = arith.constant 0 : i32
    %c0_i32_0 = arith.constant 0 : i32
    return %arg0, %c0_i32 : i32, i32
  }
}

module attributes {stable_mosaic.version = 14 : i64} {
  func.func @_tc3_body(%arg0: i32, %arg1: memref<2x2000x32xf32, #tpu.memory_space<vmem>>, %arg2: memref<2x2000x16xf32, #tpu.memory_space<vmem>>, %arg3: memref<2000x32xf32, #tpu.memory_space<vmem>>, %arg4: memref<32x32xf32, #tpu.memory_space<vmem>>, %arg5: memref<2000x32xf32, #tpu.memory_space<vmem>>) attributes {dimension_semantics = [#tpu.dimension_semantics<arbitrary>], iteration_bounds = array<i64: 5>, scalar_prefetch = 0 : i64, scratch_operands = 0 : i64, tpu.core_type = #tpu.core_type<tc>, window_params = [{transform_indices = @transform_0, window_bounds = array<i64: 2, 2000, 32>}, {transform_indices = @transform_1, window_bounds = array<i64: 2, 2000, 16>}, {transform_indices = @transform_2, window_bounds = array<i64: 2000, 32>}, {pipeline_mode = #tpu.pipeline_mode<synchronous>, transform_indices = @transform_3, window_bounds = array<i64: 32, 32>}, {transform_indices = @transform_4, window_bounds = array<i64: 2000, 32>}]} {
    %get3A = arith.constant 0 : index
    %get3A_0 = arith.constant 0 : index
    %get3A_1 = arith.constant 0 : index
    %get3A_2 = vector.load %arg1[%get3A, %get3A_0, %get3A_1] : memref<2x2000x32xf32, #tpu.memory_space<vmem>>, vector<1x2000x32xf32>
    %get3A_3 = vector.shape_cast %get3A_2 : vector<1x2000x32xf32> to vector<2000x32xf32>
    %get3A_4 = arith.constant 1 : index
    %get3A_5 = arith.constant 0 : index
    %get3A_6 = arith.constant 0 : index
    %get3A_7 = vector.load %arg1[%get3A_4, %get3A_5, %get3A_6] : memref<2x2000x32xf32, #tpu.memory_space<vmem>>, vector<1x2000x32xf32>
    %get3A_8 = vector.shape_cast %get3A_7 : vector<1x2000x32xf32> to vector<2000x32xf32>
    %add3A = arith.addf %get3A_3, %get3A_8 : vector<2000x32xf32>
    %get3A_9 = arith.constant 0 : index
    %get3A_10 = arith.constant 0 : index
    %get3A_11 = arith.constant 0 : index
    %get3A_12 = vector.load %arg2[%get3A_9, %get3A_10, %get3A_11] : memref<2x2000x16xf32, #tpu.memory_space<vmem>>, vector<1x2000x1xf32>
    %get3A_13 = vector.shape_cast %get3A_12 : vector<1x2000x1xf32> to vector<2000x1xf32>
    %get3A_14 = arith.constant 1 : index
    %get3A_15 = arith.constant 0 : index
    %get3A_16 = arith.constant 0 : index
    %get3A_17 = vector.load %arg2[%get3A_14, %get3A_15, %get3A_16] : memref<2x2000x16xf32, #tpu.memory_space<vmem>>, vector<1x2000x1xf32>
    %get3A_18 = vector.shape_cast %get3A_17 : vector<1x2000x1xf32> to vector<2000x1xf32>
    %add3A_19 = arith.addf %get3A_13, %get3A_18 : vector<2000x1xf32>
    %max3A = arith.constant 1.000000e+00 : f32
    %max3A_20 = vector.broadcast %max3A : f32 to vector<2000x1xf32>
    %max3A_21 = arith.maximumf %add3A_19, %max3A_20 : vector<2000x1xf32>
    %div3A = vector.broadcast %max3A_21 : vector<2000x1xf32> to vector<2000x32xf32>
    %div3A_22 = arith.divf %add3A, %div3A : vector<2000x32xf32>
    %get3A_23 = arith.constant 0 : index
    %get3A_24 = arith.constant 0 : index
    %get3A_25 = vector.load %arg4[%get3A_23, %get3A_24] : memref<32x32xf32, #tpu.memory_space<vmem>>, vector<32x32xf32>
    %dot_general3A = arith.constant dense<0.000000e+00> : vector<2000x32xf32>
    %dot_general3A_26 = tpu.matmul %div3A_22, %get3A_25, %dot_general3A {dimension_numbers = #tpu.dot_dimension_numbers<[1], [0], [0], [1], [0, 0, 1, 1], [], []>, transpose_lhs_hint = false} : vector<2000x32xf32>, vector<32x32xf32>, vector<2000x32xf32> -> vector<2000x32xf32>
    %get3A_27 = arith.constant 0 : index
    %get3A_28 = arith.constant 0 : index
    %get3A_29 = vector.load %arg3[%get3A_27, %get3A_28] : memref<2000x32xf32, #tpu.memory_space<vmem>>, vector<2000x32xf32>
    %add3A_30 = arith.addf %dot_general3A_26, %get3A_29 : vector<2000x32xf32>
    %swap3A = arith.constant 0 : index
    %swap3A_31 = arith.constant 0 : index
    %swap3A_32 = vector.load %arg5[%swap3A, %swap3A_31] : memref<2000x32xf32, #tpu.memory_space<vmem>>, vector<2000x32xf32>
    tpu.vector_store %arg5[%swap3A, %swap3A_31], %add3A_30 {strides = array<i32>} : memref<2000x32xf32, #tpu.memory_space<vmem>>, vector<2000x32xf32>,
    return
  }
  func.func @transform_0(%arg0: i32) -> (i32, i32, i32) {
    %c0_i32 = arith.constant 0 : i32
    %c0_i32_0 = arith.constant 0 : i32
    %c0_i32_1 = arith.constant 0 : i32
    return %c0_i32, %arg0, %c0_i32_0 : i32, i32, i32
  }
  func.func @transform_1(%arg0: i32) -> (i32, i32, i32) {
    %c0_i32 = arith.constant 0 : i32
    %c0_i32_0 = arith.constant 0 : i32
    %c0_i32_1 = arith.constant 0 : i32
    return %c0_i32, %arg0, %c0_i32_0 : i32, i32, i32
  }
  func.func @transform_2(%arg0: i32) -> (i32, i32) {
    %c0_i32 = arith.constant 0 : i32
    %c0_i32_0 = arith.constant 0 : i32
    return %arg0, %c0_i32 : i32, i32
  }
  func.func @transform_3(%arg0: i32) -> (i32, i32) {
    %c0_i32 = arith.constant 0 : i32
    %c0_i32_0 = arith.constant 0 : i32
    %c0_i32_1 = arith.constant 0 : i32
    return %c0_i32, %c0_i32_0 : i32, i32
  }
  func.func @transform_4(%arg0: i32) -> (i32, i32) {
    %c0_i32 = arith.constant 0 : i32
    %c0_i32_0 = arith.constant 0 : i32
    return %arg0, %c0_i32 : i32, i32
  }
}

</mosaic_0001>

<sc_bundles>
// kernel: kernel.11.cloned.1.call-start
scs
__scs_entry_jumppad:
0x0: {  	(pc) =	sbr.rel $0x88, $3  }
0x1: {  	(tag) =	ssettag $0x0;
	lr =	simm.s32 $0x1  }
0x2: {  	[smem:$0x3F99] =	sst lr;
	_ =	strace $0xD0000000  }
0x3: {  	_ = 	snop  }
0x4: {  	_ = 	snop  }
0x5: {  	_ = 	snop  }
0x6: {  	_ = 	snop  }
0x7: {  	_ = 	snop  }
__scs_overlays_trampoline_lowered:
0x8: {  	[smem:$0x3FA8] =	sst s0  }
0x9: {  	[smem:$0x3FA9] =	sst s1  }
0xa: {  	[smem:$0x3FAA] =	sst s2  }
0xb: {  	[smem:$0x3FAB] =	sst s3  }
0xc: {  	[smem:$0x3FAC] =	sst s4  }
0xd: {  	[smem:$0x3FAD] =	sst s5  }
0xe: {  	[smem:$0x3FAE] =	sst s6  }
0xf: {  	[smem:$0x3FAF] =	sst s7  }
0x10: {  	[smem:$0x3FB0] =	sst s8  }
0x11: {  	[smem:$0x3FB1] =	sst s9;
	s0 =	simm.s32 @!p0 $0x0  }
0x12: {  	s1 =	sld [smem:$0x3F97];
	s0 =	simm.s32 @p0 $0x1  }
0x13: {  	[smem:$0x3FB2] =	sst s0;
	s0 =	simm.s32 @!p1 $0x0  }
0x14: {  	s2 =	sld [smem:$0x3F96];
	s0 =	simm.s32 @p1 $0x1  }
0x15: {  	[smem:$0x3FB3] =	sst s0;
	s0 =	simm.s32 @!p2 $0x0  }
0x16: {  	s3 =	sld [smem:$0x3FDB];
	s0 =	simm.s32 @p2 $0x1  }
0x17: {  	s4 =	simm.s32 $0x1BF5;
	[smem:$0x3FB5] =	sst s0  }
0x18: {  	s0 =	sld [smem:$0x3F98];
	_ =	swait.ge [sflag:s4], $0x0  }
0x19: {  	s7 =	sld [smem:$0x3F99]  }
0x1a: {  	s8 =	sadd.s32 $0xFFFFE003, lr  }
0x1b: {  	s9 =	sadd.s32 $0xFFFFFEF7, lr;
	s5 =	simm.s32 $0xFFFFFFFF;
	p2 =	slt.u32 s8, $0xFFFFF086  }
0x1c: {  	p1 =	slt.u32 s9, $0xF7A;
	s5 =	simm.s32 @!p2 $0x0  }
0x1d: {  	s5 =	simm.s32 @p1 $0x1;
	p0 =	seq.s32 s7, s2  }
0x1e: {  	s7 =	smul.u32 @!p0 $0xF7A, s2;
	p2 =	seq.s32 @!p0 s5, $0x0  }
0x1f: {  	s9 =	smul.u32 $0xF7A, s1;
	s8 =	simm.s32 @!p0 $0x1BF5;
	p2 =	por !p2, p0  }
0x20: {  	[sflag:s8] =	ssyncset.s32 @!p0 $0xFFFFF086;
	s6 =	sadd.s32 @!p0 s3, s7;
	s7 =	simm.s32 @!p0 $0x108  }
0x21: {  	s3 =	sadd.s32 s3, s9;
	s6 =	sadd.s32 @!p0 $0x88, s6;
	s7 =	simm.s32 @p2 $0x1082  }
0x22: {  	[simem:s7], [sflag:s8] =	dma.local @!p0 [hbm:s6], $0xF7A  }
0x23: {  	s9 =	sor.u32 $0xD0000000, s2;
	s6 =	simm.s32 $0x108;
	_ =	swait.ge @!p0 [sflag:s8], $0x0  }
0x24: {  	s3 =	sadd.s32 $0x88, s3;
	s6 =	simm.s32 @!p1 $0x1082;
	[sflag:s4] =	ssyncset.s32 $0xFFFFF086  }
0x25: {  	[simem:s6], [sflag:s4] =	dma.local [hbm:s3], $0xF7A  }
0x26: {  	[smem:$0x3F99] =	sst s1;
	(tag) =	ssettag s2;
	_ =	strace s9  }
0x27: {  	s1 =	sld [smem:$0x3FA9]  }
0x28: {  	s2 =	sld [smem:$0x3FAA]  }
0x29: {  	s4 =	sld [smem:$0x3FAC]  }
0x2a: {  	p0 =	seq.s32 s5, $0x0;
	s5 =	sld [smem:$0x3FAD]  }
0x2b: {  	s6 =	sld [smem:$0x3FAE]  }
0x2c: {  	s7 =	sld [smem:$0x3FAF]  }
0x2d: {  	s3 =	simm.s32 $0x108;
	s8 =	sld [smem:$0x3FB0]  }
0x2e: {  	s3 =	simm.s32 @!p0 $0x1082;
	s9 =	sld [smem:$0x3FB1]  }
0x2f: {  	lr =	sadd.s32 s0, s3;
	s0 =	sld [smem:$0x3FA8]  }
0x30: {  	s3 =	sld [smem:$0x3FAB]  }
0x31: {  	[smem:$0x3FB4] =	sst s10  }
0x32: {  	s10 =	sld [smem:$0x3FB2];
	_ =	sdelay $0x3  }
0x33: {  	p0 =	seq.s32 s10, $0x1;
	s10 =	sld [smem:$0x3FB4];
	_ =	sdelay $0x3  }
0x34: {  	[smem:$0x3FB4] =	sst s10  }
0x35: {  	s10 =	sld [smem:$0x3FB3];
	_ =	sdelay $0x3  }
0x36: {  	p1 =	seq.s32 s10, $0x1;
	s10 =	sld [smem:$0x3FB4];
	_ =	sdelay $0x3  }
0x37: {  	[smem:$0x3FB4] =	sst s10  }
0x38: {  	s10 =	sld [smem:$0x3FB5]  }
0x39: {  	_ = 	snop;
	(pc) =	sbr.ind lr, $3  }
0x3a: {  	_ = 	snop  }
0x3b: {  	_ = 	snop  }
0x3c: {  	p2 =	seq.s32 s10, $0x1;
	s10 =	sld [smem:$0x3FB4]  }
0x3d: {  	_ =	shalt  }
0x3e: {  	_ =	shalt  }
0x3f: {  	_ =	shalt  }
0x40: {  	_ =	shalt  }
0x41: {  	_ =	shalt  }
0x42: {  	_ =	shalt  }
0x43: {  	_ =	shalt  }
0x44: {  	_ =	shalt  }
0x45: {  	_ =	shalt  }
0x46: {  	_ =	shalt  }
0x47: {  	_ =	shalt  }
0x48: {  	_ =	shalt  }
0x49: {  	_ =	shalt  }
0x4a: {  	_ =	shalt  }
0x4b: {  	_ =	shalt  }
0x4c: {  	_ =	shalt  }
0x4d: {  	_ =	shalt  }
0x4e: {  	_ =	shalt  }
0x4f: {  	_ =	shalt  }
0x50: {  	_ =	shalt  }
0x51: {  	_ =	shalt  }
0x52: {  	_ =	shalt  }
0x53: {  	_ =	shalt  }
0x54: {  	_ =	shalt  }
0x55: {  	_ =	shalt  }
0x56: {  	_ =	shalt  }
0x57: {  	_ =	shalt  }
0x58: {  	_ =	shalt  }
0x59: {  	_ =	shalt  }
0x5a: {  	_ =	shalt  }
0x5b: {  	_ =	shalt  }
0x5c: {  	_ =	shalt  }
0x5d: {  	_ =	shalt  }
0x5e: {  	_ =	shalt  }
0x5f: {  	_ =	shalt  }
0x60: {  	_ =	shalt  }
0x61: {  	_ =	shalt  }
0x62: {  	_ =	shalt  }
0x63: {  	_ =	shalt  }
0x64: {  	_ =	shalt  }
0x65: {  	_ =	shalt  }
0x66: {  	_ =	shalt  }
0x67: {  	_ =	shalt  }
0x68: {  	_ =	shalt  }
0x69: {  	_ =	shalt  }
0x6a: {  	_ =	shalt  }
0x6b: {  	_ =	shalt  }
0x6c: {  	_ =	shalt  }
0x6d: {  	_ =	shalt  }
0x6e: {  	_ =	shalt  }
0x6f: {  	_ =	shalt  }
0x70: {  	_ =	shalt  }
0x71: {  	_ =	shalt  }
0x72: {  	_ =	shalt  }
0x73: {  	_ =	shalt  }
0x74: {  	_ =	shalt  }
0x75: {  	_ =	shalt  }
0x76: {  	_ =	shalt  }
0x77: {  	_ =	shalt  }
0x78: {  	_ =	shalt  }
0x79: {  	_ =	shalt  }
0x7a: {  	_ =	shalt  }
0x7b: {  	_ =	shalt  }
0x7c: {  	_ =	shalt  }
0x7d: {  	_ =	shalt  }
0x7e: {  	_ =	shalt  }
0x7f: {  	_ =	shalt  }
0x80: {  	_ =	shalt  }
0x81: {  	_ =	shalt  }
0x82: {  	_ =	shalt  }
0x83: {  	_ =	shalt  }
0x84: {  	_ =	shalt  }
0x85: {  	_ =	shalt  }
0x86: {  	_ =	shalt  }
0x87: {  	_ =	shalt  }
.Lfunc_end0:
.L_simem_size_0:
called_computation.1_lowered:
.L_overlay_start_0:
0x88: {  	s2 =	sld [smem:$0x3FD9]  }
0x89: {  	s3 =	sld [smem:$0x3FFE];
	_ =	sdelay $0x1  }
0x8a: {  	s1 =	srdreg.scid  }
0x8b: {  	s0 =	sand.u32 $0x1, s1  }
0x8c: {  	s16 =	sshll.u32 s0, $0xA;
	s2 =	sadd.s32 s3, s2  }
0x8d: {  	s2 =	sadd.s32 s2, s16  }
0x8e: {  	[smem:$0x3FC0] =	sst s2  }
0x8f: {  	_ = 	snop  }
0x90: {  	(tm) =	ssettm $0x1  }
0x91: {  	s17 =	sld [smem:$0x3FFB];
	_ =	sdelay $0x3  }
0x92: {  	_ =	strace s17  }
0x93: {  	s2 =	sld [smem:$0x3FFC];
	_ =	sdelay $0x3  }
0x94: {  	_ =	strace s2  }
0x95: {  	s2 =	sld [smem:$0x3FFD];
	_ =	sdelay $0x3  }
0x96: {  	_ =	strace s2  }
0x97: {  	_ =	strace $0x8FFFFFFF  }
0x98: {  	s18 =	sld [smem:$0x3FDB];
	_ =	sdelay $0x1  }
0x99: {  	s19 =	simm.s32 $_scs_section_size  }
0x9a: {  	s4 =	simm.s32 $_size__tile_overlayer_lowered;
	s5 =	simm.s32 $_tile_overlayer_lowered  }
0x9b: {  	s22 =	simm.s32 $0x1BFF;
	s21 =	sshll.u32 s5, $0x1;
	s2 =	sadd.s32 s19, s18  }
0x9c: {  	s6 =	simm.s32 $0x0;
	s20 =	sshll.u32 s4, $0x1;
	s4 =	sadd.s32 s21, s2  }
0x9d: {  	[timem:s6], [sflag:s22] =	dma.local [hbm:s4], s20  }
0x9e: {  	_ =	swait.ge [sflag:s22], s20  }
0x9f: {  	s3 =	ssub.s32 $0x0, s20;
	[sflag:s22] =	ssyncset.done $0x0  }
0xa0: {  	[sflag:s22] =	ssyncadd.s32 s3;
	_ =	sdelay $0x1  }
0xa1: {  	s23 =	simm.s32 $0x1B8B  }
0xa2: {  	_ =	swait.ge [sflag:s23], $0x1  }
0xa3: {  	[sflag:s23] =	ssyncset.done $0x0  }
0xa4: {  	s25 =	simm.s32 $0x1B8E;
	s24 =	sld [smem:$0x3FFE];
	[sflag:s23] =	ssyncadd.s32 $0xFFFFFFFF  }
0xa5: {  	s26 =	simm.s32 $execute0_lowered;
	[smem:$0x3FD2] =	sst s25  }
0xa6: {  	s4 =	sshll.u32 s26, $0x1;
	_ =	strace $0x80000049;
	[dreg:$0x1] =	wrdreg $0xFFFFFFFF  }
0xa7: {  	s28 =	simm.s32 $_size_execute0_lowered;
	s2 =	sadd.s32 s2, s4;
	[dreg:$0x0] =	wrdreg $0x0  }
0xa8: {  	s4 =	sshll.u32 s28, $0x1;
	[dreg:$0x2] =	wrdreg s2  }
0xa9: {  	[dreg:$0x3] =	wrdreg s4  }
0xaa: {  	[dreg:$0x4] =	wrdreg $0xC0  }
0xab: {  	_ =	task [dreg:s6], $0x5FFFF  }
0xac: {  	[dreg:$0x1] =	wrdreg $0xFFFFFFFF  }
0xad: {  	[dreg:$0x0] =	wrdreg $0x60  }
0xae: {  	[dreg:$0x2] =	wrdreg s24  }
0xaf: {  	[dreg:$0x3] =	wrdreg $0x9  }
0xb0: {  	_ =	task.clear_ibuf [dreg:s6], $0x4FFFF;
	_ =	strace $0x90000049  }
0xb1: {  	s29 =	simm.s32 $0x9;
	_ =	strace $0x8000004B  }
0xb2: {  	_ =	swait.ge [sflag:s29], $0x1  }
0xb3: {  	[sflag:s29] =	ssyncadd.s32 $0xFFFFFFFF  }
0xb4: {  	_ =	strace $0x9000004B  }
0xb5: {  	_ =	sfence  }
0xb6: {  	s30 =	sld [smem:$0x0];
	_ =	sdelay $0x2  }
0xb7: {  	s31 =	sshll.u32 s1, $0xD;
	s1 =	sshrl.u32 s1, $0x2  }
0xb8: {  	s3 =	sand.u32 $0x4000, s31;
	s1 =	sadd.s32 s1, s30  }
0xb9: {  	s0 =	sor.u32 s3, s0;
	s1 =	sshll.u32 s1, $0x11  }
0xba: {  	s0 =	sor.u32 s1, s0  }
0xbb: {  	s0 =	sadd.s32 $0x8F2B, s0  }
0xbc: {  	[sflag:s0] =	ssyncadd.remote.s32 $0x1  }
0xbd: {  	_ =	sfence.sel $0xFFFF  }
0xbe: {  	[dreg:$0x0] =	wrdreg $0xFFFFFFFF;
	(pc) =	sbr.abs _section_cstart, $3  }
0xbf: {  	[dreg:$0x1] =	wrdreg $0xFFFFFFFF  }
0xc0: {  	_ =	task.clear_ibuf [dreg:s6], $0x2FFFF;
	_ =	strace $0x9FFFFFFF  }
0xc1: {  	(tm) =	ssettm $0x7FFFFFFF  }
tec
execute0_lowered:
.L_overlay_start_1:
0x0: {  	(tag) =	ssettag $0x1  }
0x1: {  	s0 =	srdreg.scid;
	s4 =	rddreg [dreg:$0x0];
	s2 =	simm.s32 $0x0  }
0x2: {  	s10 =	simm.s32 $0x1;
	s11 =	simm.s32 $0x2800;
	s3 =	sand.u32 $0x1, s0  }
0x3: {  	s12 =	simm.s32 $0x5000;
	s0 =	stileid.u32;
	s1 =	sshll.u32 s3, $0x4  }
0x4: {  	s13 =	simm.s32 $0x6400;
	s14 =	simm.s32 $0x7800;
	s5 =	sor.u32 s0, s1  }
0x5: {  	s15 =	simm.s32 $0xA000;
	s16 =	simm.s32 $0x0;
	s6 =	smul.u32 $0x1400, s5  }
0x6: {  	[smem:$0x7FF] =	sst s2;
	s3 =	ssub.s32 $0x2, s3;
	s5 =	smul.u32 $0x2800, s5  }
0x7: {  	s1 =	rddreg [dreg:$0x1];
	_ =	strace $0x8000004A;
	s31 =	sshrl.u32 s3, $0x1  }
0x8: {  	s9 =	ssub.s32 s3, s31;
	s6 =	sshrl.u32 s6, $0x3;
	s5 =	sshrl.u32 s5, $0x3  }
0x9: {  	s9 =	smax.u32 s9, $0x1;
	s6 =	sadd.s32 s6, s4;
	s8 =	sadd.s32 s5, s4  }
0xa: {  	s3 =	sadd.s32 $0x24A00, s8;
	s4 =	sadd.s32 $0x2EA00, s8;
	s5 =	sadd.s32 $0x38A00, s6  }
0xb: {  	s6 =	sadd.s32 $0x3DA00, s6;
	s7 =	sadd.s32 $0x42A00, s8;
	s8 =	sadd.s32 $0x4CA00, s8  }
.LBB2_1:
0xc: {  	[tilespmem:s2], [sflag:$0x1] =	stream.linear.gather [hbm4b:s3+s2], $0x2800, $0x38;
	[tilespmem:$0xC800] =	vst v63  }
0xd: {  	_ =	swait.ge [sflag:s10], $0x2800  }
0xe: {  	[sflag:s10] =	ssyncset.done $0x0  }
0xf: {  	[sflag:s10] =	ssyncadd.s32 $0xFFFFD800  }
0x10: {  	[tilespmem:s11], [sflag:$0x1] =	stream.linear.gather [hbm4b:s4+s2], $0x2800, $0x38;
	[tilespmem:$0xC800] =	vst v63  }
0x11: {  	_ =	swait.ge [sflag:s10], $0x2800  }
0x12: {  	[sflag:s10] =	ssyncset.done $0x0  }
0x13: {  	[sflag:s10] =	ssyncadd.s32 $0xFFFFD800  }
0x14: {  	[tilespmem:s12], [sflag:$0x1] =	stream.linear.gather [hbm4b:s5+s2], $0x1400, $0x38;
	[tilespmem:$0xC800] =	vst v63  }
0x15: {  	_ =	swait.ge [sflag:s10], $0x1400  }
0x16: {  	[sflag:s10] =	ssyncset.done $0x0  }
0x17: {  	[sflag:s10] =	ssyncadd.s32 $0xFFFFEC00  }
0x18: {  	[tilespmem:s13], [sflag:$0x1] =	stream.linear.gather [hbm4b:s6+s2], $0x1400, $0x38;
	[tilespmem:$0xC800] =	vst v63  }
0x19: {  	_ =	swait.ge [sflag:s10], $0x1400  }
0x1a: {  	[sflag:s10] =	ssyncset.done $0x0  }
0x1b: {  	[sflag:s10] =	ssyncadd.s32 $0xFFFFEC00  }
0x1c: {  	[tilespmem:s14], [sflag:$0x1] =	stream.linear.gather [hbm4b:s7+s2], $0x2800, $0x38;
	[tilespmem:$0xC800] =	vst v63  }
0x1d: {  	_ =	swait.ge [sflag:s10], $0x2800  }
0x1e: {  	[sflag:s10] =	ssyncset.done $0x0  }
0x1f: {  	s17 =	simm.s32 $0x6420;
	[sflag:s10] =	ssyncadd.s32 $0xFFFFD800  }
0x20: {  	s18 =	simm.s32 $0x5020;
	v0 =	vld [tilespmem:s17+$0xFFFFFFE0]  }
0x21: {  	v1 =	vld [tilespmem:s18+$0xFFFFFFE0];
	_ =	sdelay $0x4  }
0x22: {  	v0 =	vadd.f32 v0, v1;
	_ =	sdelay $0x1  }
0x23: {  	v0 =	vmax.f32 v0, $1.000000000e+00  }
0x24: {  	s19 =	simm.s32 $0x0;
	(erf) = vrcp.f32 v0  }
0x25: {  	v2 =	vld [tilespmem:s19+$0x10]  }
0x26: {  	v3 =	vld [tilespmem:s19+$0x2800]  }
0x27: {  	v0 =	vld [tilespmem:s19+$0x2810]  }
0x28: {  	v1 =	vld [tilespmem:s19+$0x0];
	_ =	sdelay $0x2  }
0x29: {  	v4 =	vld [tilespmem:s19+$0x7810]  }
0x2a: {  	v5 =	vld [tilespmem:s19+$0x7800];
	v0 =	vadd.f32 v0, v2  }
0x2b: {  	v1 =	vadd.f32 v3, v1;
	v2 =	vpop (erf)  }
0x2c: {  	v0 =	vmul.f32 v0, v2  }
0x2d: {  	v1 =	vmul.f32 v2, v1  }
0x2e: {  	v0 =	vadd.f32 v0, v4  }
0x2f: {  	v1 =	vadd.f32 v1, v5  }
0x30: {  	v2 =	vmul.f32 $1.442695020e+00, v0  }
0x31: {  	v3 =	vmul.f32 $1.442695020e+00, v1  }
0x32: {  	(erf) = vpow2.f32 v2  }
0x33: {  	(erf) = vpow2.f32 v3;
	_ =	sdelay $0x7  }
0x34: {  	v6 =	vpop (erf)  }
0x35: {  	v6 =	vadd.f32 $-1.000000000e+00, v6;
	v8 =	vpop (erf)  }
0x36: {  	v8 =	vadd.f32 $-1.000000000e+00, v8  }
0x37: {  	v6 =	vmul.f32 $2.000000030e-01, v6  }
0x38: {  	vm0 =	vgt.f32 v0, $0.0e+00;
	v8 =	vmul.f32 $2.000000030e-01, v8  }
0x39: {  	vm11 =	vgt.f32 v1, $0.0e+00;
	v0 =	vsel vm0, v0, v6  }
0x3a: {  	v1 =	vsel vm11, v1, v8;
	[tilespmem:s19+$0xA010] =	vst v0  }
0x3b: {  	[tilespmem:s19+$0xA000] =	vst v1  }
0x3c: {  	v0 =	vld [tilespmem:s17+$0xFFFFFFF0]  }
0x3d: {  	v1 =	vld [tilespmem:s18+$0xFFFFFFF0];
	_ =	sdelay $0x4  }
0x3e: {  	v0 =	vadd.f32 v0, v1;
	_ =	sdelay $0x1  }
0x3f: {  	v0 =	vmax.f32 v0, $1.000000000e+00  }
0x40: {  	(erf) = vrcp.f32 v0  }
0x41: {  	v58 =	vld [tilespmem:s19+$0x30]  }
0x42: {  	v2 =	vld [tilespmem:s19+$0x20]  }
0x43: {  	v3 =	vld [tilespmem:s19+$0x2820]  }
0x44: {  	v0 =	vld [tilespmem:s19+$0x2830];
	_ =	sdelay $0x2  }
0x45: {  	v1 =	vld [tilespmem:s19+$0x7820]  }
0x46: {  	v2 =	vadd.f32 v3, v2;
	v3 =	vld [tilespmem:s19+$0x7830]  }
0x47: {  	v0 =	vadd.f32 v0, v58;
	v61 =	vpop (erf)  }
0x48: {  	v2 =	vmul.f32 v61, v2  }
0x49: {  	v0 =	vmul.f32 v0, v61  }
0x4a: {  	v1 =	vadd.f32 v2, v1  }
0x4b: {  	v0 =	vadd.f32 v0, v3  }
0x4c: {  	v2 =	vmul.f32 $1.442695020e+00, v1  }
0x4d: {  	v3 =	vmul.f32 $1.442695020e+00, v0  }
0x4e: {  	(erf) = vpow2.f32 v2  }
0x4f: {  	(erf) = vpow2.f32 v3;
	_ =	sdelay $0x7  }
0x50: {  	v2 =	vpop (erf)  }
0x51: {  	v2 =	vadd.f32 $-1.000000000e+00, v2;
	v3 =	vpop (erf)  }
0x52: {  	v3 =	vadd.f32 $-1.000000000e+00, v3  }
0x53: {  	v2 =	vmul.f32 $2.000000030e-01, v2  }
0x54: {  	vm12 =	vgt.f32 v1, $0.0e+00;
	v3 =	vmul.f32 $2.000000030e-01, v3  }
0x55: {  	vm13 =	vgt.f32 v0, $0.0e+00;
	v1 =	vsel vm12, v1, v2  }
0x56: {  	[tilespmem:s19+$0xA020] =	vst v1;
	v0 =	vsel vm13, v0, v3  }
0x57: {  	[tilespmem:s19+$0xA030] =	vst v0  }
0x58: {  	v0 =	vld [tilespmem:s18+$0x0]  }
0x59: {  	v1 =	vld [tilespmem:s17+$0x0];
	_ =	sdelay $0x4  }
0x5a: {  	v0 =	vadd.f32 v1, v0;
	_ =	sdelay $0x1  }
0x5b: {  	v0 =	vmax.f32 v0, $1.000000000e+00  }
0x5c: {  	(erf) = vrcp.f32 v0  }
0x5d: {  	v59 =	vld [tilespmem:s19+$0x40]  }
0x5e: {  	v7 =	vld [tilespmem:s19+$0x50]  }
0x5f: {  	v0 =	vld [tilespmem:s19+$0x2840]  }
0x60: {  	v9 =	vld [tilespmem:s19+$0x2850];
	_ =	sdelay $0x2  }
0x61: {  	v1 =	vld [tilespmem:s19+$0x7840]  }
0x62: {  	v2 =	vld [tilespmem:s19+$0x7850];
	v0 =	vadd.f32 v0, v59  }
0x63: {  	v3 =	vadd.f32 v9, v7;
	v62 =	vpop (erf)  }
0x64: {  	v0 =	vmul.f32 v62, v0  }
0x65: {  	v3 =	vmul.f32 v3, v62  }
0x66: {  	v0 =	vadd.f32 v0, v1  }
0x67: {  	v1 =	vadd.f32 v3, v2  }
0x68: {  	v2 =	vmul.f32 $1.442695020e+00, v0  }
0x69: {  	v3 =	vmul.f32 $1.442695020e+00, v1  }
0x6a: {  	(erf) = vpow2.f32 v2  }
0x6b: {  	(erf) = vpow2.f32 v3;
	_ =	sdelay $0x7  }
0x6c: {  	v2 =	vpop (erf)  }
0x6d: {  	v2 =	vadd.f32 $-1.000000000e+00, v2;
	v3 =	vpop (erf)  }
0x6e: {  	v3 =	vadd.f32 $-1.000000000e+00, v3  }
0x6f: {  	v2 =	vmul.f32 $2.000000030e-01, v2  }
0x70: {  	vm14 =	vgt.f32 v0, $0.0e+00;
	v3 =	vmul.f32 $2.000000030e-01, v3  }
0x71: {  	vm15 =	vgt.f32 v1, $0.0e+00;
	v0 =	vsel vm14, v0, v2  }
0x72: {  	[tilespmem:s19+$0xA040] =	vst v0;
	v0 =	vsel vm15, v1, v3  }
0x73: {  	[tilespmem:s19+$0xA050] =	vst v0  }
0x74: {  	v0 =	vld [tilespmem:s18+$0x10]  }
0x75: {  	v1 =	vld [tilespmem:s17+$0x10];
	_ =	sdelay $0x4  }
0x76: {  	v0 =	vadd.f32 v1, v0;
	_ =	sdelay $0x1  }
0x77: {  	v0 =	vmax.f32 v0, $1.000000000e+00  }
0x78: {  	(erf) = vrcp.f32 v0  }
0x79: {  	v10 =	vld [tilespmem:s19+$0x60]  }
0x7a: {  	v11 =	vld [tilespmem:s19+$0x2860]  }
0x7b: {  	v60 =	vld [tilespmem:s19+$0x70]  }
0x7c: {  	v0 =	vld [tilespmem:s19+$0x2870];
	_ =	sdelay $0x2  }
0x7d: {  	v1 =	vld [tilespmem:s19+$0x7860]  }
0x7e: {  	v2 =	vadd.f32 v11, v10;
	v3 =	vld [tilespmem:s19+$0x7870]  }
0x7f: {  	v0 =	vadd.f32 v0, v60;
	v63 =	vpop (erf)  }
0x80: {  	v2 =	vmul.f32 v63, v2  }
0x81: {  	v0 =	vmul.f32 v0, v63  }
0x82: {  	v1 =	vadd.f32 v2, v1  }
0x83: {  	v0 =	vadd.f32 v0, v3  }
0x84: {  	v2 =	vmul.f32 $1.442695020e+00, v1  }
0x85: {  	v3 =	vmul.f32 $1.442695020e+00, v0  }
0x86: {  	(erf) = vpow2.f32 v2  }
0x87: {  	s20 =	simm.s32 $0x200;
	(erf) = vpow2.f32 v3  }
.LBB2_2:
0x88: {  	_ =	sdelay $0x4  }
0x89: {  	p0 =	sne.s32 s20, $0x9E00;
	s18 =	sadd.s32 $0x40, s18;
	s17 =	sadd.s32 $0x40, s17  }
0x8a: {  	s21 =	smov.u32 s20;
	s20 =	sadd.s32 $0x200, s20  }
0x8b: {  	v2 =	vpop (erf)  }
0x8c: {  	v2 =	vadd.f32 $-1.000000000e+00, v2;
	v3 =	vpop (erf)  }
0x8d: {  	v3 =	vadd.f32 $-1.000000000e+00, v3  }
0x8e: {  	v2 =	vmul.f32 $2.000000030e-01, v2  }
0x8f: {  	vm0 =	vgt.f32 v1, $0.0e+00;
	vm1 =	vgt.f32 v0, $0.0e+00;
	v3 =	vmul.f32 $2.000000030e-01, v3  }
0x90: {  	v1 =	vsel vm0, v1, v2  }
0x91: {  	[tilespmem:s19+$0xA060] =	vst v1;
	v0 =	vsel vm1, v0, v3  }
0x92: {  	[tilespmem:s19+$0xA070] =	vst v0  }
0x93: {  	v0 =	vld [tilespmem:s17+$0xFFFFFFE0]  }
0x94: {  	v1 =	vld [tilespmem:s18+$0xFFFFFFE0];
	_ =	sdelay $0x4  }
0x95: {  	v0 =	vadd.f32 v0, v1;
	_ =	sdelay $0x1  }
0x96: {  	v0 =	vmax.f32 v0, $1.000000000e+00;
	_ =	sdelay $0x1  }
0x97: {  	s19 =	sshra.s32 s21, $0x2;
	(erf) = vrcp.f32 v0  }
0x98: {  	v0 =	vld [tilespmem:s19+$0x2810]  }
0x99: {  	v1 =	vld [tilespmem:s19+$0x0]  }
0x9a: {  	v2 =	vld [tilespmem:s19+$0x10]  }
0x9b: {  	v3 =	vld [tilespmem:s19+$0x2800]  }
0x9c: {  	v4 =	vld [tilespmem:s19+$0x20]  }
0x9d: {  	v5 =	vld [tilespmem:s19+$0x2820]  }
0x9e: {  	v6 =	vld [tilespmem:s19+$0x7810]  }
0x9f: {  	v7 =	vld [tilespmem:s19+$0x7800];
	v0 =	vadd.f32 v0, v2  }
0xa0: {  	v1 =	vadd.f32 v3, v1;
	v8 =	vld [tilespmem:s19+$0x30];
	v3 =	vpop (erf)  }
0xa1: {  	v0 =	vmul.f32 v0, v3;
	v2 =	vld [tilespmem:s19+$0x40]  }
0xa2: {  	v1 =	vmul.f32 v3, v1;
	v4 =	vadd.f32 v5, v4;
	v3 =	vld [tilespmem:s19+$0x50]  }
0xa3: {  	v5 =	vadd.f32 v0, v6;
	v6 =	vld [tilespmem:s19+$0x2850]  }
0xa4: {  	v7 =	vadd.f32 v1, v7;
	v1 =	vld [tilespmem:s19+$0x60]  }
0xa5: {  	v9 =	vmul.f32 $1.442695020e+00, v5;
	v10 =	vld [tilespmem:s19+$0x2860]  }
0xa6: {  	v11 =	vmul.f32 $1.442695020e+00, v7;
	v0 =	vld [tilespmem:s19+$0x70]  }
0xa7: {  	(erf) = vpow2.f32 v9  }
0xa8: {  	v3 =	vadd.f32 v6, v3;
	(erf) = vpow2.f32 v11;
	_ =	sdelay $0x1  }
0xa9: {  	v1 =	vadd.f32 v10, v1;
	_ =	sdelay $0x5  }
0xaa: {  	v6 =	vpop (erf)  }
0xab: {  	v6 =	vadd.f32 $-1.000000000e+00, v6;
	v9 =	vpop (erf)  }
0xac: {  	v9 =	vadd.f32 $-1.000000000e+00, v9  }
0xad: {  	v6 =	vmul.f32 $2.000000030e-01, v6  }
0xae: {  	vm0 =	vgt.f32 v5, $0.0e+00;
	v9 =	vmul.f32 $2.000000030e-01, v9  }
0xaf: {  	vm1 =	vgt.f32 v7, $0.0e+00;
	v5 =	vsel vm0, v5, v6  }
0xb0: {  	v6 =	vsel vm1, v7, v9;
	[tilespmem:s19+$0xA010] =	vst v5  }
0xb1: {  	[tilespmem:s19+$0xA000] =	vst v6  }
0xb2: {  	v5 =	vld [tilespmem:s17+$0xFFFFFFF0]  }
0xb3: {  	v6 =	vld [tilespmem:s18+$0xFFFFFFF0];
	_ =	sdelay $0x4  }
0xb4: {  	v5 =	vadd.f32 v5, v6;
	_ =	sdelay $0x1  }
0xb5: {  	v5 =	vmax.f32 v5, $1.000000000e+00  }
0xb6: {  	(erf) = vrcp.f32 v5;
	_ =	sdelay $0x2  }
0xb7: {  	v5 =	vld [tilespmem:s19+$0x2830];
	_ =	sdelay $0x2  }
0xb8: {  	v6 =	vld [tilespmem:s19+$0x7830]  }
0xb9: {  	v7 =	vld [tilespmem:s19+$0x7820]  }
0xba: {  	v5 =	vadd.f32 v5, v8  }
0xbb: {  	v8 =	vpop (erf)  }
0xbc: {  	v4 =	vmul.f32 v8, v4;
	v5 =	vmul.f32 v5, v8;
	_ =	sdelay $0x1  }
0xbd: {  	v4 =	vadd.f32 v4, v7;
	v5 =	vadd.f32 v5, v6;
	_ =	sdelay $0x1  }
0xbe: {  	v6 =	vmul.f32 $1.442695020e+00, v4;
	v7 =	vmul.f32 $1.442695020e+00, v5;
	_ =	sdelay $0x1  }
0xbf: {  	(erf) = vpow2.f32 v6  }
0xc0: {  	(erf) = vpow2.f32 v7;
	_ =	sdelay $0x7  }
0xc1: {  	v6 =	vpop (erf)  }
0xc2: {  	v6 =	vadd.f32 $-1.000000000e+00, v6;
	v7 =	vpop (erf)  }
0xc3: {  	v7 =	vadd.f32 $-1.000000000e+00, v7  }
0xc4: {  	v6 =	vmul.f32 $2.000000030e-01, v6  }
0xc5: {  	vm0 =	vgt.f32 v4, $0.0e+00;
	v7 =	vmul.f32 $2.000000030e-01, v7  }
0xc6: {  	v4 =	vsel vm0, v4, v6;
	vm0 =	vgt.f32 v5, $0.0e+00  }
0xc7: {  	[tilespmem:s19+$0xA020] =	vst v4;
	v4 =	vsel vm0, v5, v7  }
0xc8: {  	[tilespmem:s19+$0xA030] =	vst v4  }
0xc9: {  	v4 =	vld [tilespmem:s18+$0x0]  }
0xca: {  	v5 =	vld [tilespmem:s17+$0x0];
	_ =	sdelay $0x4  }
0xcb: {  	v4 =	vadd.f32 v5, v4;
	_ =	sdelay $0x1  }
0xcc: {  	v4 =	vmax.f32 v4, $1.000000000e+00  }
0xcd: {  	(erf) = vrcp.f32 v4;
	_ =	sdelay $0x2  }
0xce: {  	v4 =	vld [tilespmem:s19+$0x2840];
	_ =	sdelay $0x2  }
0xcf: {  	v5 =	vld [tilespmem:s19+$0x7850]  }
0xd0: {  	v6 =	vld [tilespmem:s19+$0x7840]  }
0xd1: {  	v2 =	vadd.f32 v4, v2  }
0xd2: {  	v4 =	vpop (erf)  }
0xd3: {  	v2 =	vmul.f32 v4, v2;
	v3 =	vmul.f32 v3, v4;
	_ =	sdelay $0x1  }
0xd4: {  	v2 =	vadd.f32 v2, v6;
	v3 =	vadd.f32 v3, v5;
	_ =	sdelay $0x1  }
0xd5: {  	v4 =	vmul.f32 $1.442695020e+00, v2;
	v5 =	vmul.f32 $1.442695020e+00, v3;
	_ =	sdelay $0x1  }
0xd6: {  	(erf) = vpow2.f32 v4  }
0xd7: {  	(erf) = vpow2.f32 v5;
	_ =	sdelay $0x7  }
0xd8: {  	v4 =	vpop (erf)  }
0xd9: {  	v4 =	vadd.f32 $-1.000000000e+00, v4;
	v5 =	vpop (erf)  }
0xda: {  	v5 =	vadd.f32 $-1.000000000e+00, v5  }
0xdb: {  	v4 =	vmul.f32 $2.000000030e-01, v4  }
0xdc: {  	vm0 =	vgt.f32 v2, $0.0e+00;
	v5 =	vmul.f32 $2.000000030e-01, v5  }
0xdd: {  	v2 =	vsel vm0, v2, v4;
	vm0 =	vgt.f32 v3, $0.0e+00  }
0xde: {  	[tilespmem:s19+$0xA040] =	vst v2;
	v2 =	vsel vm0, v3, v5  }
0xdf: {  	[tilespmem:s19+$0xA050] =	vst v2  }
0xe0: {  	v2 =	vld [tilespmem:s18+$0x10]  }
0xe1: {  	v3 =	vld [tilespmem:s17+$0x10];
	_ =	sdelay $0x4  }
0xe2: {  	v2 =	vadd.f32 v3, v2;
	_ =	sdelay $0x1  }
0xe3: {  	v2 =	vmax.f32 v2, $1.000000000e+00  }
0xe4: {  	(erf) = vrcp.f32 v2;
	_ =	sdelay $0x2  }
0xe5: {  	v2 =	vld [tilespmem:s19+$0x2870];
	_ =	sdelay $0x2  }
0xe6: {  	v3 =	vld [tilespmem:s19+$0x7870]  }
0xe7: {  	v4 =	vld [tilespmem:s19+$0x7860]  }
0xe8: {  	v0 =	vadd.f32 v2, v0  }
0xe9: {  	v2 =	vpop (erf)  }
0xea: {  	v1 =	vmul.f32 v2, v1;
	v0 =	vmul.f32 v0, v2;
	_ =	sdelay $0x1  }
0xeb: {  	v1 =	vadd.f32 v1, v4;
	v0 =	vadd.f32 v0, v3  }
.Ltmp0:
0xec: {  	(pc) =	sbr.rel @p0 .LBB2_2-.Ltmp0, $3  }
0xed: {  	v2 =	vmul.f32 $1.442695020e+00, v1;
	v3 =	vmul.f32 $1.442695020e+00, v0;
	_ =	sdelay $0x1  }
0xee: {  	(erf) = vpow2.f32 v2  }
0xef: {  	(erf) = vpow2.f32 v3  }
0xf0: {  	_ =	sdelay $0x6  }
0xf1: {  	v2 =	vpop (erf)  }
0xf2: {  	v2 =	vadd.f32 $-1.000000000e+00, v2;
	v3 =	vpop (erf)  }
0xf3: {  	v3 =	vadd.f32 $-1.000000000e+00, v3  }
0xf4: {  	v2 =	vmul.f32 $2.000000030e-01, v2  }
0xf5: {  	vm0 =	vgt.f32 v1, $0.0e+00;
	v3 =	vmul.f32 $2.000000030e-01, v3  }
0xf6: {  	vm1 =	vgt.f32 v0, $0.0e+00;
	s16 =	sadd.s32 $0x1, s16;
	v1 =	vsel vm0, v1, v2  }
0xf7: {  	p0 =	sne.s32 s16, s9;
	[tilespmem:s19+$0xA060] =	vst v1;
	v0 =	vsel vm1, v0, v3  }
.Ltmp1:
0xf8: {  	[tilespmem:s19+$0xA070] =	vst v0;
	(pc) =	sbr.rel @p0 .LBB2_1-.Ltmp1, $4  }
0xf9: {  	[hbm4b:s8+s2] =	stream.linear.scatter [tilespmem:s15], [sflag:$0x1], $0x2800, $0x38;
	[tilespmem:$0xC800] =	vst v63  }
0xfa: {  	_ =	swait.ge [sflag:s10], $0x2800  }
0xfb: {  	[sflag:s10] =	ssyncset.done $0x0  }
0xfc: {  	[sflag:s10] =	ssyncadd.s32 $0xFFFFD800  }
0xfd: {  	_ =	sfence.sel $0x180000  }
0xfe: {  	[bflag:$0x0] =	sbarrier.arrive $0xFFFF  }
0xff: {  	p0 =	sne.s32 s0, $0x0;
	_ =	strace $0x9000004A  }
0x100: {  	s0 =	sadd.s32 @!p0 $0x100000, s1;
	[bflag:$0x2] =	sbarrier.arrive $0xFFFF  }
0x101: {  	[sflag:s0] =	ssyncadd.tile.s32 @!p0 $0x1;
	_ =	shalt  }
.Lfunc_end2:
_tile_overlayer_lowered:
.L_overlay_start_2:
0x102: {  	(tag) =	ssettag $0x2  }
0x103: {  	s0 =	rddreg [dreg:$0x0];
	s2 =	stileid.u32  }
0x104: {  	s1 =	rddreg [dreg:$0x1];
	p0 =	sne.s32 s2, $0x0  }
0x105: {  	s3 =	rddreg [dreg:$0x2];
	[bflag:$0x3] =	sbarrier.arrive $0xFFFF;
	s2 =	simm.s32 @!p0 $0x1C01  }
0x106: {  	[timem:s3], [sflag:s2] =	dma.local @!p0 [hbm:s0], s1  }
0x107: {  	s0 =	simm.s32 @!p0 $0x1  }
0x108: {  	_ =	swait.ge @!p0 [sflag:s0], s1  }
0x109: {  	s1 =	ssub.s32 @!p0 $0x0, s1;
	[sflag:s0] =	ssyncset.done @!p0 $0x0  }
0x10a: {  	[sflag:s0] =	ssyncadd.s32 @!p0 s1  }
0x10b: {  	[bflag:$0x3] =	sbarrier.arrive $0xFFFF  }
0x10c: {  	_ =	shalt  }

// kernel: kernel.14.cloned.1.call-start
scs
__scs_entry_jumppad:
0x0: {  	(pc) =	sbr.rel $0x88, $3  }
0x1: {  	(tag) =	ssettag $0x0;
	lr =	simm.s32 $0x1  }
0x2: {  	[smem:$0x3F99] =	sst lr;
	_ =	strace $0xD0000000  }
0x3: {  	_ = 	snop  }
0x4: {  	_ = 	snop  }
0x5: {  	_ = 	snop  }
0x6: {  	_ = 	snop  }
0x7: {  	_ = 	snop  }
__scs_overlays_trampoline_lowered:
0x8: {  	[smem:$0x3FA8] =	sst s0  }
0x9: {  	[smem:$0x3FA9] =	sst s1  }
0xa: {  	[smem:$0x3FAA] =	sst s2  }
0xb: {  	[smem:$0x3FAB] =	sst s3  }
0xc: {  	[smem:$0x3FAC] =	sst s4  }
0xd: {  	[smem:$0x3FAD] =	sst s5  }
0xe: {  	[smem:$0x3FAE] =	sst s6  }
0xf: {  	[smem:$0x3FAF] =	sst s7  }
0x10: {  	[smem:$0x3FB0] =	sst s8  }
0x11: {  	[smem:$0x3FB1] =	sst s9;
	s0 =	simm.s32 @!p0 $0x0  }
0x12: {  	s1 =	sld [smem:$0x3F97];
	s0 =	simm.s32 @p0 $0x1  }
0x13: {  	[smem:$0x3FB2] =	sst s0;
	s0 =	simm.s32 @!p1 $0x0  }
0x14: {  	s2 =	sld [smem:$0x3F96];
	s0 =	simm.s32 @p1 $0x1  }
0x15: {  	[smem:$0x3FB3] =	sst s0;
	s0 =	simm.s32 @!p2 $0x0  }
0x16: {  	s3 =	sld [smem:$0x3FDB];
	s0 =	simm.s32 @p2 $0x1  }
0x17: {  	s4 =	simm.s32 $0x1BF5;
	[smem:$0x3FB5] =	sst s0  }
0x18: {  	s0 =	sld [smem:$0x3F98];
	_ =	swait.ge [sflag:s4], $0x0  }
0x19: {  	s7 =	sld [smem:$0x3F99]  }
0x1a: {  	s8 =	sadd.s32 $0xFFFFE003, lr  }
0x1b: {  	s9 =	sadd.s32 $0xFFFFFEF7, lr;
	s5 =	simm.s32 $0xFFFFFFFF;
	p2 =	slt.u32 s8, $0xFFFFF086  }
0x1c: {  	p1 =	slt.u32 s9, $0xF7A;
	s5 =	simm.s32 @!p2 $0x0  }
0x1d: {  	s5 =	simm.s32 @p1 $0x1;
	p0 =	seq.s32 s7, s2  }
0x1e: {  	s7 =	smul.u32 @!p0 $0xF7A, s2;
	p2 =	seq.s32 @!p0 s5, $0x0  }
0x1f: {  	s9 =	smul.u32 $0xF7A, s1;
	s8 =	simm.s32 @!p0 $0x1BF5;
	p2 =	por !p2, p0  }
0x20: {  	[sflag:s8] =	ssyncset.s32 @!p0 $0xFFFFF086;
	s6 =	sadd.s32 @!p0 s3, s7;
	s7 =	simm.s32 @!p0 $0x108  }
0x21: {  	s3 =	sadd.s32 s3, s9;
	s6 =	sadd.s32 @!p0 $0x88, s6;
	s7 =	simm.s32 @p2 $0x1082  }
0x22: {  	[simem:s7], [sflag:s8] =	dma.local @!p0 [hbm:s6], $0xF7A  }
0x23: {  	s9 =	sor.u32 $0xD0000000, s2;
	s6 =	simm.s32 $0x108;
	_ =	swait.ge @!p0 [sflag:s8], $0x0  }
0x24: {  	s3 =	sadd.s32 $0x88, s3;
	s6 =	simm.s32 @!p1 $0x1082;
	[sflag:s4] =	ssyncset.s32 $0xFFFFF086  }
0x25: {  	[simem:s6], [sflag:s4] =	dma.local [hbm:s3], $0xF7A  }
0x26: {  	[smem:$0x3F99] =	sst s1;
	(tag) =	ssettag s2;
	_ =	strace s9  }
0x27: {  	s1 =	sld [smem:$0x3FA9]  }
0x28: {  	s2 =	sld [smem:$0x3FAA]  }
0x29: {  	s4 =	sld [smem:$0x3FAC]  }
0x2a: {  	p0 =	seq.s32 s5, $0x0;
	s5 =	sld [smem:$0x3FAD]  }
0x2b: {  	s6 =	sld [smem:$0x3FAE]  }
0x2c: {  	s7 =	sld [smem:$0x3FAF]  }
0x2d: {  	s3 =	simm.s32 $0x108;
	s8 =	sld [smem:$0x3FB0]  }
0x2e: {  	s3 =	simm.s32 @!p0 $0x1082;
	s9 =	sld [smem:$0x3FB1]  }
0x2f: {  	lr =	sadd.s32 s0, s3;
	s0 =	sld [smem:$0x3FA8]  }
0x30: {  	s3 =	sld [smem:$0x3FAB]  }
0x31: {  	[smem:$0x3FB4] =	sst s10  }
0x32: {  	s10 =	sld [smem:$0x3FB2];
	_ =	sdelay $0x3  }
0x33: {  	p0 =	seq.s32 s10, $0x1;
	s10 =	sld [smem:$0x3FB4];
	_ =	sdelay $0x3  }
0x34: {  	[smem:$0x3FB4] =	sst s10  }
0x35: {  	s10 =	sld [smem:$0x3FB3];
	_ =	sdelay $0x3  }
0x36: {  	p1 =	seq.s32 s10, $0x1;
	s10 =	sld [smem:$0x3FB4];
	_ =	sdelay $0x3  }
0x37: {  	[smem:$0x3FB4] =	sst s10  }
0x38: {  	s10 =	sld [smem:$0x3FB5]  }
0x39: {  	_ = 	snop;
	(pc) =	sbr.ind lr, $3  }
0x3a: {  	_ = 	snop  }
0x3b: {  	_ = 	snop  }
0x3c: {  	p2 =	seq.s32 s10, $0x1;
	s10 =	sld [smem:$0x3FB4]  }
0x3d: {  	_ =	shalt  }
0x3e: {  	_ =	shalt  }
0x3f: {  	_ =	shalt  }
0x40: {  	_ =	shalt  }
0x41: {  	_ =	shalt  }
0x42: {  	_ =	shalt  }
0x43: {  	_ =	shalt  }
0x44: {  	_ =	shalt  }
0x45: {  	_ =	shalt  }
0x46: {  	_ =	shalt  }
0x47: {  	_ =	shalt  }
0x48: {  	_ =	shalt  }
0x49: {  	_ =	shalt  }
0x4a: {  	_ =	shalt  }
0x4b: {  	_ =	shalt  }
0x4c: {  	_ =	shalt  }
0x4d: {  	_ =	shalt  }
0x4e: {  	_ =	shalt  }
0x4f: {  	_ =	shalt  }
0x50: {  	_ =	shalt  }
0x51: {  	_ =	shalt  }
0x52: {  	_ =	shalt  }
0x53: {  	_ =	shalt  }
0x54: {  	_ =	shalt  }
0x55: {  	_ =	shalt  }
0x56: {  	_ =	shalt  }
0x57: {  	_ =	shalt  }
0x58: {  	_ =	shalt  }
0x59: {  	_ =	shalt  }
0x5a: {  	_ =	shalt  }
0x5b: {  	_ =	shalt  }
0x5c: {  	_ =	shalt  }
0x5d: {  	_ =	shalt  }
0x5e: {  	_ =	shalt  }
0x5f: {  	_ =	shalt  }
0x60: {  	_ =	shalt  }
0x61: {  	_ =	shalt  }
0x62: {  	_ =	shalt  }
0x63: {  	_ =	shalt  }
0x64: {  	_ =	shalt  }
0x65: {  	_ =	shalt  }
0x66: {  	_ =	shalt  }
0x67: {  	_ =	shalt  }
0x68: {  	_ =	shalt  }
0x69: {  	_ =	shalt  }
0x6a: {  	_ =	shalt  }
0x6b: {  	_ =	shalt  }
0x6c: {  	_ =	shalt  }
0x6d: {  	_ =	shalt  }
0x6e: {  	_ =	shalt  }
0x6f: {  	_ =	shalt  }
0x70: {  	_ =	shalt  }
0x71: {  	_ =	shalt  }
0x72: {  	_ =	shalt  }
0x73: {  	_ =	shalt  }
0x74: {  	_ =	shalt  }
0x75: {  	_ =	shalt  }
0x76: {  	_ =	shalt  }
0x77: {  	_ =	shalt  }
0x78: {  	_ =	shalt  }
0x79: {  	_ =	shalt  }
0x7a: {  	_ =	shalt  }
0x7b: {  	_ =	shalt  }
0x7c: {  	_ =	shalt  }
0x7d: {  	_ =	shalt  }
0x7e: {  	_ =	shalt  }
0x7f: {  	_ =	shalt  }
0x80: {  	_ =	shalt  }
0x81: {  	_ =	shalt  }
0x82: {  	_ =	shalt  }
0x83: {  	_ =	shalt  }
0x84: {  	_ =	shalt  }
0x85: {  	_ =	shalt  }
0x86: {  	_ =	shalt  }
0x87: {  	_ =	shalt  }
.Lfunc_end0:
.L_simem_size_0:
called_computation.2_lowered:
.L_overlay_start_0:
0x88: {  	s2 =	sld [smem:$0x3FD9]  }
0x89: {  	s3 =	sld [smem:$0x3FFE];
	_ =	sdelay $0x1  }
0x8a: {  	s1 =	srdreg.scid  }
0x8b: {  	s0 =	sand.u32 $0x1, s1  }
0x8c: {  	s16 =	sshll.u32 s0, $0xA;
	s2 =	sadd.s32 s3, s2  }
0x8d: {  	s2 =	sadd.s32 s2, s16  }
0x8e: {  	[smem:$0x3FC0] =	sst s2  }
0x8f: {  	_ = 	snop  }
0x90: {  	(tm) =	ssettm $0x1  }
0x91: {  	s17 =	sld [smem:$0x3FFB];
	_ =	sdelay $0x3  }
0x92: {  	_ =	strace s17  }
0x93: {  	s2 =	sld [smem:$0x3FFC];
	_ =	sdelay $0x3  }
0x94: {  	_ =	strace s2  }
0x95: {  	s2 =	sld [smem:$0x3FFD];
	_ =	sdelay $0x3  }
0x96: {  	_ =	strace s2  }
0x97: {  	_ =	strace $0x8FFFFFFF  }
0x98: {  	s18 =	sld [smem:$0x3FDB];
	_ =	sdelay $0x1  }
0x99: {  	s19 =	simm.s32 $_scs_section_size  }
0x9a: {  	s4 =	simm.s32 $_size__tile_overlayer_lowered;
	s5 =	simm.s32 $_tile_overlayer_lowered  }
0x9b: {  	s22 =	simm.s32 $0x1BFF;
	s21 =	sshll.u32 s5, $0x1;
	s2 =	sadd.s32 s19, s18  }
0x9c: {  	s6 =	simm.s32 $0x0;
	s20 =	sshll.u32 s4, $0x1;
	s4 =	sadd.s32 s21, s2  }
0x9d: {  	[timem:s6], [sflag:s22] =	dma.local [hbm:s4], s20  }
0x9e: {  	_ =	swait.ge [sflag:s22], s20  }
0x9f: {  	s3 =	ssub.s32 $0x0, s20;
	[sflag:s22] =	ssyncset.done $0x0  }
0xa0: {  	[sflag:s22] =	ssyncadd.s32 s3;
	_ =	sdelay $0x1  }
0xa1: {  	s23 =	simm.s32 $0x1B8B  }
0xa2: {  	_ =	swait.ge [sflag:s23], $0x1  }
0xa3: {  	[sflag:s23] =	ssyncset.done $0x0  }
0xa4: {  	s25 =	simm.s32 $0x1B8E;
	s24 =	sld [smem:$0x3FFE];
	[sflag:s23] =	ssyncadd.s32 $0xFFFFFFFF  }
0xa5: {  	s26 =	simm.s32 $execute0_lowered;
	[smem:$0x3FD2] =	sst s25  }
0xa6: {  	s4 =	sshll.u32 s26, $0x1;
	_ =	strace $0x8000004C;
	[dreg:$0x1] =	wrdreg $0xFFFFFFFF  }
0xa7: {  	s28 =	simm.s32 $_size_execute0_lowered;
	s2 =	sadd.s32 s2, s4;
	[dreg:$0x0] =	wrdreg $0x0  }
0xa8: {  	s4 =	sshll.u32 s28, $0x1;
	[dreg:$0x2] =	wrdreg s2  }
0xa9: {  	[dreg:$0x3] =	wrdreg s4  }
0xaa: {  	[dreg:$0x4] =	wrdreg $0xC0  }
0xab: {  	_ =	task [dreg:s6], $0x5FFFF  }
0xac: {  	[dreg:$0x1] =	wrdreg $0xFFFFFFFF  }
0xad: {  	[dreg:$0x0] =	wrdreg $0x60  }
0xae: {  	[dreg:$0x2] =	wrdreg s24  }
0xaf: {  	[dreg:$0x3] =	wrdreg $0x5AA00  }
0xb0: {  	[dreg:$0x4] =	wrdreg $0x9  }
0xb1: {  	_ =	task.clear_ibuf [dreg:s6], $0x5FFFF;
	_ =	strace $0x9000004C  }
0xb2: {  	s29 =	simm.s32 $0x9;
	_ =	strace $0x8000004E  }
0xb3: {  	_ =	swait.ge [sflag:s29], $0x1  }
0xb4: {  	[sflag:s29] =	ssyncadd.s32 $0xFFFFFFFF  }
0xb5: {  	_ =	strace $0x9000004E  }
0xb6: {  	_ =	sfence  }
0xb7: {  	s30 =	sld [smem:$0x0];
	_ =	sdelay $0x2  }
0xb8: {  	s31 =	sshll.u32 s1, $0xD;
	s1 =	sshrl.u32 s1, $0x2  }
0xb9: {  	s3 =	sand.u32 $0x4000, s31;
	s1 =	sadd.s32 s1, s30  }
0xba: {  	s0 =	sor.u32 s3, s0;
	s1 =	sshll.u32 s1, $0x11  }
0xbb: {  	s0 =	sor.u32 s1, s0  }
0xbc: {  	s0 =	sadd.s32 $0x8F2B, s0  }
0xbd: {  	[sflag:s0] =	ssyncadd.remote.s32 $0x1  }
0xbe: {  	_ =	sfence.sel $0xFFFF  }
0xbf: {  	[dreg:$0x0] =	wrdreg $0xFFFFFFFF;
	(pc) =	sbr.abs _section_cstart, $3  }
0xc0: {  	[dreg:$0x1] =	wrdreg $0xFFFFFFFF  }
0xc1: {  	_ =	task.clear_ibuf [dreg:s6], $0x2FFFF;
	_ =	strace $0x9FFFFFFF  }
0xc2: {  	(tm) =	ssettm $0x7FFFFFFF  }
0xc3: {  	_ =	shalt  }
tec
execute0_lowered:
.L_overlay_start_1:
0x0: {  	(tag) =	ssettag $0x1  }
0x1: {  	s0 =	rddreg [dreg:$0x0]  }
0x2: {  	s2 =	rddreg [dreg:$0x1];
	s4 =	simm.s32 $0x0;
	s3 =	stileid.u32  }
0x3: {  	s1 =	srdreg.scid;
	s28 =	simm.s32 $0x27B0;
	s30 =	simm.s32 $0x3CA0  }
0x4: {  	s29 =	simm.s32 $0x50A0;
	s31 =	simm.s32 $0x6;
	[smem:$0x7FF] =	sst s4  }
0x5: {  	s6 =	smul.u32 $0x5000, s3;
	s1 =	sand.u32 $0x1, s1;
	s4 =	sadd.s32 $0x4CA00, s0  }
0x6: {  	s8 =	sadd.s32 $0x1E00, s0;
	s16 =	smul.u32 $0x2710, s3;
	s26 =	sshll.u32 s3, $0x6  }
0x7: {  	_ =	strace $0x8000004D;
	s5 =	smul.u32 $0x50000, s1;
	s7 =	sshll.u32 s1, $0x4  }
0x8: {  	s10 =	ssub.s32 $0x2, s1;
	s1 =	smul.u32 $0x27100, s1;
	s7 =	sor.u32 s3, s7  }
0x9: {  	s9 =	sshrl.u32 s6, $0x3;
	s13 =	sshrl.u32 s10, $0x1;
	s5 =	sadd.s32 s6, s5  }
0xa: {  	s7 =	smul.u32 $0x2710, s7;
	s9 =	sadd.s32 s9, s0;
	s10 =	ssub.s32 s10, s13  }
0xb: {  	s6 =	sadd.s32 s6, s2;
	s1 =	sadd.s32 s16, s1;
	s5 =	sshrl.u32 s5, $0x3  }
0xc: {  	s15 =	sadd.s32 $0x1AA00, s9;
	s21 =	sadd.s32 $0x4E4D0, s1;
	s22 =	smax.u32 s10, $0x1  }
0xd: {  	s23 =	sadd.s32 $0x4E430, s1;
	s24 =	sadd.s32 $0x4E3E0, s1;
	s9 =	sshrl.u32 s6, $0x3  }
0xe: {  	s6 =	simm.s32 $0xA;
	s0 =	sadd.s32 s5, s0;
	[dreg:$0x4] =	wrdreg s15  }
0xf: {  	s7 =	sshrl.u32 s7, $0x3;
	[dreg:$0xb] =	wrdreg s22;
	s25 =	sshrl.u32 s24, $0x3  }
0x10: {  	s24 =	simm.s32 $0x28A0;
	[dreg:$0xd] =	wrdreg s9;
	s14 =	sadd.s32 s8, s7  }
0x11: {  	s22 =	simm.s32 $0x0;
	s0 =	sadd.s32 $0x24A00, s0;
	[dreg:$0x3] =	wrdreg s14  }
0x12: {  	s7 =	sadd.s32 $0x4E480, s1;
	s17 =	sadd.s32 $0x9C40, s14;
	[dreg:$0xa] =	wrdreg s0  }
0x13: {  	s1 =	sadd.s32 $0x4E390, s1;
	s18 =	sadd.s32 $0x9C4A, s14;
	[dreg:$0x5] =	wrdreg s17  }
0x14: {  	s19 =	sadd.s32 $0x9C54, s14;
	s20 =	sadd.s32 $0x9C5E, s14;
	[dreg:$0x6] =	wrdreg s18  }
0x15: {  	s5 =	sadd.s32 $0x9C68, s14;
	s0 =	sshrl.u32 s21, $0x3;
	[dreg:$0x7] =	wrdreg s19  }
0x16: {  	s7 =	sshrl.u32 s7, $0x3;
	s1 =	sshrl.u32 s1, $0x3;
	[dreg:$0x8] =	wrdreg s20  }
0x17: {  	[dreg:$0x9] =	wrdreg s5;
	s14 =	sadd.s32 s0, s8;
	s15 =	sadd.s32 s7, s8  }
.Ltmp0:
0x18: {  	s0 =	sshrl.u32 s23, $0x3;
	s17 =	sadd.s32 s25, s8;
	(pc) =	sbr.rel .LBB2_1-.Ltmp0, $4  }
0x19: {  	s18 =	sadd.s32 s1, s8;
	s19 =	simm.s32 $0xB;
	s23 =	simm.s32 $0x50  }
0x1a: {  	s25 =	simm.s32 $0x2850;
	s1 =	simm.s32 $0x8;
	s7 =	simm.s32 $0x5  }
0x1b: {  	s5 =	simm.s32 $0x0;
	s16 =	sadd.s32 s0, s8;
	s8 =	sor.u32 $0x1C0B, s26  }
0x1c: {  	s0 =	simm.s32 $0x1;
	s26 =	simm.s32 $0x3;
	[dreg:$0xc] =	wrdreg s8  }
.LBB2_4:
0x1d: {  	[bflag:$0x0] =	sbarrier.arrive $0xFFFF  }
0x1e: {  	s3 =	rddreg [dreg:$0xa]  }
0x1f: {  	s8 =	rddreg [dreg:$0xc]  }
0x20: {  	s9 =	rddreg [dreg:$0xd]  }
0x21: {  	[hbm:s3], [sflag:s8] =	dma.local [spmem:s9], $0xA00  }
0x22: {  	_ =	swait.ge [sflag:s19], $0xA00  }
0x23: {  	s5 =	rddreg [dreg:$0xe]  }
0x24: {  	s21 =	rddreg [dreg:$0xb];
	s5 =	sadd.s32 $0x1, s5  }
0x25: {  	p0 =	sne.s32 s5, s21  }
.Ltmp1:
0x26: {  	_ = 	snop;
	(pc) =	sbr.rel @!p0 .LBB2_5-.Ltmp1, $3  }
0x27: {  	_ =	sdelay $0x1  }
0x28: {  	[sflag:s19] =	ssyncset.done $0x0  }
0x29: {  	[sflag:s19] =	ssyncadd.s32 $0xFFFFF600  }
.LBB2_1:
0x2a: {  	[dreg:$0xe] =	wrdreg s5  }
0x2b: {  	s3 =	simm.s32 $0x0;
	s21 =	rddreg [dreg:$0x3]  }
0x2c: {  	[tilespmem:s3], [sflag:$0xB] =	stream.linear.gather [hbm4b:s21+s3], $0x2710, $0x38;
	[tilespmem:$0xAAA0] =	vst v63  }
0x2d: {  	_ =	swait.ge [sflag:s19], $0x2710  }
0x2e: {  	[sflag:s19] =	ssyncset.done $0x0  }
0x2f: {  	s10 =	rddreg [dreg:$0x4];
	[sflag:s19] =	ssyncadd.s32 $0xFFFFD8F0  }
0x30: {  	[spmem:s9], [sflag:s8] =	dma.local [hbm:s10], $0xA00  }
0x31: {  	_ =	swait.ge [sflag:s19], $0xA00  }
0x32: {  	[sflag:s19] =	ssyncset.done $0x0  }
0x33: {  	[sflag:s19] =	ssyncadd.s32 $0xFFFFF600  }
0x34: {  	[bflag:$0x0] =	sbarrier.arrive $0xFFFF  }
0x35: {  	s12 =	simm.s32 $0x2710;
	s11 =	rddreg [dreg:$0x5]  }
0x36: {  	[tilespmem:s12], [sflag:$0x6] =	stream.linear.gather [hbm4b:s11+s3], $0x50, $0x38;
	[tilespmem:$0xAAA0] =	vst v63  }
0x37: {  	_ = 	snop  }
0x38: {  	[tilespmem:s24], [sflag:$0x1] =	stream.indirect.gather [hbm4b:s4+s23], $0x20, s3, s23, $0xb8;
	[tilespmem:$0xAAA0] =	vst v63  }
0x39: {  	s20 =	simm.s32 $0x2760;
	s13 =	rddreg [dreg:$0x6]  }
0x3a: {  	[tilespmem:s20], [sflag:$0x7] =	stream.linear.gather [hbm4b:s13+s3], $0x50, $0x38;
	[tilespmem:$0xAAA0] =	vst v63  }
0x3b: {  	s21 =	simm.s32 $0x32A0  }
0x3c: {  	[tilespmem:s21], [sflag:$0x2] =	stream.indirect.gather [hbm4b:s4+s23], $0x20, s23, s23, $0xb8;
	[tilespmem:$0xAAA0] =	vst v63  }
0x3d: {  	s8 =	rddreg [dreg:$0x7]  }
0x3e: {  	[tilespmem:s28], [sflag:$0x8] =	stream.linear.gather [hbm4b:s8+s3], $0x50, $0x38;
	[tilespmem:$0xAAA0] =	vst v63  }
0x3f: {  	s9 =	simm.s32 $0xA0  }
0x40: {  	[tilespmem:s30], [sflag:$0x3] =	stream.indirect.gather [hbm4b:s4+s23], $0x20, s9, s23, $0xb8;
	[tilespmem:$0xAAA0] =	vst v63  }
0x41: {  	s10 =	rddreg [dreg:$0x8];
	s11 =	simm.s32 $0x2800  }
0x42: {  	[tilespmem:s11], [sflag:$0x9] =	stream.linear.gather [hbm4b:s10+s3], $0x50, $0x38;
	[tilespmem:$0xAAA0] =	vst v63  }
0x43: {  	s12 =	simm.s32 $0xF0;
	s13 =	simm.s32 $0x46A0  }
0x44: {  	[tilespmem:s13], [sflag:$0x4] =	stream.indirect.gather [hbm4b:s4+s23], $0x20, s12, s23, $0xb8;
	[tilespmem:$0xAAA0] =	vst v63  }
0x45: {  	s20 =	rddreg [dreg:$0x9]  }
0x46: {  	[tilespmem:s25], [sflag:$0xA] =	stream.linear.gather [hbm4b:s20+s3], $0x50, $0x38;
	[tilespmem:$0xAAA0] =	vst v63  }
0x47: {  	s21 =	simm.s32 $0x140;
	s9 =	simm.s32 $0x2D0;
	s10 =	simm.s32 $0x0  }
0x48: {  	[tilespmem:s29], [sflag:$0x5] =	stream.indirect.gather [hbm4b:s4+s23], $0x20, s21, s23, $0xb8;
	[tilespmem:$0xAAA0] =	vst v63  }
.LBB2_2:
0x49: {  	_ =	swait.ge [sflag:s31], $0x50  }
0x4a: {  	[sflag:s31] =	ssyncset.done $0x0  }
0x4b: {  	[sflag:s31] =	ssyncadd.s32 $0xFFFFFFB0  }
0x4c: {  	_ =	swait.ge [sflag:s0], $0xA00  }
0x4d: {  	[sflag:s0] =	ssyncset.done $0x0  }
0x4e: {  	s3 =	simm.s32 $0x2710;
	[sflag:s0] =	ssyncadd.s32 $0xFFFFF600  }
0x4f: {  	[spmem:s2] =	stream.indirect.scatter.add.f32 [tilespmem:s24], [sflag:$0xB], $0x20, s3, s23, $0xb8;
	[tilespmem:$0xAAA0] =	vst v63  }
0x50: {  	_ =	swait.ge [sflag:s19], $0xA00  }
0x51: {  	p0 =	seq.s32 s10, $0x4B0;
	[sflag:s19] =	ssyncset.done $0x0  }
0x52: {  	s11 =	simm.s32 @p0 $0x7;
	[sflag:s19] =	ssyncadd.s32 $0xFFFFF600  }
0x53: {  	_ =	swait.ge @p0 [sflag:s11], $0x50  }
0x54: {  	[sflag:s11] =	ssyncset.done @p0 $0x0  }
0x55: {  	[sflag:s11] =	ssyncadd.s32 @p0 $0xFFFFFFB0;
	s11 =	simm.s32 @p0 $0x2  }
0x56: {  	_ =	swait.ge @p0 [sflag:s11], $0xA00  }
0x57: {  	s13 =	simm.s32 @p0 $0x50;
	s12 =	simm.s32 @p0 $0x32A0;
	[sflag:s11] =	ssyncset.done @p0 $0x0  }
0x58: {  	s5 =	simm.s32 @p0 $0xB;
	[sflag:s11] =	ssyncadd.s32 @p0 $0xFFFFF600;
	s11 =	simm.s32 @p0 $0x2760  }
0x59: {  	[spmem:s2] =	stream.indirect.scatter.add.f32 @p0 [tilespmem:s12], [sflag:$0xB], $0x20, s11, s13, $0xb8;
	[tilespmem:$0xAAA0] =	vst v63  }
0x5a: {  	_ =	swait.ge @p0 [sflag:s5], $0xA00  }
0x5b: {  	s20 =	simm.s32 @!p0 $0x2710;
	[sflag:s5] =	ssyncset.done @p0 $0x0  }
0x5c: {  	s12 =	sadd.s32 @!p0 s10, s18;
	s11 =	simm.s32 @!p0 $0x0;
	[sflag:s5] =	ssyncadd.s32 @p0 $0xFFFFF600  }
0x5d: {  	[tilespmem:s20], [sflag:$0x6] =	stream.linear.gather @!p0 [hbm4b:s12+s11], $0x50, $0x38;
	[tilespmem:$0xAAA0] =	vst v63  }
0x5e: {  	s21 =	simm.s32 @!p0 $0x28A0;
	s20 =	sadd.s32 @!p0 $0xFFFFFEC0, s9;
	s12 =	simm.s32 @!p0 $0x50  }
0x5f: {  	[tilespmem:s21], [sflag:$0x1] =	stream.indirect.gather @!p0 [hbm4b:s4+s12], $0x20, s20, s12, $0xb8;
	[tilespmem:$0xAAA0] =	vst v63  }
0x60: {  	s20 =	simm.s32 @!p0 $0x7  }
0x61: {  	_ =	swait.ge @!p0 [sflag:s20], $0x50  }
0x62: {  	[sflag:s20] =	ssyncset.done @!p0 $0x0  }
0x63: {  	[sflag:s20] =	ssyncadd.s32 @!p0 $0xFFFFFFB0;
	s20 =	simm.s32 @!p0 $0x2  }
0x64: {  	_ =	swait.ge @!p0 [sflag:s20], $0xA00  }
0x65: {  	s8 =	simm.s32 @!p0 $0xB;
	[sflag:s20] =	ssyncset.done @!p0 $0x0  }
0x66: {  	s21 =	simm.s32 @!p0 $0x32A0;
	[sflag:s20] =	ssyncadd.s32 @!p0 $0xFFFFF600;
	s20 =	simm.s32 @!p0 $0x2760  }
0x67: {  	[spmem:s2] =	stream.indirect.scatter.add.f32 @!p0 [tilespmem:s21], [sflag:$0xB], $0x20, s20, s12, $0xb8;
	[tilespmem:$0xAAA0] =	vst v63  }
0x68: {  	_ =	swait.ge @!p0 [sflag:s8], $0xA00  }
0x69: {  	[sflag:s8] =	ssyncset.done @!p0 $0x0  }
0x6a: {  	s3 =	sadd.s32 @!p0 s10, s17;
	[sflag:s8] =	ssyncadd.s32 @!p0 $0xFFFFF600  }
0x6b: {  	[tilespmem:s20], [sflag:$0x7] =	stream.linear.gather @!p0 [hbm4b:s3+s11], $0x50, $0x38;
	[tilespmem:$0xAAA0] =	vst v63  }
0x6c: {  	s3 =	sadd.s32 @!p0 $0xFFFFFF10, s9  }
0x6d: {  	[tilespmem:s21], [sflag:$0x2] =	stream.indirect.gather @!p0 [hbm4b:s4+s12], $0x20, s3, s12, $0xb8;
	[tilespmem:$0xAAA0] =	vst v63  }
0x6e: {  	_ =	swait.ge [sflag:s1], $0x50  }
0x6f: {  	[sflag:s1] =	ssyncset.done $0x0  }
0x70: {  	[sflag:s1] =	ssyncadd.s32 $0xFFFFFFB0  }
0x71: {  	_ =	swait.ge [sflag:s26], $0xA00  }
0x72: {  	[sflag:s26] =	ssyncset.done $0x0  }
0x73: {  	[sflag:s26] =	ssyncadd.s32 $0xFFFFF600  }
0x74: {  	[spmem:s2] =	stream.indirect.scatter.add.f32 [tilespmem:s30], [sflag:$0xB], $0x20, s28, s23, $0xb8;
	[tilespmem:$0xAAA0] =	vst v63  }
0x75: {  	_ =	swait.ge [sflag:s19], $0xA00  }
0x76: {  	[sflag:s19] =	ssyncset.done $0x0  }
0x77: {  	s3 =	simm.s32 @p0 $0x9;
	[sflag:s19] =	ssyncadd.s32 $0xFFFFF600  }
0x78: {  	_ =	swait.ge @p0 [sflag:s3], $0x50  }
0x79: {  	[sflag:s3] =	ssyncset.done @p0 $0x0  }
0x7a: {  	[sflag:s3] =	ssyncadd.s32 @p0 $0xFFFFFFB0;
	s3 =	simm.s32 @p0 $0x4  }
0x7b: {  	_ =	swait.ge @p0 [sflag:s3], $0xA00  }
0x7c: {  	[sflag:s3] =	ssyncset.done @p0 $0x0  }
0x7d: {  	s20 =	simm.s32 @p0 $0x46A0;
	[sflag:s3] =	ssyncadd.s32 @p0 $0xFFFFF600;
	s3 =	simm.s32 @p0 $0x2800  }
0x7e: {  	[spmem:s2] =	stream.indirect.scatter.add.f32 @p0 [tilespmem:s20], [sflag:$0xB], $0x20, s3, s13, $0xb8;
	[tilespmem:$0xAAA0] =	vst v63  }
0x7f: {  	_ =	swait.ge @p0 [sflag:s5], $0xA00  }
0x80: {  	[sflag:s5] =	ssyncset.done @p0 $0x0  }
0x81: {  	s3 =	sadd.s32 @!p0 s10, s16;
	[sflag:s5] =	ssyncadd.s32 @p0 $0xFFFFF600;
	s5 =	simm.s32 @!p0 $0x27B0  }
0x82: {  	[tilespmem:s5], [sflag:$0x8] =	stream.linear.gather @!p0 [hbm4b:s3+s11], $0x50, $0x38;
	[tilespmem:$0xAAA0] =	vst v63  }
0x83: {  	s3 =	sadd.s32 @!p0 $0xFFFFFF60, s9;
	s5 =	simm.s32 @!p0 $0x3CA0  }
0x84: {  	[tilespmem:s5], [sflag:$0x3] =	stream.indirect.gather @!p0 [hbm4b:s4+s12], $0x20, s3, s12, $0xb8;
	[tilespmem:$0xAAA0] =	vst v63  }
0x85: {  	s3 =	simm.s32 @!p0 $0x9  }
0x86: {  	_ =	swait.ge @!p0 [sflag:s3], $0x50  }
0x87: {  	[sflag:s3] =	ssyncset.done @!p0 $0x0  }
0x88: {  	[sflag:s3] =	ssyncadd.s32 @!p0 $0xFFFFFFB0;
	s3 =	simm.s32 @!p0 $0x4  }
0x89: {  	_ =	swait.ge @!p0 [sflag:s3], $0xA00  }
0x8a: {  	[sflag:s3] =	ssyncset.done @!p0 $0x0  }
0x8b: {  	s5 =	simm.s32 @!p0 $0x46A0;
	[sflag:s3] =	ssyncadd.s32 @!p0 $0xFFFFF600;
	s3 =	simm.s32 @!p0 $0x2800  }
0x8c: {  	[spmem:s2] =	stream.indirect.scatter.add.f32 @!p0 [tilespmem:s5], [sflag:$0xB], $0x20, s3, s12, $0xb8;
	[tilespmem:$0xAAA0] =	vst v63  }
0x8d: {  	_ =	swait.ge @!p0 [sflag:s8], $0xA00  }
0x8e: {  	[sflag:s8] =	ssyncset.done @!p0 $0x0  }
0x8f: {  	[sflag:s8] =	ssyncadd.s32 @!p0 $0xFFFFF600;
	s8 =	sadd.s32 @!p0 s10, s15  }
0x90: {  	[tilespmem:s3], [sflag:$0x9] =	stream.linear.gather @!p0 [hbm4b:s8+s11], $0x50, $0x38;
	[tilespmem:$0xAAA0] =	vst v63  }
0x91: {  	s3 =	sadd.s32 @!p0 $0xFFFFFFB0, s9  }
0x92: {  	[tilespmem:s5], [sflag:$0x4] =	stream.indirect.gather @!p0 [hbm4b:s4+s12], $0x20, s3, s12, $0xb8;
	[tilespmem:$0xAAA0] =	vst v63  }
0x93: {  	_ =	swait.ge [sflag:s6], $0x50  }
0x94: {  	[sflag:s6] =	ssyncset.done $0x0  }
0x95: {  	[sflag:s6] =	ssyncadd.s32 $0xFFFFFFB0  }
0x96: {  	_ =	swait.ge [sflag:s7], $0xA00  }
0x97: {  	[sflag:s7] =	ssyncset.done $0x0  }
.Ltmp2:
0x98: {  	[sflag:s7] =	ssyncadd.s32 $0xFFFFF600;
	(pc) =	sbr.rel @p0 .LBB2_4-.Ltmp2, $4  }
0x99: {  	[spmem:s2] =	stream.indirect.scatter.add.f32 [tilespmem:s29], [sflag:$0xB], $0x20, s25, s23, $0xb8;
	[tilespmem:$0xAAA0] =	vst v63  }
0x9a: {  	_ =	swait.ge [sflag:s19], $0xA00  }
0x9b: {  	[sflag:s19] =	ssyncset.done $0x0  }
0x9c: {  	[sflag:s19] =	ssyncadd.s32 $0xFFFFF600  }
.Ltmp3:
0x9d: {  	s3 =	sadd.s32 s10, s14;
	(pc) =	sbr.rel .LBB2_2-.Ltmp3, $4  }
0x9e: {  	[tilespmem:s25], [sflag:$0xA] =	stream.linear.gather [hbm4b:s3+s22], $0x50, $0x38;
	[tilespmem:$0xAAA0] =	vst v63  }
0x9f: {  	_ = 	snop  }
0xa0: {  	[tilespmem:s29], [sflag:$0x5] =	stream.indirect.gather [hbm4b:s4+s23], $0x20, s9, s23, $0xb8;
	[tilespmem:$0xAAA0] =	vst v63  }
0xa1: {  	s10 =	sadd.s32 $0x32, s10;
	s9 =	sadd.s32 $0x190, s9  }
.LBB2_5:
0xa2: {  	_ =	sfence.sel $0x180000  }
0xa3: {  	[bflag:$0x0] =	sbarrier.arrive $0xFFFF  }
0xa4: {  	_ =	strace $0x9000004D  }
0xa5: {  	s0 =	stileid.u32;
	[bflag:$0x2] =	sbarrier.arrive $0xFFFF  }
0xa6: {  	p0 =	sne.s32 s0, $0x0;
	s0 =	rddreg [dreg:$0x2]  }
0xa7: {  	s0 =	sadd.s32 @!p0 $0x100000, s0  }
0xa8: {  	[sflag:s0] =	ssyncadd.tile.s32 @!p0 $0x1;
	_ =	shalt  }
.Lfunc_end2:
_tile_overlayer_lowered:
.L_overlay_start_2:
0xa9: {  	(tag) =	ssettag $0x2  }
0xaa: {  	s0 =	rddreg [dreg:$0x0];
	s2 =	stileid.u32  }
0xab: {  	s1 =	rddreg [dreg:$0x1];
	p0 =	sne.s32 s2, $0x0  }
0xac: {  	s3 =	rddreg [dreg:$0x2];
	[bflag:$0x3] =	sbarrier.arrive $0xFFFF;
	s2 =	simm.s32 @!p0 $0x1C0B  }
0xad: {  	[timem:s3], [sflag:s2] =	dma.local @!p0 [hbm:s0], s1  }
0xae: {  	s0 =	simm.s32 @!p0 $0xB  }
0xaf: {  	_ =	swait.ge @!p0 [sflag:s0], s1  }
0xb0: {  	s1 =	ssub.s32 @!p0 $0x0, s1;
	[sflag:s0] =	ssyncset.done @!p0 $0x0  }
0xb1: {  	[sflag:s0] =	ssyncadd.s32 @!p0 s1  }
0xb2: {  	[bflag:$0x3] =	sbarrier.arrive $0xFFFF  }
0xb3: {  	_ =	shalt  }

// kernel: kernel.8.cloned.1.call-start
scs
__scs_entry_jumppad:
0x0: {  	(pc) =	sbr.rel $0x88, $3  }
0x1: {  	(tag) =	ssettag $0x0;
	lr =	simm.s32 $0x1  }
0x2: {  	[smem:$0x3F99] =	sst lr;
	_ =	strace $0xD0000000  }
0x3: {  	_ = 	snop  }
0x4: {  	_ = 	snop  }
0x5: {  	_ = 	snop  }
0x6: {  	_ = 	snop  }
0x7: {  	_ = 	snop  }
__scs_overlays_trampoline_lowered:
0x8: {  	[smem:$0x3FA8] =	sst s0  }
0x9: {  	[smem:$0x3FA9] =	sst s1  }
0xa: {  	[smem:$0x3FAA] =	sst s2  }
0xb: {  	[smem:$0x3FAB] =	sst s3  }
0xc: {  	[smem:$0x3FAC] =	sst s4  }
0xd: {  	[smem:$0x3FAD] =	sst s5  }
0xe: {  	[smem:$0x3FAE] =	sst s6  }
0xf: {  	[smem:$0x3FAF] =	sst s7  }
0x10: {  	[smem:$0x3FB0] =	sst s8  }
0x11: {  	[smem:$0x3FB1] =	sst s9;
	s0 =	simm.s32 @!p0 $0x0  }
0x12: {  	s1 =	sld [smem:$0x3F97];
	s0 =	simm.s32 @p0 $0x1  }
0x13: {  	[smem:$0x3FB2] =	sst s0;
	s0 =	simm.s32 @!p1 $0x0  }
0x14: {  	s2 =	sld [smem:$0x3F96];
	s0 =	simm.s32 @p1 $0x1  }
0x15: {  	[smem:$0x3FB3] =	sst s0;
	s0 =	simm.s32 @!p2 $0x0  }
0x16: {  	s3 =	sld [smem:$0x3FDB];
	s0 =	simm.s32 @p2 $0x1  }
0x17: {  	s4 =	simm.s32 $0x1BF5;
	[smem:$0x3FB5] =	sst s0  }
0x18: {  	s0 =	sld [smem:$0x3F98];
	_ =	swait.ge [sflag:s4], $0x0  }
0x19: {  	s7 =	sld [smem:$0x3F99]  }
0x1a: {  	s8 =	sadd.s32 $0xFFFFE003, lr  }
0x1b: {  	s9 =	sadd.s32 $0xFFFFFEF7, lr;
	s5 =	simm.s32 $0xFFFFFFFF;
	p2 =	slt.u32 s8, $0xFFFFF086  }
0x1c: {  	p1 =	slt.u32 s9, $0xF7A;
	s5 =	simm.s32 @!p2 $0x0  }
0x1d: {  	s5 =	simm.s32 @p1 $0x1;
	p0 =	seq.s32 s7, s2  }
0x1e: {  	s7 =	smul.u32 @!p0 $0xF7A, s2;
	p2 =	seq.s32 @!p0 s5, $0x0  }
0x1f: {  	s9 =	smul.u32 $0xF7A, s1;
	s8 =	simm.s32 @!p0 $0x1BF5;
	p2 =	por !p2, p0  }
0x20: {  	[sflag:s8] =	ssyncset.s32 @!p0 $0xFFFFF086;
	s6 =	sadd.s32 @!p0 s3, s7;
	s7 =	simm.s32 @!p0 $0x108  }
0x21: {  	s3 =	sadd.s32 s3, s9;
	s6 =	sadd.s32 @!p0 $0x88, s6;
	s7 =	simm.s32 @p2 $0x1082  }
0x22: {  	[simem:s7], [sflag:s8] =	dma.local @!p0 [hbm:s6], $0xF7A  }
0x23: {  	s9 =	sor.u32 $0xD0000000, s2;
	s6 =	simm.s32 $0x108;
	_ =	swait.ge @!p0 [sflag:s8], $0x0  }
0x24: {  	s3 =	sadd.s32 $0x88, s3;
	s6 =	simm.s32 @!p1 $0x1082;
	[sflag:s4] =	ssyncset.s32 $0xFFFFF086  }
0x25: {  	[simem:s6], [sflag:s4] =	dma.local [hbm:s3], $0xF7A  }
0x26: {  	[smem:$0x3F99] =	sst s1;
	(tag) =	ssettag s2;
	_ =	strace s9  }
0x27: {  	s1 =	sld [smem:$0x3FA9]  }
0x28: {  	s2 =	sld [smem:$0x3FAA]  }
0x29: {  	s4 =	sld [smem:$0x3FAC]  }
0x2a: {  	p0 =	seq.s32 s5, $0x0;
	s5 =	sld [smem:$0x3FAD]  }
0x2b: {  	s6 =	sld [smem:$0x3FAE]  }
0x2c: {  	s7 =	sld [smem:$0x3FAF]  }
0x2d: {  	s3 =	simm.s32 $0x108;
	s8 =	sld [smem:$0x3FB0]  }
0x2e: {  	s3 =	simm.s32 @!p0 $0x1082;
	s9 =	sld [smem:$0x3FB1]  }
0x2f: {  	lr =	sadd.s32 s0, s3;
	s0 =	sld [smem:$0x3FA8]  }
0x30: {  	s3 =	sld [smem:$0x3FAB]  }
0x31: {  	[smem:$0x3FB4] =	sst s10  }
0x32: {  	s10 =	sld [smem:$0x3FB2];
	_ =	sdelay $0x3  }
0x33: {  	p0 =	seq.s32 s10, $0x1;
	s10 =	sld [smem:$0x3FB4];
	_ =	sdelay $0x3  }
0x34: {  	[smem:$0x3FB4] =	sst s10  }
0x35: {  	s10 =	sld [smem:$0x3FB3];
	_ =	sdelay $0x3  }
0x36: {  	p1 =	seq.s32 s10, $0x1;
	s10 =	sld [smem:$0x3FB4];
	_ =	sdelay $0x3  }
0x37: {  	[smem:$0x3FB4] =	sst s10  }
0x38: {  	s10 =	sld [smem:$0x3FB5]  }
0x39: {  	_ = 	snop;
	(pc) =	sbr.ind lr, $3  }
0x3a: {  	_ = 	snop  }
0x3b: {  	_ = 	snop  }
0x3c: {  	p2 =	seq.s32 s10, $0x1;
	s10 =	sld [smem:$0x3FB4]  }
0x3d: {  	_ =	shalt  }
0x3e: {  	_ =	shalt  }
0x3f: {  	_ =	shalt  }
0x40: {  	_ =	shalt  }
0x41: {  	_ =	shalt  }
0x42: {  	_ =	shalt  }
0x43: {  	_ =	shalt  }
0x44: {  	_ =	shalt  }
0x45: {  	_ =	shalt  }
0x46: {  	_ =	shalt  }
0x47: {  	_ =	shalt  }
0x48: {  	_ =	shalt  }
0x49: {  	_ =	shalt  }
0x4a: {  	_ =	shalt  }
0x4b: {  	_ =	shalt  }
0x4c: {  	_ =	shalt  }
0x4d: {  	_ =	shalt  }
0x4e: {  	_ =	shalt  }
0x4f: {  	_ =	shalt  }
0x50: {  	_ =	shalt  }
0x51: {  	_ =	shalt  }
0x52: {  	_ =	shalt  }
0x53: {  	_ =	shalt  }
0x54: {  	_ =	shalt  }
0x55: {  	_ =	shalt  }
0x56: {  	_ =	shalt  }
0x57: {  	_ =	shalt  }
0x58: {  	_ =	shalt  }
0x59: {  	_ =	shalt  }
0x5a: {  	_ =	shalt  }
0x5b: {  	_ =	shalt  }
0x5c: {  	_ =	shalt  }
0x5d: {  	_ =	shalt  }
0x5e: {  	_ =	shalt  }
0x5f: {  	_ =	shalt  }
0x60: {  	_ =	shalt  }
0x61: {  	_ =	shalt  }
0x62: {  	_ =	shalt  }
0x63: {  	_ =	shalt  }
0x64: {  	_ =	shalt  }
0x65: {  	_ =	shalt  }
0x66: {  	_ =	shalt  }
0x67: {  	_ =	shalt  }
0x68: {  	_ =	shalt  }
0x69: {  	_ =	shalt  }
0x6a: {  	_ =	shalt  }
0x6b: {  	_ =	shalt  }
0x6c: {  	_ =	shalt  }
0x6d: {  	_ =	shalt  }
0x6e: {  	_ =	shalt  }
0x6f: {  	_ =	shalt  }
0x70: {  	_ =	shalt  }
0x71: {  	_ =	shalt  }
0x72: {  	_ =	shalt  }
0x73: {  	_ =	shalt  }
0x74: {  	_ =	shalt  }
0x75: {  	_ =	shalt  }
0x76: {  	_ =	shalt  }
0x77: {  	_ =	shalt  }
0x78: {  	_ =	shalt  }
0x79: {  	_ =	shalt  }
0x7a: {  	_ =	shalt  }
0x7b: {  	_ =	shalt  }
0x7c: {  	_ =	shalt  }
0x7d: {  	_ =	shalt  }
0x7e: {  	_ =	shalt  }
0x7f: {  	_ =	shalt  }
0x80: {  	_ =	shalt  }
0x81: {  	_ =	shalt  }
0x82: {  	_ =	shalt  }
0x83: {  	_ =	shalt  }
0x84: {  	_ =	shalt  }
0x85: {  	_ =	shalt  }
0x86: {  	_ =	shalt  }
0x87: {  	_ =	shalt  }
.Lfunc_end0:
.L_simem_size_0:
called_computation_lowered:
.L_overlay_start_0:
0x88: {  	s2 =	sld [smem:$0x3FD9]  }
0x89: {  	s3 =	sld [smem:$0x3FFE];
	_ =	sdelay $0x1  }
0x8a: {  	s1 =	srdreg.scid  }
0x8b: {  	s0 =	sand.u32 $0x1, s1  }
0x8c: {  	s17 =	sshll.u32 s0, $0xA;
	s2 =	sadd.s32 s3, s2  }
0x8d: {  	s2 =	sadd.s32 s2, s17  }
0x8e: {  	[smem:$0x3FC0] =	sst s2  }
0x8f: {  	_ = 	snop  }
0x90: {  	s2 =	sld [smem:$0x3FD0];
	(tm) =	ssettm $0x1  }
0x91: {  	s18 =	sld [smem:$0x3FFB];
	_ =	sdelay $0x3  }
0x92: {  	_ =	strace s18  }
0x93: {  	s3 =	sld [smem:$0x3FFC];
	_ =	sdelay $0x3  }
0x94: {  	_ =	strace s3  }
0x95: {  	s3 =	sld [smem:$0x3FFD];
	_ =	sdelay $0x3  }
0x96: {  	_ =	strace s3  }
0x97: {  	_ =	strace $0x8FFFFFFF  }
0x98: {  	s19 =	sld [smem:$0x3FDB];
	_ =	sdelay $0x1  }
0x99: {  	s4 =	simm.s32 $_scs_section_size  }
0x9a: {  	s5 =	simm.s32 $_size__tile_overlayer_lowered;
	s6 =	simm.s32 $_tile_overlayer_lowered  }
0x9b: {  	s22 =	simm.s32 $0x1BFF;
	s21 =	sshll.u32 s6, $0x1;
	s3 =	sadd.s32 s4, s19  }
0x9c: {  	s7 =	simm.s32 $0x0;
	s20 =	sshll.u32 s5, $0x1;
	s5 =	sadd.s32 s21, s3  }
0x9d: {  	[timem:s7], [sflag:s22] =	dma.local [hbm:s5], s20  }
0x9e: {  	_ =	swait.ge [sflag:s22], s20  }
0x9f: {  	s4 =	ssub.s32 $0x0, s20;
	[sflag:s22] =	ssyncset.done $0x0  }
0xa0: {  	[sflag:s22] =	ssyncadd.s32 s4;
	_ =	sdelay $0x1  }
0xa1: {  	s23 =	simm.s32 $0x1B8B  }
0xa2: {  	_ =	swait.ge [sflag:s23], $0x1  }
0xa3: {  	[sflag:s23] =	ssyncset.done $0x0  }
0xa4: {  	s25 =	simm.s32 $0x1B8E;
	s24 =	sld [smem:$0x3FFE];
	[sflag:s23] =	ssyncadd.s32 $0xFFFFFFFF  }
0xa5: {  	s26 =	simm.s32 $execute0_lowered;
	[smem:$0x3FD2] =	sst s25  }
0xa6: {  	s5 =	sshll.u32 s26, $0x1;
	_ =	strace $0x80000046;
	[dreg:$0x1] =	wrdreg $0xFFFFFFFF  }
0xa7: {  	s28 =	simm.s32 $_size_execute0_lowered;
	s3 =	sadd.s32 s3, s5;
	[dreg:$0x0] =	wrdreg $0x0  }
0xa8: {  	s5 =	sshll.u32 s28, $0x1;
	[dreg:$0x2] =	wrdreg s3  }
0xa9: {  	[dreg:$0x3] =	wrdreg s5  }
0xaa: {  	[dreg:$0x4] =	wrdreg $0xC0  }
0xab: {  	_ =	task [dreg:s7], $0x5FFFF  }
0xac: {  	[dreg:$0x1] =	wrdreg $0xFFFFFFFF  }
0xad: {  	[dreg:$0x0] =	wrdreg $0x60  }
0xae: {  	[dreg:$0x2] =	wrdreg s2  }
0xaf: {  	[dreg:$0x3] =	wrdreg s24  }
0xb0: {  	[dreg:$0x4] =	wrdreg $0x5FA00  }
0xb1: {  	[dreg:$0x5] =	wrdreg $0xAFA00  }
0xb2: {  	[dreg:$0x6] =	wrdreg $0x9  }
0xb3: {  	_ =	task.clear_ibuf [dreg:s7], $0x7FFFF;
	_ =	strace $0x90000046  }
0xb4: {  	s29 =	simm.s32 $0x9;
	_ =	strace $0x80000048  }
0xb5: {  	_ =	swait.ge [sflag:s29], $0x1  }
0xb6: {  	[sflag:s29] =	ssyncadd.s32 $0xFFFFFFFF  }
0xb7: {  	_ =	strace $0x90000048  }
0xb8: {  	_ =	sfence  }
0xb9: {  	s30 =	sld [smem:$0x0];
	_ =	sdelay $0x2  }
0xba: {  	s31 =	sshll.u32 s1, $0xD;
	s1 =	sshrl.u32 s1, $0x2  }
0xbb: {  	s3 =	sand.u32 $0x4000, s31;
	s1 =	sadd.s32 s1, s30  }
0xbc: {  	s0 =	sor.u32 s3, s0;
	s1 =	sshll.u32 s1, $0x11  }
0xbd: {  	s0 =	sor.u32 s1, s0  }
0xbe: {  	s0 =	sadd.s32 $0x8F2B, s0  }
0xbf: {  	[sflag:s0] =	ssyncadd.remote.s32 $0x1  }
0xc0: {  	_ =	sfence.sel $0xFFFF  }
0xc1: {  	[dreg:$0x0] =	wrdreg $0xFFFFFFFF;
	(pc) =	sbr.abs _section_cstart, $3  }
0xc2: {  	[dreg:$0x1] =	wrdreg $0xFFFFFFFF  }
0xc3: {  	_ =	task.clear_ibuf [dreg:s7], $0x2FFFF;
	_ =	strace $0x9FFFFFFF  }
0xc4: {  	(tm) =	ssettm $0x7FFFFFFF  }
0xc5: {  	_ =	shalt  }
tec
execute0_lowered:
.L_overlay_start_1:
0x0: {  	(tag) =	ssettag $0x1  }
0x1: {  	s1 =	rddreg [dreg:$0x0]  }
0x2: {  	s0 =	rddreg [dreg:$0x1]  }
0x3: {  	s3 =	rddreg [dreg:$0x2]  }
0x4: {  	s4 =	rddreg [dreg:$0x3];
	s2 =	simm.s32 $0x0  }
0x5: {  	s15 =	stileid.u32;
	s6 =	srdreg.scid;
	s29 =	simm.s32 $0x50  }
0x6: {  	s30 =	simm.s32 $0x4;
	[smem:$0x7FF] =	sst s2;
	s24 =	smul.u32 $0x5000, s15  }
0x7: {  	s5 =	smul.u32 $0x2800, s15;
	s6 =	sand.u32 $0x1, s6;
	s10 =	sadd.s32 $0x1E00, s0  }
0x8: {  	s13 =	sadd.s32 $0x15800, s0;
	_ =	strace $0x80000047;
	s9 =	smul.u32 $0x50000, s6  }
0x9: {  	s11 =	smul.u32 $0x28000, s6;
	s12 =	sshll.u32 s6, $0x4;
	[dreg:$0x5] =	wrdreg s13  }
0xa: {  	s25 =	ssub.s32 $0x2, s6;
	s28 =	smul.u32 $0x27100, s6;
	s6 =	simm.s32 $0xA  }
0xb: {  	s7 =	sshrl.u32 s24, $0x3;
	s8 =	sshrl.u32 s5, $0x3;
	s12 =	sor.u32 s15, s12  }
0xc: {  	s14 =	sshrl.u32 s25, $0x1;
	s2 =	sadd.s32 s24, s3;
	s7 =	sadd.s32 s7, s0  }
0xd: {  	s8 =	sadd.s32 s8, s0;
	s9 =	sadd.s32 s24, s9;
	s11 =	sadd.s32 s5, s11  }
0xe: {  	s12 =	smul.u32 $0x2710, s12;
	s26 =	ssub.s32 s25, s14;
	[dreg:$0x7] =	wrdreg s2  }
0xf: {  	s5 =	sadd.s32 s5, s4;
	s9 =	sshrl.u32 s9, $0x3;
	s11 =	sshrl.u32 s11, $0x3  }
0x10: {  	s31 =	sadd.s32 $0x1AA00, s7;
	[dreg:$0x9] =	wrdreg s5;
	s7 =	smul.u32 $0x2710, s15  }
0x11: {  	s13 =	sadd.s32 $0x15A00, s8;
	s23 =	smax.u32 s26, $0x1;
	[dreg:$0x8] =	wrdreg s31  }
0x12: {  	s8 =	simm.s32 $0x2760;
	s9 =	sadd.s32 s9, s0;
	[dreg:$0xa] =	wrdreg s13  }
0x13: {  	s0 =	sadd.s32 s11, s0;
	s12 =	sshrl.u32 s12, $0x3;
	[dreg:$0x12] =	wrdreg s23  }
0x14: {  	s11 =	simm.s32 $0x27B0;
	s13 =	simm.s32 $0x50A0;
	s12 =	sadd.s32 s10, s12  }
0x15: {  	s2 =	sadd.s32 s7, s28;
	s19 =	sadd.s32 $0x24A00, s9;
	s0 =	sadd.s32 $0x38A00, s0  }
0x16: {  	s7 =	simm.s32 $0xD;
	s9 =	simm.s32 $0x5;
	[dreg:$0x6] =	wrdreg s12  }
0x17: {  	s14 =	sadd.s32 $0x9C40, s12;
	s15 =	sadd.s32 $0x9C4A, s12;
	[dreg:$0x10] =	wrdreg s19  }
0x18: {  	s16 =	sadd.s32 $0x9C54, s12;
	s17 =	sadd.s32 $0x9C5E, s12;
	[dreg:$0x11] =	wrdreg s0  }
0x19: {  	s18 =	sadd.s32 $0x9C68, s12;
	s20 =	sadd.s32 $0x4E4D0, s2;
	[dreg:$0xb] =	wrdreg s14  }
0x1a: {  	s22 =	sadd.s32 $0x4E480, s2;
	s25 =	sadd.s32 $0x4E430, s2;
	[dreg:$0xc] =	wrdreg s15  }
0x1b: {  	s26 =	sadd.s32 $0x4E3E0, s2;
	s2 =	sadd.s32 $0x4E390, s2;
	[dreg:$0xd] =	wrdreg s16  }
0x1c: {  	s12 =	simm.s32 $0x2850;
	s19 =	simm.s32 $0x3;
	[dreg:$0xe] =	wrdreg s17  }
0x1d: {  	[dreg:$0xf] =	wrdreg s18;
	s21 =	sshrl.u32 s20, $0x3;
	s24 =	sshrl.u32 s22, $0x3  }
0x1e: {  	s5 =	sshrl.u32 s26, $0x3;
	s31 =	sshrl.u32 s2, $0x3;
	s26 =	simm.s32 $0x5AA0  }
0x1f: {  	s2 =	simm.s32 $0x2710;
	s14 =	simm.s32 $0xB;
	s15 =	simm.s32 $0x7  }
0x20: {  	s16 =	simm.s32 $0x2;
	s17 =	simm.s32 $0xC;
	s18 =	simm.s32 $0x8  }
0x21: {  	s20 =	simm.s32 $0xF;
	s22 =	simm.s32 $0x0;
	s0 =	sadd.s32 s21, s10  }
.Ltmp0:
0x22: {  	[dreg:$0x13] =	wrdreg s0;
	s0 =	sadd.s32 s24, s10;
	(pc) =	sbr.rel .LBB2_1-.Ltmp0, $4  }
0x23: {  	s28 =	sadd.s32 s5, s10;
	[dreg:$0x14] =	wrdreg s0;
	s0 =	sshrl.u32 s25, $0x3  }
0x24: {  	s5 =	simm.s32 $0x9;
	[dreg:$0x16] =	wrdreg s28;
	s0 =	sadd.s32 s0, s10  }
0x25: {  	s25 =	simm.s32 $0x10;
	[dreg:$0x15] =	wrdreg s0;
	s0 =	sadd.s32 s31, s10  }
0x26: {  	s10 =	simm.s32 $0x2800;
	[dreg:$0x17] =	wrdreg s0;
	s0 =	simm.s32 $0xE  }
.LBB2_4:
0x27: {  	[bflag:$0x0] =	sbarrier.arrive $0xFFFF  }
0x28: {  	s21 =	rddreg [dreg:$0x10]  }
0x29: {  	s22 =	rddreg [dreg:$0x19]  }
0x2a: {  	s23 =	rddreg [dreg:$0x1a]  }
0x2b: {  	[hbm:s21], [sflag:s22] =	dma.local [spmem:s23], $0xA00  }
0x2c: {  	_ =	swait.ge [sflag:s25], $0xA00  }
0x2d: {  	[sflag:s25] =	ssyncset.done $0x0;
	s23 =	rddreg [dreg:$0x11]  }
0x2e: {  	s24 =	rddreg [dreg:$0x1b];
	[sflag:s25] =	ssyncadd.s32 $0xFFFFF600  }
0x2f: {  	[hbm:s23], [sflag:s22] =	dma.local [spmem:s24], $0x500  }
0x30: {  	_ =	swait.ge [sflag:s25], $0x500  }
0x31: {  	s28 =	rddreg [dreg:$0x18]  }
0x32: {  	s31 =	rddreg [dreg:$0x12];
	s22 =	sadd.s32 $0x1, s28  }
0x33: {  	p0 =	sne.s32 s22, s31  }
.Ltmp1:
0x34: {  	_ = 	snop;
	(pc) =	sbr.rel @!p0 .LBB2_5-.Ltmp1, $3  }
0x35: {  	_ =	sdelay $0x1  }
0x36: {  	[sflag:s25] =	ssyncset.done $0x0  }
0x37: {  	[sflag:s25] =	ssyncadd.s32 $0xFFFFFB00  }
.LBB2_1:
0x38: {  	[dreg:$0x18] =	wrdreg s22  }
0x39: {  	s22 =	simm.s32 $0x0;
	s21 =	rddreg [dreg:$0x6]  }
0x3a: {  	[tilespmem:s22], [sflag:$0x10] =	stream.linear.gather [hbm4b:s21+s22], $0x2710, $0x38;
	[tilespmem:$0xD7A0] =	vst v63  }
0x3b: {  	s24 =	stileid.u32;
	_ =	swait.ge [sflag:s25], $0x2710  }
0x3c: {  	s21 =	sshll.u32 s24, $0x6;
	s28 =	rddreg [dreg:$0x7]  }
0x3d: {  	[sflag:s25] =	ssyncset.done $0x0;
	s31 =	rddreg [dreg:$0x8];
	s24 =	sshrl.u32 s28, $0x3  }
0x3e: {  	s23 =	sor.u32 $0x1C10, s21;
	[sflag:s25] =	ssyncadd.s32 $0xFFFFD8F0;
	[dreg:$0x1a] =	wrdreg s24  }
0x3f: {  	[spmem:s24], [sflag:s23] =	dma.local [hbm:s31], $0xA00  }
0x40: {  	_ =	swait.ge [sflag:s25], $0xA00;
	[dreg:$0x19] =	wrdreg s23  }
0x41: {  	s24 =	rddreg [dreg:$0x9]  }
0x42: {  	[sflag:s25] =	ssyncset.done $0x0;
	s31 =	rddreg [dreg:$0xa];
	s28 =	sshrl.u32 s24, $0x3  }
0x43: {  	[sflag:s25] =	ssyncadd.s32 $0xFFFFF600;
	[dreg:$0x1b] =	wrdreg s28  }
0x44: {  	[spmem:s28], [sflag:s23] =	dma.local [hbm:s31], $0x500  }
0x45: {  	_ =	swait.ge [sflag:s25], $0x500  }
0x46: {  	[sflag:s25] =	ssyncset.done $0x0  }
0x47: {  	s24 =	rddreg [dreg:$0x5];
	[sflag:s25] =	ssyncadd.s32 $0xFFFFFB00  }
0x48: {  	[tilespmem:s26], [sflag:$0x10] =	stream.linear.gather [hbm4b:s24+s22], $0x500, $0x38;
	[tilespmem:$0xD7A0] =	vst v63  }
0x49: {  	_ =	swait.ge [sflag:s25], $0x500  }
0x4a: {  	[sflag:s25] =	ssyncset.done $0x0  }
0x4b: {  	[sflag:s25] =	ssyncadd.s32 $0xFFFFFB00  }
0x4c: {  	[bflag:$0x0] =	sbarrier.arrive $0xFFFF  }
0x4d: {  	s28 =	rddreg [dreg:$0xb]  }
0x4e: {  	[tilespmem:s2], [sflag:$0x6] =	stream.linear.gather [hbm4b:s28+s22], $0x50, $0x38;
	[tilespmem:$0xD7A0] =	vst v63  }
0x4f: {  	s31 =	simm.s32 $0x28A0  }
0x50: {  	[tilespmem:s31], [sflag:$0x1] =	stream.indirect.gather [hbm4b:s1+s29], $0x20, s22, s29, $0xb8;
	[tilespmem:$0xD7A0] =	vst v63  }
0x51: {  	s2 =	rddreg [dreg:$0xc]  }
0x52: {  	[tilespmem:s8], [sflag:$0x7] =	stream.linear.gather [hbm4b:s2+s22], $0x50, $0x38;
	[tilespmem:$0xD7A0] =	vst v63  }
0x53: {  	s23 =	simm.s32 $0x32A0  }
0x54: {  	[tilespmem:s23], [sflag:$0x2] =	stream.indirect.gather [hbm4b:s1+s29], $0x20, s29, s29, $0xb8;
	[tilespmem:$0xD7A0] =	vst v63  }
0x55: {  	s24 =	rddreg [dreg:$0xd]  }
0x56: {  	[tilespmem:s11], [sflag:$0x8] =	stream.linear.gather [hbm4b:s24+s22], $0x50, $0x38;
	[tilespmem:$0xD7A0] =	vst v63  }
0x57: {  	s28 =	simm.s32 $0xA0;
	s31 =	simm.s32 $0x3CA0  }
0x58: {  	[tilespmem:s31], [sflag:$0x3] =	stream.indirect.gather [hbm4b:s1+s29], $0x20, s28, s29, $0xb8;
	[tilespmem:$0xD7A0] =	vst v63  }
0x59: {  	s11 =	rddreg [dreg:$0xe]  }
0x5a: {  	[tilespmem:s10], [sflag:$0x9] =	stream.linear.gather [hbm4b:s11+s22], $0x50, $0x38;
	[tilespmem:$0xD7A0] =	vst v63  }
0x5b: {  	s23 =	simm.s32 $0xF0;
	s24 =	simm.s32 $0x46A0  }
0x5c: {  	[tilespmem:s24], [sflag:$0x4] =	stream.indirect.gather [hbm4b:s1+s29], $0x20, s23, s29, $0xb8;
	[tilespmem:$0xD7A0] =	vst v63  }
0x5d: {  	s28 =	rddreg [dreg:$0xf]  }
0x5e: {  	[tilespmem:s12], [sflag:$0xA] =	stream.linear.gather [hbm4b:s28+s22], $0x50, $0x38;
	[tilespmem:$0xD7A0] =	vst v63  }
0x5f: {  	s21 =	simm.s32 $0x2D0;
	s31 =	simm.s32 $0x140  }
0x60: {  	[tilespmem:s13], [sflag:$0x5] =	stream.indirect.gather [hbm4b:s1+s29], $0x20, s31, s29, $0xb8;
	[tilespmem:$0xD7A0] =	vst v63  }
0x61: {  	s22 =	simm.s32 $0x0;
	s12 =	simm.s32 $0x2850;
	s13 =	simm.s32 $0x50A0  }
.LBB2_2:
0x62: {  	s2 =	simm.s32 $0x6  }
0x63: {  	_ =	swait.ge [sflag:s2], $0x50  }
0x64: {  	[sflag:s2] =	ssyncset.done $0x0  }
0x65: {  	s23 =	simm.s32 $0x2710;
	s8 =	simm.s32 $0x1;
	[sflag:s2] =	ssyncadd.s32 $0xFFFFFFB0  }
0x66: {  	[spmem:s4] =	stream.indirect.scatter.add.f32 [tilespmem:s26], [sflag:$0xB], $0x10, s23, s29, $0xb8;
	[tilespmem:$0xD7A0] =	vst v63  }
0x67: {  	_ =	swait.ge [sflag:s8], $0xA00  }
0x68: {  	[sflag:s8] =	ssyncset.done $0x0  }
0x69: {  	s24 =	simm.s32 $0x28A0;
	[sflag:s8] =	ssyncadd.s32 $0xFFFFF600  }
0x6a: {  	[spmem:s3] =	stream.indirect.scatter.add.f32 [tilespmem:s24], [sflag:$0x10], $0x20, s23, s29, $0xb8;
	[tilespmem:$0xD7A0] =	vst v63  }
0x6b: {  	_ =	swait.ge [sflag:s25], $0xA00  }
0x6c: {  	[sflag:s25] =	ssyncset.done $0x0  }
0x6d: {  	[sflag:s25] =	ssyncadd.s32 $0xFFFFF600  }
0x6e: {  	p0 =	seq.s32 s22, $0x4B0;
	_ =	swait.ge [sflag:s14], $0x500  }
0x6f: {  	s28 =	simm.s32 @!p0 $0x2710;
	[sflag:s14] =	ssyncset.done $0x0;
	s23 =	rddreg [dreg:$0x17]  }
0x70: {  	[sflag:s14] =	ssyncadd.s32 $0xFFFFFB00;
	s24 =	sadd.s32 @!p0 s22, s23;
	s23 =	simm.s32 @!p0 $0x0  }
0x71: {  	[tilespmem:s28], [sflag:$0x6] =	stream.linear.gather @!p0 [hbm4b:s24+s23], $0x50, $0x38;
	[tilespmem:$0xD7A0] =	vst v63  }
0x72: {  	s31 =	simm.s32 @!p0 $0x28A0;
	s24 =	sadd.s32 @!p0 $0xFFFFFEC0, s21;
	s28 =	simm.s32 @!p0 $0x50  }
0x73: {  	[tilespmem:s31], [sflag:$0x1] =	stream.indirect.gather @!p0 [hbm4b:s1+s28], $0x20, s24, s28, $0xb8;
	[tilespmem:$0xD7A0] =	vst v63  }
0x74: {  	_ =	swait.ge [sflag:s15], $0x50  }
0x75: {  	[sflag:s15] =	ssyncset.done $0x0  }
0x76: {  	s10 =	simm.s32 $0x2760;
	[sflag:s15] =	ssyncadd.s32 $0xFFFFFFB0  }
0x77: {  	[spmem:s4] =	stream.indirect.scatter.add.f32 [tilespmem:s26], [sflag:$0xC], $0x10, s10, s29, $0xb8;
	[tilespmem:$0xD7A0] =	vst v63  }
0x78: {  	_ =	swait.ge [sflag:s16], $0xA00  }
0x79: {  	[sflag:s16] =	ssyncset.done $0x0  }
0x7a: {  	s11 =	simm.s32 $0x32A0;
	[sflag:s16] =	ssyncadd.s32 $0xFFFFF600  }
0x7b: {  	[spmem:s3] =	stream.indirect.scatter.add.f32 [tilespmem:s11], [sflag:$0x10], $0x20, s10, s29, $0xb8;
	[tilespmem:$0xD7A0] =	vst v63  }
0x7c: {  	_ =	swait.ge [sflag:s25], $0xA00  }
0x7d: {  	[sflag:s25] =	ssyncset.done $0x0  }
0x7e: {  	[sflag:s25] =	ssyncadd.s32 $0xFFFFF600  }
0x7f: {  	_ =	swait.ge [sflag:s17], $0x500  }
0x80: {  	[sflag:s17] =	ssyncset.done $0x0;
	s24 =	rddreg [dreg:$0x16]  }
0x81: {  	s31 =	simm.s32 @!p0 $0x2760;
	[sflag:s17] =	ssyncadd.s32 $0xFFFFFB00;
	s24 =	sadd.s32 @!p0 s22, s24  }
0x82: {  	[tilespmem:s31], [sflag:$0x7] =	stream.linear.gather @!p0 [hbm4b:s24+s23], $0x50, $0x38;
	[tilespmem:$0xD7A0] =	vst v63  }
0x83: {  	s24 =	sadd.s32 @!p0 $0xFFFFFF10, s21;
	s31 =	simm.s32 @!p0 $0x32A0  }
0x84: {  	[tilespmem:s31], [sflag:$0x2] =	stream.indirect.gather @!p0 [hbm4b:s1+s28], $0x20, s24, s28, $0xb8;
	[tilespmem:$0xD7A0] =	vst v63  }
0x85: {  	_ =	swait.ge [sflag:s18], $0x50  }
0x86: {  	[sflag:s18] =	ssyncset.done $0x0  }
0x87: {  	s24 =	simm.s32 $0x27B0;
	[sflag:s18] =	ssyncadd.s32 $0xFFFFFFB0  }
0x88: {  	[spmem:s4] =	stream.indirect.scatter.add.f32 [tilespmem:s26], [sflag:$0xD], $0x10, s24, s29, $0xb8;
	[tilespmem:$0xD7A0] =	vst v63  }
0x89: {  	_ =	swait.ge [sflag:s19], $0xA00  }
0x8a: {  	[sflag:s19] =	ssyncset.done $0x0  }
0x8b: {  	s10 =	simm.s32 $0x3CA0;
	[sflag:s19] =	ssyncadd.s32 $0xFFFFF600  }
0x8c: {  	[spmem:s3] =	stream.indirect.scatter.add.f32 [tilespmem:s10], [sflag:$0x10], $0x20, s24, s29, $0xb8;
	[tilespmem:$0xD7A0] =	vst v63  }
0x8d: {  	_ =	swait.ge [sflag:s25], $0xA00  }
0x8e: {  	[sflag:s25] =	ssyncset.done $0x0  }
0x8f: {  	[sflag:s25] =	ssyncadd.s32 $0xFFFFF600  }
0x90: {  	_ =	swait.ge [sflag:s7], $0x500  }
0x91: {  	[sflag:s7] =	ssyncset.done $0x0;
	s24 =	rddreg [dreg:$0x15]  }
0x92: {  	s31 =	simm.s32 @!p0 $0x27B0;
	[sflag:s7] =	ssyncadd.s32 $0xFFFFFB00;
	s24 =	sadd.s32 @!p0 s22, s24  }
0x93: {  	[tilespmem:s31], [sflag:$0x8] =	stream.linear.gather @!p0 [hbm4b:s24+s23], $0x50, $0x38;
	[tilespmem:$0xD7A0] =	vst v63  }
0x94: {  	s24 =	sadd.s32 @!p0 $0xFFFFFF60, s21;
	s31 =	simm.s32 @!p0 $0x3CA0  }
0x95: {  	[tilespmem:s31], [sflag:$0x3] =	stream.indirect.gather @!p0 [hbm4b:s1+s28], $0x20, s24, s28, $0xb8;
	[tilespmem:$0xD7A0] =	vst v63  }
0x96: {  	_ =	swait.ge [sflag:s5], $0x50  }
0x97: {  	[sflag:s5] =	ssyncset.done $0x0  }
0x98: {  	s24 =	simm.s32 $0x2800;
	[sflag:s5] =	ssyncadd.s32 $0xFFFFFFB0  }
0x99: {  	[spmem:s4] =	stream.indirect.scatter.add.f32 [tilespmem:s26], [sflag:$0xE], $0x10, s24, s29, $0xb8;
	[tilespmem:$0xD7A0] =	vst v63  }
0x9a: {  	_ =	swait.ge [sflag:s30], $0xA00  }
0x9b: {  	[sflag:s30] =	ssyncset.done $0x0  }
0x9c: {  	s31 =	simm.s32 $0x46A0;
	[sflag:s30] =	ssyncadd.s32 $0xFFFFF600  }
0x9d: {  	[spmem:s3] =	stream.indirect.scatter.add.f32 [tilespmem:s31], [sflag:$0x10], $0x20, s24, s29, $0xb8;
	[tilespmem:$0xD7A0] =	vst v63  }
0x9e: {  	_ =	swait.ge [sflag:s25], $0xA00  }
0x9f: {  	[sflag:s25] =	ssyncset.done $0x0  }
0xa0: {  	[sflag:s25] =	ssyncadd.s32 $0xFFFFF600  }
0xa1: {  	_ =	swait.ge [sflag:s0], $0x500  }
0xa2: {  	[sflag:s0] =	ssyncset.done $0x0;
	s24 =	rddreg [dreg:$0x14]  }
0xa3: {  	s31 =	simm.s32 @!p0 $0x2800;
	[sflag:s0] =	ssyncadd.s32 $0xFFFFFB00;
	s24 =	sadd.s32 @!p0 s22, s24  }
0xa4: {  	[tilespmem:s31], [sflag:$0x9] =	stream.linear.gather @!p0 [hbm4b:s24+s23], $0x50, $0x38;
	[tilespmem:$0xD7A0] =	vst v63  }
0xa5: {  	s23 =	sadd.s32 @!p0 $0xFFFFFFB0, s21;
	s24 =	simm.s32 @!p0 $0x46A0  }
0xa6: {  	[tilespmem:s24], [sflag:$0x4] =	stream.indirect.gather @!p0 [hbm4b:s1+s28], $0x20, s23, s28, $0xb8;
	[tilespmem:$0xD7A0] =	vst v63  }
0xa7: {  	_ =	swait.ge [sflag:s6], $0x50  }
0xa8: {  	[sflag:s6] =	ssyncset.done $0x0  }
0xa9: {  	[sflag:s6] =	ssyncadd.s32 $0xFFFFFFB0  }
0xaa: {  	[spmem:s4] =	stream.indirect.scatter.add.f32 [tilespmem:s26], [sflag:$0xF], $0x10, s12, s29, $0xb8;
	[tilespmem:$0xD7A0] =	vst v63  }
0xab: {  	_ =	swait.ge [sflag:s9], $0xA00  }
0xac: {  	[sflag:s9] =	ssyncset.done $0x0  }
0xad: {  	[sflag:s9] =	ssyncadd.s32 $0xFFFFF600  }
0xae: {  	[spmem:s3] =	stream.indirect.scatter.add.f32 [tilespmem:s13], [sflag:$0x10], $0x20, s12, s29, $0xb8;
	[tilespmem:$0xD7A0] =	vst v63  }
0xaf: {  	_ =	swait.ge [sflag:s25], $0xA00  }
.Ltmp2:
0xb0: {  	[sflag:s25] =	ssyncset.done $0x0;
	(pc) =	sbr.rel @p0 .LBB2_4-.Ltmp2, $4  }
0xb1: {  	[sflag:s25] =	ssyncadd.s32 $0xFFFFF600  }
0xb2: {  	s2 =	simm.s32 $0x2710;
	s8 =	simm.s32 $0x2760;
	_ =	swait.ge [sflag:s20], $0x500  }
0xb3: {  	s11 =	simm.s32 $0x27B0;
	s10 =	simm.s32 $0x2800;
	[sflag:s20] =	ssyncset.done $0x0  }
0xb4: {  	s12 =	simm.s32 $0x2850;
	s13 =	simm.s32 $0x50A0;
	[sflag:s20] =	ssyncadd.s32 $0xFFFFFB00  }
0xb5: {  	s23 =	rddreg [dreg:$0x13]  }
.Ltmp3:
0xb6: {  	s24 =	simm.s32 $0x0;
	s23 =	sadd.s32 s22, s23;
	(pc) =	sbr.rel .LBB2_2-.Ltmp3, $4  }
0xb7: {  	[tilespmem:s12], [sflag:$0xA] =	stream.linear.gather [hbm4b:s23+s24], $0x50, $0x38;
	[tilespmem:$0xD7A0] =	vst v63  }
0xb8: {  	s22 =	sadd.s32 $0x32, s22  }
0xb9: {  	[tilespmem:s13], [sflag:$0x5] =	stream.indirect.gather [hbm4b:s1+s29], $0x20, s21, s29, $0xb8;
	[tilespmem:$0xD7A0] =	vst v63  }
0xba: {  	s12 =	simm.s32 $0x2850;
	s21 =	sadd.s32 $0x190, s21;
	s13 =	simm.s32 $0x50A0  }
.LBB2_5:
0xbb: {  	_ =	sfence.sel $0x180000  }
0xbc: {  	[bflag:$0x0] =	sbarrier.arrive $0xFFFF  }
0xbd: {  	_ =	strace $0x90000047  }
0xbe: {  	s0 =	stileid.u32;
	[bflag:$0x2] =	sbarrier.arrive $0xFFFF  }
0xbf: {  	p0 =	sne.s32 s0, $0x0;
	s0 =	rddreg [dreg:$0x4]  }
0xc0: {  	s0 =	sadd.s32 @!p0 $0x100000, s0  }
0xc1: {  	[sflag:s0] =	ssyncadd.tile.s32 @!p0 $0x1;
	_ =	shalt  }
.Lfunc_end2:
_tile_overlayer_lowered:
.L_overlay_start_2:
0xc2: {  	(tag) =	ssettag $0x2  }
0xc3: {  	s0 =	rddreg [dreg:$0x0];
	s2 =	stileid.u32  }
0xc4: {  	s1 =	rddreg [dreg:$0x1];
	p0 =	sne.s32 s2, $0x0  }
0xc5: {  	s3 =	rddreg [dreg:$0x2];
	[bflag:$0x3] =	sbarrier.arrive $0xFFFF;
	s2 =	simm.s32 @!p0 $0x1C10  }
0xc6: {  	[timem:s3], [sflag:s2] =	dma.local @!p0 [hbm:s0], s1  }
0xc7: {  	s0 =	simm.s32 @!p0 $0x10  }
0xc8: {  	_ =	swait.ge @!p0 [sflag:s0], s1  }
0xc9: {  	s1 =	ssub.s32 @!p0 $0x0, s1;
	[sflag:s0] =	ssyncset.done @!p0 $0x0  }
0xca: {  	[sflag:s0] =	ssyncadd.s32 @!p0 s1  }
0xcb: {  	[bflag:$0x3] =	sbarrier.arrive $0xFFFF  }
0xcc: {  	_ =	shalt  }

</sc_bundles>
